<compile_context>
chip_gen: v7x
topology: tpu7x:2x2x1
jax: 0.10.2.dev20260603
libtpu: 0.0.44.dev20260713+nightly
codegen_flags: <defaults>
</compile_context>

<pallas_src>
import functools

import jax
import jax.numpy as jnp
from jax import lax
from jax.experimental import pallas as pl
from jax.experimental.pallas import tpu as pltpu
from jax.experimental.pallas import tpu_sc as plsc

_N = 10000
_E = 320000
_NPAD = 10240
_CH = 80
_EROWS = _E // _CH
_DRPT = _EROWS // 32
_ACH = 125
_AROWS = _E // _ACH
_RPT = _AROWS // 16
_SL = _NPAD // 16
_RB = 2048
_H = 16
_O = 64

_mesh = plsc.VectorSubcoreMesh(core_axis_name="c", subcore_axis_name="s")
_sc_params = pltpu.CompilerParams(use_tc_tiling_on_sc=False)


@functools.partial(
    pl.kernel,
    out_type=jax.ShapeDtypeStruct((2, _NPAD), jnp.float32),
    mesh=_mesh,
    compiler_params=_sc_params,
    scratch_types=[
        pltpu.VMEM((_DRPT, _CH), jnp.int32),
        pltpu.VMEM((_CH,), jnp.float32),
        pltpu.VMEM((_SL,), jnp.float32),
        pltpu.VMEM_SHARED((_NPAD,), jnp.float32),
        pltpu.SemaphoreType.DMA,
    ],
)
def _deg_sc(dst_hbm, out_hbm, dst_v, ones_v, zero_v, acc_sh, dsem):
    c = lax.axis_index("c")
    s = lax.axis_index("s")

    def fill(i, _):
        zero_v[pl.ds(i * 16, 16)] = jnp.zeros((16,), jnp.float32)
        return _

    lax.fori_loop(0, _SL // 16, fill, None)
    for i in range(_CH // 16):
        ones_v[pl.ds(i * 16, 16)] = jnp.ones((16,), jnp.float32)
    pltpu.sync_copy(zero_v, acc_sh.at[pl.ds(s * _SL, _SL)])
    pltpu.sync_copy(dst_hbm.at[c * 16 + s], dst_v)
    plsc.subcore_barrier()

    for j in range(8):
        pltpu.async_copy(ones_v, acc_sh.at[dst_v.at[j]], dsem, add=True)

    def step(j, _):
        pltpu.make_async_copy(ones_v, acc_sh.at[dst_v.at[j]], dsem).wait()
        pltpu.async_copy(ones_v, acc_sh.at[dst_v.at[j + 8]], dsem, add=True)
        return _

    lax.fori_loop(0, _DRPT - 8, step, None)
    for j in range(8):
        pltpu.make_async_copy(ones_v, acc_sh.at[dst_v.at[j]], dsem).wait()
    plsc.subcore_barrier()
    pltpu.sync_copy(acc_sh.at[pl.ds(s * _SL, _SL)], out_hbm.at[c, pl.ds(s * _SL, _SL)])


def _make_agg(width, nbuf, gr):
    nch = _RPT // gr
    @functools.partial(
        pl.kernel,
        out_type=jax.ShapeDtypeStruct((2, _NPAD, width), jnp.float32),
        mesh=_mesh,
        compiler_params=_sc_params,
        scratch_types=[
            pltpu.VMEM((nch, gr * _ACH), jnp.int32),
            pltpu.VMEM((nch, gr * _ACH), jnp.int32),
        ]
        + [pltpu.VMEM((gr * _ACH, width), jnp.float32) for _ in range(nbuf)]
        + [pltpu.VMEM_SHARED((_NPAD, width), jnp.float32)]
        + [pltpu.SemaphoreType.DMA for _ in range(2 * nbuf)],
    )
    def agg(src_hbm, dst_hbm, msg_hbm, out_hbm, src_v, dst_v, *rest):
        bufs = rest[:nbuf]
        acc_sh = rest[nbuf]
        sgs = rest[nbuf + 1:2 * nbuf + 1]
        sss = rest[2 * nbuf + 1:]
        c = lax.axis_index("c")
        s = lax.axis_index("s")

        def zrow(i, _):
            for t in range(width // 16):
                bufs[0][i, pl.ds(t * 16, 16)] = jnp.zeros((16,), jnp.float32)
            return _

        lax.fori_loop(0, 80, zrow, None)
        zsrc = bufs[0].at[pl.ds(0, 80)]

        def zacc(k, _):
            pltpu.sync_copy(zsrc, acc_sh.at[pl.ds(s * _SL + k * 80, 80)])
            return _

        lax.fori_loop(0, _SL // 80, zacc, None)
        pltpu.sync_copy(src_hbm.at[s], src_v)
        pltpu.sync_copy(dst_hbm.at[s], dst_v)
        plsc.subcore_barrier()

        def sidx(ref, m):
            return ref.at[m]

        for b in range(nbuf):
            pltpu.async_copy(msg_hbm.at[c].at[sidx(src_v, b)], bufs[b], sgs[b])

        def outer(g, _):
            for b in range(nbuf):
                m = g * nbuf + b
                pltpu.make_async_copy(
                    msg_hbm.at[c].at[sidx(src_v, m)], bufs[b], sgs[b]
                ).wait()
                pltpu.async_copy(
                    bufs[b], acc_sh.at[sidx(dst_v, m)], sss[b], add=True
                )
            for b in range(nbuf):
                m = g * nbuf + b

                @pl.when(m + nbuf < nch)
                def _refill():
                    pltpu.make_async_copy(
                        bufs[b], acc_sh.at[sidx(dst_v, m)], sss[b]
                    ).wait()
                    pltpu.async_copy(
                        msg_hbm.at[c].at[sidx(src_v, m + nbuf)], bufs[b], sgs[b]
                    )

            return _

        lax.fori_loop(0, nch // nbuf, outer, None)
        for b in range(nbuf):
            m = nch - nbuf + b
            pltpu.make_async_copy(bufs[b], acc_sh.at[sidx(dst_v, m)], sss[b]).wait()
        plsc.subcore_barrier()
        pltpu.sync_copy(
            acc_sh.at[pl.ds(s * _SL, _SL)], out_hbm.at[c, pl.ds(s * _SL, _SL)]
        )

    return agg


_agg_h = _make_agg(_H, 4, 4)
_agg_o = _make_agg(_O, 5, 1)


def _norms_from_deg(deg_ref):
    deg = jnp.transpose(deg_ref[...], (1, 0))
    deg = deg[:, 0:1] + deg[:, 1:2]
    degc = jnp.maximum(deg, 1.0)
    return lax.rsqrt(degc), 1.0 / degc


def _norms(nrm_ref):
    return nrm_ref[:, 0:1], nrm_ref[:, 1:2]


def _tc1_body(x_ref, deg_ref, wm_ref, bm_ref, wv_ref, bv_ref, out_ref, nrm_ref):
    n1, n2 = _norms_from_deg(deg_ref)
    nrm_ref[...] = jnp.concatenate([n1, n2], axis=1)
    xb = x_ref[...]
    mean = jnp.dot(xb, wm_ref[...], preferred_element_type=jnp.float32) + bm_ref[...]
    mean = jnp.maximum(mean, 0.0)
    var = jnp.dot(xb, wv_ref[...], preferred_element_type=jnp.float32) + bv_ref[...]
    var = jnp.maximum(var, 0.0)
    att = jnp.exp(-var)
    out_ref[0] = mean * att * n1
    out_ref[1] = var * att * att * n2


def _tc2_body(agg_ref, nrm_ref, wm_ref, bm_ref, wv_ref, bv_ref, out_ref):
    n1, n2 = _norms(nrm_ref)
    mean_in = agg_ref[0] * n1
    var_in = agg_ref[1] * n2
    mean = (
        jnp.dot(mean_in, wm_ref[...], preferred_element_type=jnp.float32)
        + bm_ref[...]
    )
    var = (
        jnp.dot(var_in, wv_ref[...], preferred_element_type=jnp.float32)
        + bv_ref[...]
    )
    var = jnp.maximum(var, 0.0)
    att = jnp.exp(-var)
    out_ref[0] = mean * att * n1
    out_ref[1] = var * att * att * n2


def _tcf_body(agg_ref, nrm_ref, eps_ref, out_ref):
    n1, n2 = _norms(nrm_ref)
    mean = agg_ref[0] * n1
    var = agg_ref[1] * n2
    out_ref[...] = eps_ref[...] * jnp.sqrt(var + 1e-8) + mean


def _tc1(x, deg2, wm, bm, wv, bv):
    return pl.pallas_call(
        _tc1_body,
        grid=(_NPAD // _RB,),
        in_specs=[
            pl.BlockSpec((_RB, 128), lambda i: (i, 0)),
            pl.BlockSpec((2, _RB), lambda i: (0, i)),
            pl.BlockSpec((128, _H), lambda i: (0, 0)),
            pl.BlockSpec((1, _H), lambda i: (0, 0)),
            pl.BlockSpec((128, _H), lambda i: (0, 0)),
            pl.BlockSpec((1, _H), lambda i: (0, 0)),
        ],
        out_specs=[
            pl.BlockSpec((2, _RB, _H), lambda i: (0, i, 0)),
            pl.BlockSpec((_RB, 2), lambda i: (i, 0)),
        ],
        out_shape=[
            jax.ShapeDtypeStruct((2, _NPAD, _H), jnp.float32),
            jax.ShapeDtypeStruct((_NPAD, 2), jnp.float32),
        ],
    )(x, deg2, wm, bm.reshape(1, _H), wv, bv.reshape(1, _H))


def _tc2(agg1, nrm, wm, bm, wv, bv):
    return pl.pallas_call(
        _tc2_body,
        grid=(_NPAD // _RB,),
        in_specs=[
            pl.BlockSpec((2, _RB, _H), lambda i: (0, i, 0)),
            pl.BlockSpec((_RB, 2), lambda i: (i, 0)),
            pl.BlockSpec((_H, _O), lambda i: (0, 0)),
            pl.BlockSpec((1, _O), lambda i: (0, 0)),
            pl.BlockSpec((_H, _O), lambda i: (0, 0)),
            pl.BlockSpec((1, _O), lambda i: (0, 0)),
        ],
        out_specs=pl.BlockSpec((2, _RB, _O), lambda i: (0, i, 0)),
        out_shape=jax.ShapeDtypeStruct((2, _NPAD, _O), jnp.float32),
    )(agg1, nrm, wm, bm.reshape(1, _O), wv, bv.reshape(1, _O))


def _tcf(agg2, nrm, eps):
    rb = 2000
    return pl.pallas_call(
        _tcf_body,
        grid=(_N // rb,),
        in_specs=[
            pl.BlockSpec((2, rb, _O), lambda i: (0, i, 0)),
            pl.BlockSpec((rb, 2), lambda i: (i, 0)),
            pl.BlockSpec((rb, _O), lambda i: (i, 0)),
        ],
        out_specs=pl.BlockSpec((rb, _O), lambda i: (i, 0)),
        out_shape=jax.ShapeDtypeStruct((_N, _O), jnp.float32),
    )(agg2, nrm, eps)


def kernel(x, edge_index, w_mean1, b_mean1, w_var1, b_var1,
           w_mean2, b_mean2, w_var2, b_var2):
    src = edge_index[0]
    dst = edge_index[1]
    dst_deg = dst.reshape(32, _DRPT, _CH)
    src_h = src.reshape(16, _RPT // 4, 4 * _ACH)
    dst_h = dst.reshape(16, _RPT // 4, 4 * _ACH)
    src_o = src.reshape(16, _RPT, _ACH)
    dst_o = dst.reshape(16, _RPT, _ACH)

    deg2 = _deg_sc(dst_deg)

    msg1, nrm = _tc1(x, deg2, w_mean1, b_mean1, w_var1, b_var1)
    agg1 = _agg_h(src_h, dst_h, msg1)
    msg2 = _tc2(agg1, nrm, w_mean2, b_mean2, w_var2, b_var2)
    agg2 = _agg_o(src_o, dst_o, msg2)

    eps = jax.random.normal(jax.random.key(42), (_N, _O), jnp.float32)
    return _tcf(agg2, nrm, eps)

# --- scband reference (transcript-rebuilt; emitter-appended) ---
"""Pipeline reference for scband-robust-gcn-4492535791992 (READ-ONLY COPY).

The authoritative reference and input builder live on the scoring server;
editing this copy changes nothing except your own understanding.
"""

import jax, jax.numpy as jnp
import numpy as np

N = 10000
E = 320000
IN_F = 128
HID = 16
OUT_F = 64
GAMMA = 1.0


def setup_inputs(seed: int = 0) -> dict:
    key = jax.random.key(seed)
    ks = jax.random.split(key, 8)
    x = jax.random.normal(ks[0], (N, IN_F), dtype=jnp.float32)
    edge_index = jax.random.randint(ks[1], (2, E), 0, N, dtype=jnp.int32)

    def lin(k, fan_in, fan_out):
        lim = 1.0 / np.sqrt(fan_in)
        return jax.random.uniform(k, (fan_in, fan_out), minval=-lim, maxval=lim, dtype=jnp.float32)

    w_mean1 = lin(ks[2], IN_F, HID)
    b_mean1 = jnp.zeros((HID,), jnp.float32)
    w_var1 = lin(ks[3], IN_F, HID)
    b_var1 = jnp.zeros((HID,), jnp.float32)
    w_mean2 = lin(ks[4], HID, OUT_F)
    b_mean2 = jnp.zeros((OUT_F,), jnp.float32)
    w_var2 = lin(ks[5], HID, OUT_F)
    b_var2 = jnp.zeros((OUT_F,), jnp.float32)
    return {"x": x, "edge_index": edge_index,
            "w_mean1": w_mean1, "b_mean1": b_mean1, "w_var1": w_var1, "b_var1": b_var1,
            "w_mean2": w_mean2, "b_mean2": b_mean2, "w_var2": w_var2, "b_var2": b_var2}


def _robust_conv(edge_index, mean_in, var_in, w_mean, b_mean, w_var, b_var, gamma, use_act):
    # linear transforms for mean and variance channels
    mean = mean_in @ w_mean + b_mean
    var = var_in @ w_var + b_var
    if use_act:
        mean = jax.nn.relu(mean)
    # variance must stay non-negative (RGCN paper uses relu on var in every layer)
    var = jax.nn.relu(var)
    # variance-based attention
    attention = jnp.exp(-gamma * var)
    mean = mean * attention
    var = var * attention * attention
    src = edge_index[0]
    dst = edge_index[1]
    # in-degrees, clamped at 1
    deg = jnp.zeros((N,), jnp.float32).at[dst].add(1.0)
    deg = jnp.maximum(deg, 1.0)
    norm1 = deg ** -0.5          # D^{-1/2} for mean
    norm2 = norm1 * norm1        # D^{-1}   for var
    mean = mean * norm1[:, None]
    var = var * norm2[:, None]
    # message passing: gather from src, scatter-add to dst
    mean = jax.ops.segment_sum(mean[src], dst, num_segments=N)
    var = jax.ops.segment_sum(var[src], dst, num_segments=N)
    mean = mean * norm1[:, None]
    var = var * norm2[:, None]
    return mean, var


def reference(x, edge_index, w_mean1, b_mean1, w_var1, b_var1, w_mean2, b_mean2, w_var2, b_var2):
    # dropout is identity in eval/reference mode
    mean, var = _robust_conv(edge_index, x, x, w_mean1, b_mean1, w_var1, b_var1, GAMMA, True)
    mean, var = _robust_conv(edge_index, mean, var, w_mean2, b_mean2, w_var2, b_var2, GAMMA, False)
    std = jnp.sqrt(var + 1e-8)
    eps = jax.random.normal(jax.random.key(42), std.shape, dtype=std.dtype)
    z = eps * std + mean
    return z

if __name__ == "__main__":
    import jax
    _d = setup_inputs()
    print(jax.jit(kernel)(*tuple(_d.values())))

</pallas_src>

<mosaic_0001>
#map = affine_map<(d0, d1) -> (0, 0, 0)>
module attributes {stable_mosaic.version = 14 : i64} {
  func.func @agg(%arg0: i32, %arg1: i32, %arg2: memref<16x160x125xi32, #tpu.memory_space<hbm>>, %arg3: memref<16x160x125xi32, #tpu.memory_space<hbm>>, %arg4: memref<2x10240x64xf32, #tpu.memory_space<hbm>>, %arg5: memref<2x10240x64xf32, #tpu.memory_space<hbm>>, %arg6: memref<160x125xi32, #tpu.memory_space<vmem>>, %arg7: memref<160x125xi32, #tpu.memory_space<vmem>>, %arg8: memref<125x64xf32, #tpu.memory_space<vmem>>, %arg9: memref<125x64xf32, #tpu.memory_space<vmem>>, %arg10: memref<125x64xf32, #tpu.memory_space<vmem>>, %arg11: memref<125x64xf32, #tpu.memory_space<vmem>>, %arg12: memref<125x64xf32, #tpu.memory_space<vmem>>, %arg13: memref<10240x64xf32, #tpu.memory_space<vmem_shared>>, %arg14: memref<!tpu.dma_semaphore, #tpu.memory_space<semaphore_mem>>, %arg15: memref<!tpu.dma_semaphore, #tpu.memory_space<semaphore_mem>>, %arg16: memref<!tpu.dma_semaphore, #tpu.memory_space<semaphore_mem>>, %arg17: memref<!tpu.dma_semaphore, #tpu.memory_space<semaphore_mem>>, %arg18: memref<!tpu.dma_semaphore, #tpu.memory_space<semaphore_mem>>, %arg19: memref<!tpu.dma_semaphore, #tpu.memory_space<semaphore_mem>>, %arg20: memref<!tpu.dma_semaphore, #tpu.memory_space<semaphore_mem>>, %arg21: memref<!tpu.dma_semaphore, #tpu.memory_space<semaphore_mem>>, %arg22: memref<!tpu.dma_semaphore, #tpu.memory_space<semaphore_mem>>, %arg23: memref<!tpu.dma_semaphore, #tpu.memory_space<semaphore_mem>>) attributes {dimension_semantics = [#tpu.dimension_semantics<core_parallel>, #tpu.dimension_semantics<subcore_parallel>], iteration_bounds = array<i64: 2, 16>, scalar_prefetch = 0 : i64, scratch_operands = 18 : i64, tpu.core_type = #tpu.core_type<sc_vector_subcore>, window_params = [{transform_indices = #map}, {transform_indices = #map}, {transform_indices = #map}, {transform_indices = #map}]} {
    %scan3A = arith.constant 0 : i32
    %scan3A_0 = arith.constant 80 : i32
    %scan3A_1 = arith.addi %scan3A, %scan3A_0 : i32
    %scan3A_2 = arith.constant 1 : i32
    scf.for %scan3A_106 = %scan3A to %scan3A_1 step %scan3A_2  : i32 {
      %broadcast_in_dim3A = arith.constant 0.000000e+00 : f32
      %broadcast_in_dim3A_107 = vector.broadcast %broadcast_in_dim3A : f32 to vector<16xf32>
      %swap3A = arith.index_cast %scan3A_106 : i32 to index
      %swap3A_108 = arith.constant 0 : index
      %swap3A_109 = tpu.vector_load %arg8[%swap3A, %swap3A_108] {strides = array<i32>} : memref<125x64xf32, #tpu.memory_space<vmem>>, vector<1x16xf32>,
      %swap3A_110 = vector.shape_cast %swap3A_109 : vector<1x16xf32> to vector<16xf32>
      %swap3A_111 = vector.shape_cast %broadcast_in_dim3A_107 : vector<16xf32> to vector<1x16xf32>
      tpu.vector_store %arg8[%swap3A, %swap3A_108], %swap3A_111 {strides = array<i32>} : memref<125x64xf32, #tpu.memory_space<vmem>>, vector<1x16xf32>,
      %broadcast_in_dim3A_112 = arith.constant 0.000000e+00 : f32
      %broadcast_in_dim3A_113 = vector.broadcast %broadcast_in_dim3A_112 : f32 to vector<16xf32>
      %swap3A_114 = arith.index_cast %scan3A_106 : i32 to index
      %swap3A_115 = arith.constant 16 : index
      %swap3A_116 = tpu.vector_load %arg8[%swap3A_114, %swap3A_115] {strides = array<i32>} : memref<125x64xf32, #tpu.memory_space<vmem>>, vector<1x16xf32>,
      %swap3A_117 = vector.shape_cast %swap3A_116 : vector<1x16xf32> to vector<16xf32>
      %swap3A_118 = vector.shape_cast %broadcast_in_dim3A_113 : vector<16xf32> to vector<1x16xf32>
      tpu.vector_store %arg8[%swap3A_114, %swap3A_115], %swap3A_118 {strides = array<i32>} : memref<125x64xf32, #tpu.memory_space<vmem>>, vector<1x16xf32>,
      %broadcast_in_dim3A_119 = arith.constant 0.000000e+00 : f32
      %broadcast_in_dim3A_120 = vector.broadcast %broadcast_in_dim3A_119 : f32 to vector<16xf32>
      %swap3A_121 = arith.index_cast %scan3A_106 : i32 to index
      %swap3A_122 = arith.constant 32 : index
      %swap3A_123 = tpu.vector_load %arg8[%swap3A_121, %swap3A_122] {strides = array<i32>} : memref<125x64xf32, #tpu.memory_space<vmem>>, vector<1x16xf32>,
      %swap3A_124 = vector.shape_cast %swap3A_123 : vector<1x16xf32> to vector<16xf32>
      %swap3A_125 = vector.shape_cast %broadcast_in_dim3A_120 : vector<16xf32> to vector<1x16xf32>
      tpu.vector_store %arg8[%swap3A_121, %swap3A_122], %swap3A_125 {strides = array<i32>} : memref<125x64xf32, #tpu.memory_space<vmem>>, vector<1x16xf32>,
      %broadcast_in_dim3A_126 = arith.constant 0.000000e+00 : f32
      %broadcast_in_dim3A_127 = vector.broadcast %broadcast_in_dim3A_126 : f32 to vector<16xf32>
      %swap3A_128 = arith.index_cast %scan3A_106 : i32 to index
      %swap3A_129 = arith.constant 48 : index
      %swap3A_130 = tpu.vector_load %arg8[%swap3A_128, %swap3A_129] {strides = array<i32>} : memref<125x64xf32, #tpu.memory_space<vmem>>, vector<1x16xf32>,
      %swap3A_131 = vector.shape_cast %swap3A_130 : vector<1x16xf32> to vector<16xf32>
      %swap3A_132 = vector.shape_cast %broadcast_in_dim3A_127 : vector<16xf32> to vector<1x16xf32>
      tpu.vector_store %arg8[%swap3A_128, %swap3A_129], %swap3A_132 {strides = array<i32>} : memref<125x64xf32, #tpu.memory_space<vmem>>, vector<1x16xf32>,
    }
    %scan3A_3 = arith.constant 80 : i32
    %scan3A_4 = arith.constant 0 : i32
    %scan3A_5 = arith.constant 8 : i32
    %scan3A_6 = arith.addi %scan3A_4, %scan3A_5 : i32
    %scan3A_7 = arith.constant 1 : i32
    scf.for %scan3A_106 = %scan3A_4 to %scan3A_6 step %scan3A_7  : i32 {
      %mul3A_107 = arith.constant 640 : i32
      %mul3A_108 = arith.muli %arg1, %mul3A_107 : i32
      %mul3A_109 = arith.constant 80 : i32
      %mul3A_110 = arith.muli %scan3A_106, %mul3A_109 : i32
      %add3A = arith.addi %mul3A_108, %mul3A_110 : i32
      "tpu.region"() ({
        %run_scoped3A = tpu.sem_alloc : memref<!tpu.dma_semaphore, #tpu.memory_space<semaphore_mem>>
        %dma_start3A_111 = arith.constant 0 : i32
        %dma_start3A_112 = arith.constant 0 : i32
        %dma_start3A_113 = tpu.memref_slice %arg8[%dma_start3A_111, %dma_start3A_112] : memref<125x64xf32, #tpu.memory_space<vmem>> -> memref<80x64xf32, #tpu.memory_space<vmem>>
        %dma_start3A_114 = arith.constant 0 : i32
        %dma_start3A_115 = tpu.memref_slice %arg13[%add3A, %dma_start3A_114] : memref<10240x64xf32, #tpu.memory_space<vmem_shared>> -> memref<80x64xf32, #tpu.memory_space<vmem_shared>>
        %dma_start3A_116 = arith.constant 0 : i32
        %dma_start3A_117 = tpu.memref_slice %arg13[%add3A, %dma_start3A_116] : memref<10240x64xf32, #tpu.memory_space<vmem_shared>> -> memref<80x64xf32, #tpu.memory_space<vmem_shared>>
        %dma_start3A_118 = arith.constant 0 : i32
        %dma_start3A_119 = arith.constant 0 : i32
        %dma_start3A_120 = tpu.memref_slice %arg8[%dma_start3A_118, %dma_start3A_119] : memref<125x64xf32, #tpu.memory_space<vmem>> -> memref<80x64xf32, #tpu.memory_space<vmem>>
        tpu.enqueue_dma source(%dma_start3A_120 : memref<80x64xf32, #tpu.memory_space<vmem>>) target(%dma_start3A_117 : memref<80x64xf32, #tpu.memory_space<vmem_shared>>) target_semaphore(%run_scoped3A : memref<!tpu.dma_semaphore, #tpu.memory_space<semaphore_mem>>)
        %dma_wait3A_121 = arith.constant 0 : i32
        %dma_wait3A_122 = arith.constant 0 : i32
        %dma_wait3A_123 = tpu.memref_slice %arg8[%dma_wait3A_121, %dma_wait3A_122] : memref<125x64xf32, #tpu.memory_space<vmem>> -> memref<80x64xf32, #tpu.memory_space<vmem>>
        %dma_wait3A_124 = arith.constant 0 : i32
        %dma_wait3A_125 = tpu.memref_slice %arg13[%add3A, %dma_wait3A_124] : memref<10240x64xf32, #tpu.memory_space<vmem_shared>> -> memref<80x64xf32, #tpu.memory_space<vmem_shared>>
        %dma_wait3A_126 = arith.constant 0 : i32
        %dma_wait3A_127 = tpu.memref_slice %arg13[%add3A, %dma_wait3A_126] : memref<10240x64xf32, #tpu.memory_space<vmem_shared>> -> memref<80x64xf32, #tpu.memory_space<vmem_shared>>
        %dma_wait3A_128 = arith.constant 0 : i32
        %dma_wait3A_129 = arith.constant 0 : i32
        %dma_wait3A_130 = tpu.memref_slice %arg8[%dma_wait3A_128, %dma_wait3A_129] : memref<125x64xf32, #tpu.memory_space<vmem>> -> memref<80x64xf32, #tpu.memory_space<vmem>>
        tpu.wait_dma2 semaphore(%run_scoped3A : memref<!tpu.dma_semaphore, #tpu.memory_space<semaphore_mem>>) src(%dma_wait3A_130 : memref<80x64xf32, #tpu.memory_space<vmem>>) dst(%dma_wait3A_127 : memref<80x64xf32, #tpu.memory_space<vmem_shared>>)
        tpu.yield
      }) : () -> ()
    }
    %scan3A_8 = arith.constant 8 : i32
    "tpu.region"() ({
      %run_scoped3A = tpu.sem_alloc : memref<!tpu.dma_semaphore, #tpu.memory_space<semaphore_mem>>
      %dma_start3A_106 = arith.constant 0 : i32
      %dma_start3A_107 = arith.constant 0 : i32
      %dma_start3A_108 = tpu.memref_slice %arg2[%arg1, %dma_start3A_106, %dma_start3A_107] : memref<16x160x125xi32, #tpu.memory_space<hbm>> -> memref<1x160x125xi32, #tpu.memory_space<hbm>>
      %dma_start3A_109 = tpu.memref_squeeze %dma_start3A_108 : memref<1x160x125xi32, #tpu.memory_space<hbm>> -> memref<160x125xi32, #tpu.memory_space<hbm>>
      %dma_start3A_110 = arith.constant 0 : i32
      %dma_start3A_111 = arith.constant 0 : i32
      %dma_start3A_112 = tpu.memref_slice %arg2[%arg1, %dma_start3A_110, %dma_start3A_111] : memref<16x160x125xi32, #tpu.memory_space<hbm>> -> memref<1x160x125xi32, #tpu.memory_space<hbm>>
      %dma_start3A_113 = tpu.memref_squeeze %dma_start3A_112 : memref<1x160x125xi32, #tpu.memory_space<hbm>> -> memref<160x125xi32, #tpu.memory_space<hbm>>
      tpu.enqueue_dma source(%dma_start3A_113 : memref<160x125xi32, #tpu.memory_space<hbm>>) target(%arg6 : memref<160x125xi32, #tpu.memory_space<vmem>>) target_semaphore(%run_scoped3A : memref<!tpu.dma_semaphore, #tpu.memory_space<semaphore_mem>>)
      %dma_wait3A_114 = arith.constant 0 : i32
      %dma_wait3A_115 = arith.constant 0 : i32
      %dma_wait3A_116 = tpu.memref_slice %arg2[%arg1, %dma_wait3A_114, %dma_wait3A_115] : memref<16x160x125xi32, #tpu.memory_space<hbm>> -> memref<1x160x125xi32, #tpu.memory_space<hbm>>
      %dma_wait3A_117 = tpu.memref_squeeze %dma_wait3A_116 : memref<1x160x125xi32, #tpu.memory_space<hbm>> -> memref<160x125xi32, #tpu.memory_space<hbm>>
      %dma_wait3A_118 = arith.constant 0 : i32
      %dma_wait3A_119 = arith.constant 0 : i32
      %dma_wait3A_120 = tpu.memref_slice %arg2[%arg1, %dma_wait3A_118, %dma_wait3A_119] : memref<16x160x125xi32, #tpu.memory_space<hbm>> -> memref<1x160x125xi32, #tpu.memory_space<hbm>>
      %dma_wait3A_121 = tpu.memref_squeeze %dma_wait3A_120 : memref<1x160x125xi32, #tpu.memory_space<hbm>> -> memref<160x125xi32, #tpu.memory_space<hbm>>
      tpu.wait_dma2 semaphore(%run_scoped3A : memref<!tpu.dma_semaphore, #tpu.memory_space<semaphore_mem>>) src(%dma_wait3A_121 : memref<160x125xi32, #tpu.memory_space<hbm>>) dst(%arg6 : memref<160x125xi32, #tpu.memory_space<vmem>>)
      tpu.yield
    }) : () -> ()
    "tpu.region"() ({
      %run_scoped3A = tpu.sem_alloc : memref<!tpu.dma_semaphore, #tpu.memory_space<semaphore_mem>>
      %dma_start3A_106 = arith.constant 0 : i32
      %dma_start3A_107 = arith.constant 0 : i32
      %dma_start3A_108 = tpu.memref_slice %arg3[%arg1, %dma_start3A_106, %dma_start3A_107] : memref<16x160x125xi32, #tpu.memory_space<hbm>> -> memref<1x160x125xi32, #tpu.memory_space<hbm>>
      %dma_start3A_109 = tpu.memref_squeeze %dma_start3A_108 : memref<1x160x125xi32, #tpu.memory_space<hbm>> -> memref<160x125xi32, #tpu.memory_space<hbm>>
      %dma_start3A_110 = arith.constant 0 : i32
      %dma_start3A_111 = arith.constant 0 : i32
      %dma_start3A_112 = tpu.memref_slice %arg3[%arg1, %dma_start3A_110, %dma_start3A_111] : memref<16x160x125xi32, #tpu.memory_space<hbm>> -> memref<1x160x125xi32, #tpu.memory_space<hbm>>
      %dma_start3A_113 = tpu.memref_squeeze %dma_start3A_112 : memref<1x160x125xi32, #tpu.memory_space<hbm>> -> memref<160x125xi32, #tpu.memory_space<hbm>>
      tpu.enqueue_dma source(%dma_start3A_113 : memref<160x125xi32, #tpu.memory_space<hbm>>) target(%arg7 : memref<160x125xi32, #tpu.memory_space<vmem>>) target_semaphore(%run_scoped3A : memref<!tpu.dma_semaphore, #tpu.memory_space<semaphore_mem>>)
      %dma_wait3A_114 = arith.constant 0 : i32
      %dma_wait3A_115 = arith.constant 0 : i32
      %dma_wait3A_116 = tpu.memref_slice %arg3[%arg1, %dma_wait3A_114, %dma_wait3A_115] : memref<16x160x125xi32, #tpu.memory_space<hbm>> -> memref<1x160x125xi32, #tpu.memory_space<hbm>>
      %dma_wait3A_117 = tpu.memref_squeeze %dma_wait3A_116 : memref<1x160x125xi32, #tpu.memory_space<hbm>> -> memref<160x125xi32, #tpu.memory_space<hbm>>
      %dma_wait3A_118 = arith.constant 0 : i32
      %dma_wait3A_119 = arith.constant 0 : i32
      %dma_wait3A_120 = tpu.memref_slice %arg3[%arg1, %dma_wait3A_118, %dma_wait3A_119] : memref<16x160x125xi32, #tpu.memory_space<hbm>> -> memref<1x160x125xi32, #tpu.memory_space<hbm>>
      %dma_wait3A_121 = tpu.memref_squeeze %dma_wait3A_120 : memref<1x160x125xi32, #tpu.memory_space<hbm>> -> memref<160x125xi32, #tpu.memory_space<hbm>>
      tpu.wait_dma2 semaphore(%run_scoped3A : memref<!tpu.dma_semaphore, #tpu.memory_space<semaphore_mem>>) src(%dma_wait3A_121 : memref<160x125xi32, #tpu.memory_space<hbm>>) dst(%arg7 : memref<160x125xi32, #tpu.memory_space<vmem>>)
      tpu.yield
    }) : () -> ()
    %barrier3A = arith.constant 0 : index
    tpu.barrier barrier_id(%barrier3A)
    %dma_start3A = arith.constant 0 : i32
    %dma_start3A_9 = arith.constant 0 : i32
    %dma_start3A_10 = tpu.memref_slice %arg6[%dma_start3A, %dma_start3A_9] : memref<160x125xi32, #tpu.memory_space<vmem>> -> memref<1x125xi32, #tpu.memory_space<vmem>>
    %dma_start3A_11 = tpu.memref_squeeze %dma_start3A_10 : memref<1x125xi32, #tpu.memory_space<vmem>> -> memref<125xi32, #tpu.memory_space<vmem>>
    %dma_start3A_12 = arith.constant 0 : i32
    %dma_start3A_13 = arith.constant 0 : i32
    %dma_start3A_14 = tpu.memref_slice %arg4[%arg0, %dma_start3A_12, %dma_start3A_13] : memref<2x10240x64xf32, #tpu.memory_space<hbm>> -> memref<1x10240x64xf32, #tpu.memory_space<hbm>>
    %dma_start3A_15 = tpu.memref_squeeze %dma_start3A_14 : memref<1x10240x64xf32, #tpu.memory_space<hbm>> -> memref<10240x64xf32, #tpu.memory_space<hbm>>
    %dma_start3A_16 = arith.constant 0 : i32
    %dma_start3A_17 = arith.constant 0 : i32
    %dma_start3A_18 = tpu.memref_slice %dma_start3A_15[%dma_start3A_16, %dma_start3A_17] : memref<10240x64xf32, #tpu.memory_space<hbm>> -> memref<10240x64xf32, #tpu.memory_space<hbm>>
    tpu.enqueue_indirect_dma source(%dma_start3A_18 : memref<10240x64xf32, #tpu.memory_space<hbm>>) target(%arg8 : memref<125x64xf32, #tpu.memory_space<vmem>>) offsets(%dma_start3A_11 : memref<125xi32, #tpu.memory_space<vmem>>) semaphore(%arg14 : memref<!tpu.dma_semaphore, #tpu.memory_space<semaphore_mem>>)
    %dma_start3A_19 = arith.constant 1 : i32
    %dma_start3A_20 = arith.constant 0 : i32
    %dma_start3A_21 = tpu.memref_slice %arg6[%dma_start3A_19, %dma_start3A_20] : memref<160x125xi32, #tpu.memory_space<vmem>> -> memref<1x125xi32, #tpu.memory_space<vmem>>
    %dma_start3A_22 = tpu.memref_squeeze %dma_start3A_21 : memref<1x125xi32, #tpu.memory_space<vmem>> -> memref<125xi32, #tpu.memory_space<vmem>>
    %dma_start3A_23 = arith.constant 0 : i32
    %dma_start3A_24 = arith.constant 0 : i32
    %dma_start3A_25 = tpu.memref_slice %arg4[%arg0, %dma_start3A_23, %dma_start3A_24] : memref<2x10240x64xf32, #tpu.memory_space<hbm>> -> memref<1x10240x64xf32, #tpu.memory_space<hbm>>
    %dma_start3A_26 = tpu.memref_squeeze %dma_start3A_25 : memref<1x10240x64xf32, #tpu.memory_space<hbm>> -> memref<10240x64xf32, #tpu.memory_space<hbm>>
    %dma_start3A_27 = arith.constant 0 : i32
    %dma_start3A_28 = arith.constant 0 : i32
    %dma_start3A_29 = tpu.memref_slice %dma_start3A_26[%dma_start3A_27, %dma_start3A_28] : memref<10240x64xf32, #tpu.memory_space<hbm>> -> memref<10240x64xf32, #tpu.memory_space<hbm>>
    tpu.enqueue_indirect_dma source(%dma_start3A_29 : memref<10240x64xf32, #tpu.memory_space<hbm>>) target(%arg9 : memref<125x64xf32, #tpu.memory_space<vmem>>) offsets(%dma_start3A_22 : memref<125xi32, #tpu.memory_space<vmem>>) semaphore(%arg15 : memref<!tpu.dma_semaphore, #tpu.memory_space<semaphore_mem>>)
    %dma_start3A_30 = arith.constant 2 : i32
    %dma_start3A_31 = arith.constant 0 : i32
    %dma_start3A_32 = tpu.memref_slice %arg6[%dma_start3A_30, %dma_start3A_31] : memref<160x125xi32, #tpu.memory_space<vmem>> -> memref<1x125xi32, #tpu.memory_space<vmem>>
    %dma_start3A_33 = tpu.memref_squeeze %dma_start3A_32 : memref<1x125xi32, #tpu.memory_space<vmem>> -> memref<125xi32, #tpu.memory_space<vmem>>
    %dma_start3A_34 = arith.constant 0 : i32
    %dma_start3A_35 = arith.constant 0 : i32
    %dma_start3A_36 = tpu.memref_slice %arg4[%arg0, %dma_start3A_34, %dma_start3A_35] : memref<2x10240x64xf32, #tpu.memory_space<hbm>> -> memref<1x10240x64xf32, #tpu.memory_space<hbm>>
    %dma_start3A_37 = tpu.memref_squeeze %dma_start3A_36 : memref<1x10240x64xf32, #tpu.memory_space<hbm>> -> memref<10240x64xf32, #tpu.memory_space<hbm>>
    %dma_start3A_38 = arith.constant 0 : i32
    %dma_start3A_39 = arith.constant 0 : i32
    %dma_start3A_40 = tpu.memref_slice %dma_start3A_37[%dma_start3A_38, %dma_start3A_39] : memref<10240x64xf32, #tpu.memory_space<hbm>> -> memref<10240x64xf32, #tpu.memory_space<hbm>>
    tpu.enqueue_indirect_dma source(%dma_start3A_40 : memref<10240x64xf32, #tpu.memory_space<hbm>>) target(%arg10 : memref<125x64xf32, #tpu.memory_space<vmem>>) offsets(%dma_start3A_33 : memref<125xi32, #tpu.memory_space<vmem>>) semaphore(%arg16 : memref<!tpu.dma_semaphore, #tpu.memory_space<semaphore_mem>>)
    %dma_start3A_41 = arith.constant 3 : i32
    %dma_start3A_42 = arith.constant 0 : i32
    %dma_start3A_43 = tpu.memref_slice %arg6[%dma_start3A_41, %dma_start3A_42] : memref<160x125xi32, #tpu.memory_space<vmem>> -> memref<1x125xi32, #tpu.memory_space<vmem>>
    %dma_start3A_44 = tpu.memref_squeeze %dma_start3A_43 : memref<1x125xi32, #tpu.memory_space<vmem>> -> memref<125xi32, #tpu.memory_space<vmem>>
    %dma_start3A_45 = arith.constant 0 : i32
    %dma_start3A_46 = arith.constant 0 : i32
    %dma_start3A_47 = tpu.memref_slice %arg4[%arg0, %dma_start3A_45, %dma_start3A_46] : memref<2x10240x64xf32, #tpu.memory_space<hbm>> -> memref<1x10240x64xf32, #tpu.memory_space<hbm>>
    %dma_start3A_48 = tpu.memref_squeeze %dma_start3A_47 : memref<1x10240x64xf32, #tpu.memory_space<hbm>> -> memref<10240x64xf32, #tpu.memory_space<hbm>>
    %dma_start3A_49 = arith.constant 0 : i32
    %dma_start3A_50 = arith.constant 0 : i32
    %dma_start3A_51 = tpu.memref_slice %dma_start3A_48[%dma_start3A_49, %dma_start3A_50] : memref<10240x64xf32, #tpu.memory_space<hbm>> -> memref<10240x64xf32, #tpu.memory_space<hbm>>
    tpu.enqueue_indirect_dma source(%dma_start3A_51 : memref<10240x64xf32, #tpu.memory_space<hbm>>) target(%arg11 : memref<125x64xf32, #tpu.memory_space<vmem>>) offsets(%dma_start3A_44 : memref<125xi32, #tpu.memory_space<vmem>>) semaphore(%arg17 : memref<!tpu.dma_semaphore, #tpu.memory_space<semaphore_mem>>)
    %dma_start3A_52 = arith.constant 4 : i32
    %dma_start3A_53 = arith.constant 0 : i32
    %dma_start3A_54 = tpu.memref_slice %arg6[%dma_start3A_52, %dma_start3A_53] : memref<160x125xi32, #tpu.memory_space<vmem>> -> memref<1x125xi32, #tpu.memory_space<vmem>>
    %dma_start3A_55 = tpu.memref_squeeze %dma_start3A_54 : memref<1x125xi32, #tpu.memory_space<vmem>> -> memref<125xi32, #tpu.memory_space<vmem>>
    %dma_start3A_56 = arith.constant 0 : i32
    %dma_start3A_57 = arith.constant 0 : i32
    %dma_start3A_58 = tpu.memref_slice %arg4[%arg0, %dma_start3A_56, %dma_start3A_57] : memref<2x10240x64xf32, #tpu.memory_space<hbm>> -> memref<1x10240x64xf32, #tpu.memory_space<hbm>>
    %dma_start3A_59 = tpu.memref_squeeze %dma_start3A_58 : memref<1x10240x64xf32, #tpu.memory_space<hbm>> -> memref<10240x64xf32, #tpu.memory_space<hbm>>
    %dma_start3A_60 = arith.constant 0 : i32
    %dma_start3A_61 = arith.constant 0 : i32
    %dma_start3A_62 = tpu.memref_slice %dma_start3A_59[%dma_start3A_60, %dma_start3A_61] : memref<10240x64xf32, #tpu.memory_space<hbm>> -> memref<10240x64xf32, #tpu.memory_space<hbm>>
    tpu.enqueue_indirect_dma source(%dma_start3A_62 : memref<10240x64xf32, #tpu.memory_space<hbm>>) target(%arg12 : memref<125x64xf32, #tpu.memory_space<vmem>>) offsets(%dma_start3A_55 : memref<125xi32, #tpu.memory_space<vmem>>) semaphore(%arg18 : memref<!tpu.dma_semaphore, #tpu.memory_space<semaphore_mem>>)
    %scan3A_63 = arith.constant 0 : i32
    %scan3A_64 = arith.constant 32 : i32
    %scan3A_65 = arith.addi %scan3A_63, %scan3A_64 : i32
    %scan3A_66 = arith.constant 1 : i32
    scf.for %scan3A_106 = %scan3A_63 to %scan3A_65 step %scan3A_66  : i32 {
      %mul3A_107 = arith.constant 5 : i32
      %mul3A_108 = arith.muli %scan3A_106, %mul3A_107 : i32
      %add3A = arith.constant 0 : i32
      %add3A_109 = arith.addi %mul3A_108, %add3A : i32
      %dma_wait3A_110 = arith.constant 0 : i32
      %dma_wait3A_111 = tpu.memref_slice %arg6[%add3A_109, %dma_wait3A_110] : memref<160x125xi32, #tpu.memory_space<vmem>> -> memref<1x125xi32, #tpu.memory_space<vmem>>
      %dma_wait3A_112 = tpu.memref_squeeze %dma_wait3A_111 : memref<1x125xi32, #tpu.memory_space<vmem>> -> memref<125xi32, #tpu.memory_space<vmem>>
      %dma_wait3A_113 = arith.constant 0 : i32
      %dma_wait3A_114 = arith.constant 0 : i32
      %dma_wait3A_115 = tpu.memref_slice %arg4[%arg0, %dma_wait3A_113, %dma_wait3A_114] : memref<2x10240x64xf32, #tpu.memory_space<hbm>> -> memref<1x10240x64xf32, #tpu.memory_space<hbm>>
      %dma_wait3A_116 = tpu.memref_squeeze %dma_wait3A_115 : memref<1x10240x64xf32, #tpu.memory_space<hbm>> -> memref<10240x64xf32, #tpu.memory_space<hbm>>
      %dma_wait3A_117 = arith.constant 0 : i32
      %dma_wait3A_118 = arith.constant 0 : i32
      %dma_wait3A_119 = tpu.memref_slice %dma_wait3A_116[%dma_wait3A_117, %dma_wait3A_118] : memref<10240x64xf32, #tpu.memory_space<hbm>> -> memref<10240x64xf32, #tpu.memory_space<hbm>>
      tpu.wait_indirect_dma semaphore(%arg14 : memref<!tpu.dma_semaphore, #tpu.memory_space<semaphore_mem>>) src(%dma_wait3A_119 : memref<10240x64xf32, #tpu.memory_space<hbm>>) dst(%arg8 : memref<125x64xf32, #tpu.memory_space<vmem>>)
      %dma_start3A_120 = arith.constant 0 : i32
      %dma_start3A_121 = tpu.memref_slice %arg7[%add3A_109, %dma_start3A_120] : memref<160x125xi32, #tpu.memory_space<vmem>> -> memref<1x125xi32, #tpu.memory_space<vmem>>
      %dma_start3A_122 = tpu.memref_squeeze %dma_start3A_121 : memref<1x125xi32, #tpu.memory_space<vmem>> -> memref<125xi32, #tpu.memory_space<vmem>>
      %dma_start3A_123 = arith.constant 0 : i32
      %dma_start3A_124 = arith.constant 0 : i32
      %dma_start3A_125 = tpu.memref_slice %arg13[%dma_start3A_123, %dma_start3A_124] : memref<10240x64xf32, #tpu.memory_space<vmem_shared>> -> memref<10240x64xf32, #tpu.memory_space<vmem_shared>>
      tpu.enqueue_indirect_dma source(%arg8 : memref<125x64xf32, #tpu.memory_space<vmem>>) target(%dma_start3A_125 : memref<10240x64xf32, #tpu.memory_space<vmem_shared>>) offsets(%dma_start3A_122 : memref<125xi32, #tpu.memory_space<vmem>>) semaphore(%arg19 : memref<!tpu.dma_semaphore, #tpu.memory_space<semaphore_mem>>) {add = true}
      %mul3A_126 = arith.constant 5 : i32
      %mul3A_127 = arith.muli %scan3A_106, %mul3A_126 : i32
      %add3A_128 = arith.constant 1 : i32
      %add3A_129 = arith.addi %mul3A_127, %add3A_128 : i32
      %dma_wait3A_130 = arith.constant 0 : i32
      %dma_wait3A_131 = tpu.memref_slice %arg6[%add3A_129, %dma_wait3A_130] : memref<160x125xi32, #tpu.memory_space<vmem>> -> memref<1x125xi32, #tpu.memory_space<vmem>>
      %dma_wait3A_132 = tpu.memref_squeeze %dma_wait3A_131 : memref<1x125xi32, #tpu.memory_space<vmem>> -> memref<125xi32, #tpu.memory_space<vmem>>
      %dma_wait3A_133 = arith.constant 0 : i32
      %dma_wait3A_134 = arith.constant 0 : i32
      %dma_wait3A_135 = tpu.memref_slice %arg4[%arg0, %dma_wait3A_133, %dma_wait3A_134] : memref<2x10240x64xf32, #tpu.memory_space<hbm>> -> memref<1x10240x64xf32, #tpu.memory_space<hbm>>
      %dma_wait3A_136 = tpu.memref_squeeze %dma_wait3A_135 : memref<1x10240x64xf32, #tpu.memory_space<hbm>> -> memref<10240x64xf32, #tpu.memory_space<hbm>>
      %dma_wait3A_137 = arith.constant 0 : i32
      %dma_wait3A_138 = arith.constant 0 : i32
      %dma_wait3A_139 = tpu.memref_slice %dma_wait3A_136[%dma_wait3A_137, %dma_wait3A_138] : memref<10240x64xf32, #tpu.memory_space<hbm>> -> memref<10240x64xf32, #tpu.memory_space<hbm>>
      tpu.wait_indirect_dma semaphore(%arg15 : memref<!tpu.dma_semaphore, #tpu.memory_space<semaphore_mem>>) src(%dma_wait3A_139 : memref<10240x64xf32, #tpu.memory_space<hbm>>) dst(%arg9 : memref<125x64xf32, #tpu.memory_space<vmem>>)
      %dma_start3A_140 = arith.constant 0 : i32
      %dma_start3A_141 = tpu.memref_slice %arg7[%add3A_129, %dma_start3A_140] : memref<160x125xi32, #tpu.memory_space<vmem>> -> memref<1x125xi32, #tpu.memory_space<vmem>>
      %dma_start3A_142 = tpu.memref_squeeze %dma_start3A_141 : memref<1x125xi32, #tpu.memory_space<vmem>> -> memref<125xi32, #tpu.memory_space<vmem>>
      %dma_start3A_143 = arith.constant 0 : i32
      %dma_start3A_144 = arith.constant 0 : i32
      %dma_start3A_145 = tpu.memref_slice %arg13[%dma_start3A_143, %dma_start3A_144] : memref<10240x64xf32, #tpu.memory_space<vmem_shared>> -> memref<10240x64xf32, #tpu.memory_space<vmem_shared>>
      tpu.enqueue_indirect_dma source(%arg9 : memref<125x64xf32, #tpu.memory_space<vmem>>) target(%dma_start3A_145 : memref<10240x64xf32, #tpu.memory_space<vmem_shared>>) offsets(%dma_start3A_142 : memref<125xi32, #tpu.memory_space<vmem>>) semaphore(%arg20 : memref<!tpu.dma_semaphore, #tpu.memory_space<semaphore_mem>>) {add = true}
      %mul3A_146 = arith.constant 5 : i32
      %mul3A_147 = arith.muli %scan3A_106, %mul3A_146 : i32
      %add3A_148 = arith.constant 2 : i32
      %add3A_149 = arith.addi %mul3A_147, %add3A_148 : i32
      %dma_wait3A_150 = arith.constant 0 : i32
      %dma_wait3A_151 = tpu.memref_slice %arg6[%add3A_149, %dma_wait3A_150] : memref<160x125xi32, #tpu.memory_space<vmem>> -> memref<1x125xi32, #tpu.memory_space<vmem>>
      %dma_wait3A_152 = tpu.memref_squeeze %dma_wait3A_151 : memref<1x125xi32, #tpu.memory_space<vmem>> -> memref<125xi32, #tpu.memory_space<vmem>>
      %dma_wait3A_153 = arith.constant 0 : i32
      %dma_wait3A_154 = arith.constant 0 : i32
      %dma_wait3A_155 = tpu.memref_slice %arg4[%arg0, %dma_wait3A_153, %dma_wait3A_154] : memref<2x10240x64xf32, #tpu.memory_space<hbm>> -> memref<1x10240x64xf32, #tpu.memory_space<hbm>>
      %dma_wait3A_156 = tpu.memref_squeeze %dma_wait3A_155 : memref<1x10240x64xf32, #tpu.memory_space<hbm>> -> memref<10240x64xf32, #tpu.memory_space<hbm>>
      %dma_wait3A_157 = arith.constant 0 : i32
      %dma_wait3A_158 = arith.constant 0 : i32
      %dma_wait3A_159 = tpu.memref_slice %dma_wait3A_156[%dma_wait3A_157, %dma_wait3A_158] : memref<10240x64xf32, #tpu.memory_space<hbm>> -> memref<10240x64xf32, #tpu.memory_space<hbm>>
      tpu.wait_indirect_dma semaphore(%arg16 : memref<!tpu.dma_semaphore, #tpu.memory_space<semaphore_mem>>) src(%dma_wait3A_159 : memref<10240x64xf32, #tpu.memory_space<hbm>>) dst(%arg10 : memref<125x64xf32, #tpu.memory_space<vmem>>)
      %dma_start3A_160 = arith.constant 0 : i32
      %dma_start3A_161 = tpu.memref_slice %arg7[%add3A_149, %dma_start3A_160] : memref<160x125xi32, #tpu.memory_space<vmem>> -> memref<1x125xi32, #tpu.memory_space<vmem>>
      %dma_start3A_162 = tpu.memref_squeeze %dma_start3A_161 : memref<1x125xi32, #tpu.memory_space<vmem>> -> memref<125xi32, #tpu.memory_space<vmem>>
      %dma_start3A_163 = arith.constant 0 : i32
      %dma_start3A_164 = arith.constant 0 : i32
      %dma_start3A_165 = tpu.memref_slice %arg13[%dma_start3A_163, %dma_start3A_164] : memref<10240x64xf32, #tpu.memory_space<vmem_shared>> -> memref<10240x64xf32, #tpu.memory_space<vmem_shared>>
      tpu.enqueue_indirect_dma source(%arg10 : memref<125x64xf32, #tpu.memory_space<vmem>>) target(%dma_start3A_165 : memref<10240x64xf32, #tpu.memory_space<vmem_shared>>) offsets(%dma_start3A_162 : memref<125xi32, #tpu.memory_space<vmem>>) semaphore(%arg21 : memref<!tpu.dma_semaphore, #tpu.memory_space<semaphore_mem>>) {add = true}
      %mul3A_166 = arith.constant 5 : i32
      %mul3A_167 = arith.muli %scan3A_106, %mul3A_166 : i32
      %add3A_168 = arith.constant 3 : i32
      %add3A_169 = arith.addi %mul3A_167, %add3A_168 : i32
      %dma_wait3A_170 = arith.constant 0 : i32
      %dma_wait3A_171 = tpu.memref_slice %arg6[%add3A_169, %dma_wait3A_170] : memref<160x125xi32, #tpu.memory_space<vmem>> -> memref<1x125xi32, #tpu.memory_space<vmem>>
      %dma_wait3A_172 = tpu.memref_squeeze %dma_wait3A_171 : memref<1x125xi32, #tpu.memory_space<vmem>> -> memref<125xi32, #tpu.memory_space<vmem>>
      %dma_wait3A_173 = arith.constant 0 : i32
      %dma_wait3A_174 = arith.constant 0 : i32
      %dma_wait3A_175 = tpu.memref_slice %arg4[%arg0, %dma_wait3A_173, %dma_wait3A_174] : memref<2x10240x64xf32, #tpu.memory_space<hbm>> -> memref<1x10240x64xf32, #tpu.memory_space<hbm>>
      %dma_wait3A_176 = tpu.memref_squeeze %dma_wait3A_175 : memref<1x10240x64xf32, #tpu.memory_space<hbm>> -> memref<10240x64xf32, #tpu.memory_space<hbm>>
      %dma_wait3A_177 = arith.constant 0 : i32
      %dma_wait3A_178 = arith.constant 0 : i32
      %dma_wait3A_179 = tpu.memref_slice %dma_wait3A_176[%dma_wait3A_177, %dma_wait3A_178] : memref<10240x64xf32, #tpu.memory_space<hbm>> -> memref<10240x64xf32, #tpu.memory_space<hbm>>
      tpu.wait_indirect_dma semaphore(%arg17 : memref<!tpu.dma_semaphore, #tpu.memory_space<semaphore_mem>>) src(%dma_wait3A_179 : memref<10240x64xf32, #tpu.memory_space<hbm>>) dst(%arg11 : memref<125x64xf32, #tpu.memory_space<vmem>>)
      %dma_start3A_180 = arith.constant 0 : i32
      %dma_start3A_181 = tpu.memref_slice %arg7[%add3A_169, %dma_start3A_180] : memref<160x125xi32, #tpu.memory_space<vmem>> -> memref<1x125xi32, #tpu.memory_space<vmem>>
      %dma_start3A_182 = tpu.memref_squeeze %dma_start3A_181 : memref<1x125xi32, #tpu.memory_space<vmem>> -> memref<125xi32, #tpu.memory_space<vmem>>
      %dma_start3A_183 = arith.constant 0 : i32
      %dma_start3A_184 = arith.constant 0 : i32
      %dma_start3A_185 = tpu.memref_slice %arg13[%dma_start3A_183, %dma_start3A_184] : memref<10240x64xf32, #tpu.memory_space<vmem_shared>> -> memref<10240x64xf32, #tpu.memory_space<vmem_shared>>
      tpu.enqueue_indirect_dma source(%arg11 : memref<125x64xf32, #tpu.memory_space<vmem>>) target(%dma_start3A_185 : memref<10240x64xf32, #tpu.memory_space<vmem_shared>>) offsets(%dma_start3A_182 : memref<125xi32, #tpu.memory_space<vmem>>) semaphore(%arg22 : memref<!tpu.dma_semaphore, #tpu.memory_space<semaphore_mem>>) {add = true}
      %mul3A_186 = arith.constant 5 : i32
      %mul3A_187 = arith.muli %scan3A_106, %mul3A_186 : i32
      %add3A_188 = arith.constant 4 : i32
      %add3A_189 = arith.addi %mul3A_187, %add3A_188 : i32
      %dma_wait3A_190 = arith.constant 0 : i32
      %dma_wait3A_191 = tpu.memref_slice %arg6[%add3A_189, %dma_wait3A_190] : memref<160x125xi32, #tpu.memory_space<vmem>> -> memref<1x125xi32, #tpu.memory_space<vmem>>
      %dma_wait3A_192 = tpu.memref_squeeze %dma_wait3A_191 : memref<1x125xi32, #tpu.memory_space<vmem>> -> memref<125xi32, #tpu.memory_space<vmem>>
      %dma_wait3A_193 = arith.constant 0 : i32
      %dma_wait3A_194 = arith.constant 0 : i32
      %dma_wait3A_195 = tpu.memref_slice %arg4[%arg0, %dma_wait3A_193, %dma_wait3A_194] : memref<2x10240x64xf32, #tpu.memory_space<hbm>> -> memref<1x10240x64xf32, #tpu.memory_space<hbm>>
      %dma_wait3A_196 = tpu.memref_squeeze %dma_wait3A_195 : memref<1x10240x64xf32, #tpu.memory_space<hbm>> -> memref<10240x64xf32, #tpu.memory_space<hbm>>
      %dma_wait3A_197 = arith.constant 0 : i32
      %dma_wait3A_198 = arith.constant 0 : i32
      %dma_wait3A_199 = tpu.memref_slice %dma_wait3A_196[%dma_wait3A_197, %dma_wait3A_198] : memref<10240x64xf32, #tpu.memory_space<hbm>> -> memref<10240x64xf32, #tpu.memory_space<hbm>>
      tpu.wait_indirect_dma semaphore(%arg18 : memref<!tpu.dma_semaphore, #tpu.memory_space<semaphore_mem>>) src(%dma_wait3A_199 : memref<10240x64xf32, #tpu.memory_space<hbm>>) dst(%arg12 : memref<125x64xf32, #tpu.memory_space<vmem>>)
      %dma_start3A_200 = arith.constant 0 : i32
      %dma_start3A_201 = tpu.memref_slice %arg7[%add3A_189, %dma_start3A_200] : memref<160x125xi32, #tpu.memory_space<vmem>> -> memref<1x125xi32, #tpu.memory_space<vmem>>
      %dma_start3A_202 = tpu.memref_squeeze %dma_start3A_201 : memref<1x125xi32, #tpu.memory_space<vmem>> -> memref<125xi32, #tpu.memory_space<vmem>>
      %dma_start3A_203 = arith.constant 0 : i32
      %dma_start3A_204 = arith.constant 0 : i32
      %dma_start3A_205 = tpu.memref_slice %arg13[%dma_start3A_203, %dma_start3A_204] : memref<10240x64xf32, #tpu.memory_space<vmem_shared>> -> memref<10240x64xf32, #tpu.memory_space<vmem_shared>>
      tpu.enqueue_indirect_dma source(%arg12 : memref<125x64xf32, #tpu.memory_space<vmem>>) target(%dma_start3A_205 : memref<10240x64xf32, #tpu.memory_space<vmem_shared>>) offsets(%dma_start3A_202 : memref<125xi32, #tpu.memory_space<vmem>>) semaphore(%arg23 : memref<!tpu.dma_semaphore, #tpu.memory_space<semaphore_mem>>) {add = true}
      %mul3A_206 = arith.constant 5 : i32
      %mul3A_207 = arith.muli %scan3A_106, %mul3A_206 : i32
      %add3A_208 = arith.constant 0 : i32
      %add3A_209 = arith.addi %mul3A_207, %add3A_208 : i32
      %add3A_210 = arith.constant 5 : i32
      %add3A_211 = arith.addi %add3A_209, %add3A_210 : i32
      %lt3A = arith.constant 160 : i32
      %lt3A_212 = arith.cmpi slt, %add3A_211, %lt3A : i32
      %convert_element_type3A = arith.extui %lt3A_212 : i1 to i32
      %cond3A = arith.constant 0 : i32
      %cond3A_213 = arith.cmpi ne, %convert_element_type3A, %cond3A : i32
      scf.if %cond3A_213 {
        %dma_wait3A_258 = arith.constant 0 : i32
        %dma_wait3A_259 = tpu.memref_slice %arg7[%add3A_209, %dma_wait3A_258] : memref<160x125xi32, #tpu.memory_space<vmem>> -> memref<1x125xi32, #tpu.memory_space<vmem>>
        %dma_wait3A_260 = tpu.memref_squeeze %dma_wait3A_259 : memref<1x125xi32, #tpu.memory_space<vmem>> -> memref<125xi32, #tpu.memory_space<vmem>>
        %dma_wait3A_261 = arith.constant 0 : i32
        %dma_wait3A_262 = arith.constant 0 : i32
        %dma_wait3A_263 = tpu.memref_slice %arg13[%dma_wait3A_261, %dma_wait3A_262] : memref<10240x64xf32, #tpu.memory_space<vmem_shared>> -> memref<10240x64xf32, #tpu.memory_space<vmem_shared>>
        tpu.wait_indirect_dma semaphore(%arg19 : memref<!tpu.dma_semaphore, #tpu.memory_space<semaphore_mem>>) src(%arg8 : memref<125x64xf32, #tpu.memory_space<vmem>>) dst(%dma_wait3A_263 : memref<10240x64xf32, #tpu.memory_space<vmem_shared>>)
        %add3A_264 = arith.constant 5 : i32
        %add3A_265 = arith.addi %add3A_209, %add3A_264 : i32
        %dma_start3A_266 = arith.constant 0 : i32
        %dma_start3A_267 = tpu.memref_slice %arg6[%add3A_265, %dma_start3A_266] : memref<160x125xi32, #tpu.memory_space<vmem>> -> memref<1x125xi32, #tpu.memory_space<vmem>>
        %dma_start3A_268 = tpu.memref_squeeze %dma_start3A_267 : memref<1x125xi32, #tpu.memory_space<vmem>> -> memref<125xi32, #tpu.memory_space<vmem>>
        %dma_start3A_269 = arith.constant 0 : i32
        %dma_start3A_270 = arith.constant 0 : i32
        %dma_start3A_271 = tpu.memref_slice %arg4[%arg0, %dma_start3A_269, %dma_start3A_270] : memref<2x10240x64xf32, #tpu.memory_space<hbm>> -> memref<1x10240x64xf32, #tpu.memory_space<hbm>>
        %dma_start3A_272 = tpu.memref_squeeze %dma_start3A_271 : memref<1x10240x64xf32, #tpu.memory_space<hbm>> -> memref<10240x64xf32, #tpu.memory_space<hbm>>
        %dma_start3A_273 = arith.constant 0 : i32
        %dma_start3A_274 = arith.constant 0 : i32
        %dma_start3A_275 = tpu.memref_slice %dma_start3A_272[%dma_start3A_273, %dma_start3A_274] : memref<10240x64xf32, #tpu.memory_space<hbm>> -> memref<10240x64xf32, #tpu.memory_space<hbm>>
        tpu.enqueue_indirect_dma source(%dma_start3A_275 : memref<10240x64xf32, #tpu.memory_space<hbm>>) target(%arg8 : memref<125x64xf32, #tpu.memory_space<vmem>>) offsets(%dma_start3A_268 : memref<125xi32, #tpu.memory_space<vmem>>) semaphore(%arg14 : memref<!tpu.dma_semaphore, #tpu.memory_space<semaphore_mem>>)
      } else {
      }
      %mul3A_214 = arith.constant 5 : i32
      %mul3A_215 = arith.muli %scan3A_106, %mul3A_214 : i32
      %add3A_216 = arith.constant 1 : i32
      %add3A_217 = arith.addi %mul3A_215, %add3A_216 : i32
      %add3A_218 = arith.constant 5 : i32
      %add3A_219 = arith.addi %add3A_217, %add3A_218 : i32
      %lt3A_220 = arith.constant 160 : i32
      %lt3A_221 = arith.cmpi slt, %add3A_219, %lt3A_220 : i32
      %convert_element_type3A_222 = arith.extui %lt3A_221 : i1 to i32
      %cond3A_223 = arith.constant 0 : i32
      %cond3A_224 = arith.cmpi ne, %convert_element_type3A_222, %cond3A_223 : i32
      scf.if %cond3A_224 {
        %dma_wait3A_258 = arith.constant 0 : i32
        %dma_wait3A_259 = tpu.memref_slice %arg7[%add3A_217, %dma_wait3A_258] : memref<160x125xi32, #tpu.memory_space<vmem>> -> memref<1x125xi32, #tpu.memory_space<vmem>>
        %dma_wait3A_260 = tpu.memref_squeeze %dma_wait3A_259 : memref<1x125xi32, #tpu.memory_space<vmem>> -> memref<125xi32, #tpu.memory_space<vmem>>
        %dma_wait3A_261 = arith.constant 0 : i32
        %dma_wait3A_262 = arith.constant 0 : i32
        %dma_wait3A_263 = tpu.memref_slice %arg13[%dma_wait3A_261, %dma_wait3A_262] : memref<10240x64xf32, #tpu.memory_space<vmem_shared>> -> memref<10240x64xf32, #tpu.memory_space<vmem_shared>>
        tpu.wait_indirect_dma semaphore(%arg20 : memref<!tpu.dma_semaphore, #tpu.memory_space<semaphore_mem>>) src(%arg9 : memref<125x64xf32, #tpu.memory_space<vmem>>) dst(%dma_wait3A_263 : memref<10240x64xf32, #tpu.memory_space<vmem_shared>>)
        %add3A_264 = arith.constant 5 : i32
        %add3A_265 = arith.addi %add3A_217, %add3A_264 : i32
        %dma_start3A_266 = arith.constant 0 : i32
        %dma_start3A_267 = tpu.memref_slice %arg6[%add3A_265, %dma_start3A_266] : memref<160x125xi32, #tpu.memory_space<vmem>> -> memref<1x125xi32, #tpu.memory_space<vmem>>
        %dma_start3A_268 = tpu.memref_squeeze %dma_start3A_267 : memref<1x125xi32, #tpu.memory_space<vmem>> -> memref<125xi32, #tpu.memory_space<vmem>>
        %dma_start3A_269 = arith.constant 0 : i32
        %dma_start3A_270 = arith.constant 0 : i32
        %dma_start3A_271 = tpu.memref_slice %arg4[%arg0, %dma_start3A_269, %dma_start3A_270] : memref<2x10240x64xf32, #tpu.memory_space<hbm>> -> memref<1x10240x64xf32, #tpu.memory_space<hbm>>
        %dma_start3A_272 = tpu.memref_squeeze %dma_start3A_271 : memref<1x10240x64xf32, #tpu.memory_space<hbm>> -> memref<10240x64xf32, #tpu.memory_space<hbm>>
        %dma_start3A_273 = arith.constant 0 : i32
        %dma_start3A_274 = arith.constant 0 : i32
        %dma_start3A_275 = tpu.memref_slice %dma_start3A_272[%dma_start3A_273, %dma_start3A_274] : memref<10240x64xf32, #tpu.memory_space<hbm>> -> memref<10240x64xf32, #tpu.memory_space<hbm>>
        tpu.enqueue_indirect_dma source(%dma_start3A_275 : memref<10240x64xf32, #tpu.memory_space<hbm>>) target(%arg9 : memref<125x64xf32, #tpu.memory_space<vmem>>) offsets(%dma_start3A_268 : memref<125xi32, #tpu.memory_space<vmem>>) semaphore(%arg15 : memref<!tpu.dma_semaphore, #tpu.memory_space<semaphore_mem>>)
      } else {
      }
      %mul3A_225 = arith.constant 5 : i32
      %mul3A_226 = arith.muli %scan3A_106, %mul3A_225 : i32
      %add3A_227 = arith.constant 2 : i32
      %add3A_228 = arith.addi %mul3A_226, %add3A_227 : i32
      %add3A_229 = arith.constant 5 : i32
      %add3A_230 = arith.addi %add3A_228, %add3A_229 : i32
      %lt3A_231 = arith.constant 160 : i32
      %lt3A_232 = arith.cmpi slt, %add3A_230, %lt3A_231 : i32
      %convert_element_type3A_233 = arith.extui %lt3A_232 : i1 to i32
      %cond3A_234 = arith.constant 0 : i32
      %cond3A_235 = arith.cmpi ne, %convert_element_type3A_233, %cond3A_234 : i32
      scf.if %cond3A_235 {
        %dma_wait3A_258 = arith.constant 0 : i32
        %dma_wait3A_259 = tpu.memref_slice %arg7[%add3A_228, %dma_wait3A_258] : memref<160x125xi32, #tpu.memory_space<vmem>> -> memref<1x125xi32, #tpu.memory_space<vmem>>
        %dma_wait3A_260 = tpu.memref_squeeze %dma_wait3A_259 : memref<1x125xi32, #tpu.memory_space<vmem>> -> memref<125xi32, #tpu.memory_space<vmem>>
        %dma_wait3A_261 = arith.constant 0 : i32
        %dma_wait3A_262 = arith.constant 0 : i32
        %dma_wait3A_263 = tpu.memref_slice %arg13[%dma_wait3A_261, %dma_wait3A_262] : memref<10240x64xf32, #tpu.memory_space<vmem_shared>> -> memref<10240x64xf32, #tpu.memory_space<vmem_shared>>
        tpu.wait_indirect_dma semaphore(%arg21 : memref<!tpu.dma_semaphore, #tpu.memory_space<semaphore_mem>>) src(%arg10 : memref<125x64xf32, #tpu.memory_space<vmem>>) dst(%dma_wait3A_263 : memref<10240x64xf32, #tpu.memory_space<vmem_shared>>)
        %add3A_264 = arith.constant 5 : i32
        %add3A_265 = arith.addi %add3A_228, %add3A_264 : i32
        %dma_start3A_266 = arith.constant 0 : i32
        %dma_start3A_267 = tpu.memref_slice %arg6[%add3A_265, %dma_start3A_266] : memref<160x125xi32, #tpu.memory_space<vmem>> -> memref<1x125xi32, #tpu.memory_space<vmem>>
        %dma_start3A_268 = tpu.memref_squeeze %dma_start3A_267 : memref<1x125xi32, #tpu.memory_space<vmem>> -> memref<125xi32, #tpu.memory_space<vmem>>
        %dma_start3A_269 = arith.constant 0 : i32
        %dma_start3A_270 = arith.constant 0 : i32
        %dma_start3A_271 = tpu.memref_slice %arg4[%arg0, %dma_start3A_269, %dma_start3A_270] : memref<2x10240x64xf32, #tpu.memory_space<hbm>> -> memref<1x10240x64xf32, #tpu.memory_space<hbm>>
        %dma_start3A_272 = tpu.memref_squeeze %dma_start3A_271 : memref<1x10240x64xf32, #tpu.memory_space<hbm>> -> memref<10240x64xf32, #tpu.memory_space<hbm>>
        %dma_start3A_273 = arith.constant 0 : i32
        %dma_start3A_274 = arith.constant 0 : i32
        %dma_start3A_275 = tpu.memref_slice %dma_start3A_272[%dma_start3A_273, %dma_start3A_274] : memref<10240x64xf32, #tpu.memory_space<hbm>> -> memref<10240x64xf32, #tpu.memory_space<hbm>>
        tpu.enqueue_indirect_dma source(%dma_start3A_275 : memref<10240x64xf32, #tpu.memory_space<hbm>>) target(%arg10 : memref<125x64xf32, #tpu.memory_space<vmem>>) offsets(%dma_start3A_268 : memref<125xi32, #tpu.memory_space<vmem>>) semaphore(%arg16 : memref<!tpu.dma_semaphore, #tpu.memory_space<semaphore_mem>>)
      } else {
      }
      %mul3A_236 = arith.constant 5 : i32
      %mul3A_237 = arith.muli %scan3A_106, %mul3A_236 : i32
      %add3A_238 = arith.constant 3 : i32
      %add3A_239 = arith.addi %mul3A_237, %add3A_238 : i32
      %add3A_240 = arith.constant 5 : i32
      %add3A_241 = arith.addi %add3A_239, %add3A_240 : i32
      %lt3A_242 = arith.constant 160 : i32
      %lt3A_243 = arith.cmpi slt, %add3A_241, %lt3A_242 : i32
      %convert_element_type3A_244 = arith.extui %lt3A_243 : i1 to i32
      %cond3A_245 = arith.constant 0 : i32
      %cond3A_246 = arith.cmpi ne, %convert_element_type3A_244, %cond3A_245 : i32
      scf.if %cond3A_246 {
        %dma_wait3A_258 = arith.constant 0 : i32
        %dma_wait3A_259 = tpu.memref_slice %arg7[%add3A_239, %dma_wait3A_258] : memref<160x125xi32, #tpu.memory_space<vmem>> -> memref<1x125xi32, #tpu.memory_space<vmem>>
        %dma_wait3A_260 = tpu.memref_squeeze %dma_wait3A_259 : memref<1x125xi32, #tpu.memory_space<vmem>> -> memref<125xi32, #tpu.memory_space<vmem>>
        %dma_wait3A_261 = arith.constant 0 : i32
        %dma_wait3A_262 = arith.constant 0 : i32
        %dma_wait3A_263 = tpu.memref_slice %arg13[%dma_wait3A_261, %dma_wait3A_262] : memref<10240x64xf32, #tpu.memory_space<vmem_shared>> -> memref<10240x64xf32, #tpu.memory_space<vmem_shared>>
        tpu.wait_indirect_dma semaphore(%arg22 : memref<!tpu.dma_semaphore, #tpu.memory_space<semaphore_mem>>) src(%arg11 : memref<125x64xf32, #tpu.memory_space<vmem>>) dst(%dma_wait3A_263 : memref<10240x64xf32, #tpu.memory_space<vmem_shared>>)
        %add3A_264 = arith.constant 5 : i32
        %add3A_265 = arith.addi %add3A_239, %add3A_264 : i32
        %dma_start3A_266 = arith.constant 0 : i32
        %dma_start3A_267 = tpu.memref_slice %arg6[%add3A_265, %dma_start3A_266] : memref<160x125xi32, #tpu.memory_space<vmem>> -> memref<1x125xi32, #tpu.memory_space<vmem>>
        %dma_start3A_268 = tpu.memref_squeeze %dma_start3A_267 : memref<1x125xi32, #tpu.memory_space<vmem>> -> memref<125xi32, #tpu.memory_space<vmem>>
        %dma_start3A_269 = arith.constant 0 : i32
        %dma_start3A_270 = arith.constant 0 : i32
        %dma_start3A_271 = tpu.memref_slice %arg4[%arg0, %dma_start3A_269, %dma_start3A_270] : memref<2x10240x64xf32, #tpu.memory_space<hbm>> -> memref<1x10240x64xf32, #tpu.memory_space<hbm>>
        %dma_start3A_272 = tpu.memref_squeeze %dma_start3A_271 : memref<1x10240x64xf32, #tpu.memory_space<hbm>> -> memref<10240x64xf32, #tpu.memory_space<hbm>>
        %dma_start3A_273 = arith.constant 0 : i32
        %dma_start3A_274 = arith.constant 0 : i32
        %dma_start3A_275 = tpu.memref_slice %dma_start3A_272[%dma_start3A_273, %dma_start3A_274] : memref<10240x64xf32, #tpu.memory_space<hbm>> -> memref<10240x64xf32, #tpu.memory_space<hbm>>
        tpu.enqueue_indirect_dma source(%dma_start3A_275 : memref<10240x64xf32, #tpu.memory_space<hbm>>) target(%arg11 : memref<125x64xf32, #tpu.memory_space<vmem>>) offsets(%dma_start3A_268 : memref<125xi32, #tpu.memory_space<vmem>>) semaphore(%arg17 : memref<!tpu.dma_semaphore, #tpu.memory_space<semaphore_mem>>)
      } else {
      }
      %mul3A_247 = arith.constant 5 : i32
      %mul3A_248 = arith.muli %scan3A_106, %mul3A_247 : i32
      %add3A_249 = arith.constant 4 : i32
      %add3A_250 = arith.addi %mul3A_248, %add3A_249 : i32
      %add3A_251 = arith.constant 5 : i32
      %add3A_252 = arith.addi %add3A_250, %add3A_251 : i32
      %lt3A_253 = arith.constant 160 : i32
      %lt3A_254 = arith.cmpi slt, %add3A_252, %lt3A_253 : i32
      %convert_element_type3A_255 = arith.extui %lt3A_254 : i1 to i32
      %cond3A_256 = arith.constant 0 : i32
      %cond3A_257 = arith.cmpi ne, %convert_element_type3A_255, %cond3A_256 : i32
      scf.if %cond3A_257 {
        %dma_wait3A_258 = arith.constant 0 : i32
        %dma_wait3A_259 = tpu.memref_slice %arg7[%add3A_250, %dma_wait3A_258] : memref<160x125xi32, #tpu.memory_space<vmem>> -> memref<1x125xi32, #tpu.memory_space<vmem>>
        %dma_wait3A_260 = tpu.memref_squeeze %dma_wait3A_259 : memref<1x125xi32, #tpu.memory_space<vmem>> -> memref<125xi32, #tpu.memory_space<vmem>>
        %dma_wait3A_261 = arith.constant 0 : i32
        %dma_wait3A_262 = arith.constant 0 : i32
        %dma_wait3A_263 = tpu.memref_slice %arg13[%dma_wait3A_261, %dma_wait3A_262] : memref<10240x64xf32, #tpu.memory_space<vmem_shared>> -> memref<10240x64xf32, #tpu.memory_space<vmem_shared>>
        tpu.wait_indirect_dma semaphore(%arg23 : memref<!tpu.dma_semaphore, #tpu.memory_space<semaphore_mem>>) src(%arg12 : memref<125x64xf32, #tpu.memory_space<vmem>>) dst(%dma_wait3A_263 : memref<10240x64xf32, #tpu.memory_space<vmem_shared>>)
        %add3A_264 = arith.constant 5 : i32
        %add3A_265 = arith.addi %add3A_250, %add3A_264 : i32
        %dma_start3A_266 = arith.constant 0 : i32
        %dma_start3A_267 = tpu.memref_slice %arg6[%add3A_265, %dma_start3A_266] : memref<160x125xi32, #tpu.memory_space<vmem>> -> memref<1x125xi32, #tpu.memory_space<vmem>>
        %dma_start3A_268 = tpu.memref_squeeze %dma_start3A_267 : memref<1x125xi32, #tpu.memory_space<vmem>> -> memref<125xi32, #tpu.memory_space<vmem>>
        %dma_start3A_269 = arith.constant 0 : i32
        %dma_start3A_270 = arith.constant 0 : i32
        %dma_start3A_271 = tpu.memref_slice %arg4[%arg0, %dma_start3A_269, %dma_start3A_270] : memref<2x10240x64xf32, #tpu.memory_space<hbm>> -> memref<1x10240x64xf32, #tpu.memory_space<hbm>>
        %dma_start3A_272 = tpu.memref_squeeze %dma_start3A_271 : memref<1x10240x64xf32, #tpu.memory_space<hbm>> -> memref<10240x64xf32, #tpu.memory_space<hbm>>
        %dma_start3A_273 = arith.constant 0 : i32
        %dma_start3A_274 = arith.constant 0 : i32
        %dma_start3A_275 = tpu.memref_slice %dma_start3A_272[%dma_start3A_273, %dma_start3A_274] : memref<10240x64xf32, #tpu.memory_space<hbm>> -> memref<10240x64xf32, #tpu.memory_space<hbm>>
        tpu.enqueue_indirect_dma source(%dma_start3A_275 : memref<10240x64xf32, #tpu.memory_space<hbm>>) target(%arg12 : memref<125x64xf32, #tpu.memory_space<vmem>>) offsets(%dma_start3A_268 : memref<125xi32, #tpu.memory_space<vmem>>) semaphore(%arg18 : memref<!tpu.dma_semaphore, #tpu.memory_space<semaphore_mem>>)
      } else {
      }
    }
    %scan3A_67 = arith.constant 32 : i32
    %dma_wait3A = arith.constant 155 : i32
    %dma_wait3A_68 = arith.constant 0 : i32
    %dma_wait3A_69 = tpu.memref_slice %arg7[%dma_wait3A, %dma_wait3A_68] : memref<160x125xi32, #tpu.memory_space<vmem>> -> memref<1x125xi32, #tpu.memory_space<vmem>>
    %dma_wait3A_70 = tpu.memref_squeeze %dma_wait3A_69 : memref<1x125xi32, #tpu.memory_space<vmem>> -> memref<125xi32, #tpu.memory_space<vmem>>
    %dma_wait3A_71 = arith.constant 0 : i32
    %dma_wait3A_72 = arith.constant 0 : i32
    %dma_wait3A_73 = tpu.memref_slice %arg13[%dma_wait3A_71, %dma_wait3A_72] : memref<10240x64xf32, #tpu.memory_space<vmem_shared>> -> memref<10240x64xf32, #tpu.memory_space<vmem_shared>>
    tpu.wait_indirect_dma semaphore(%arg19 : memref<!tpu.dma_semaphore, #tpu.memory_space<semaphore_mem>>) src(%arg8 : memref<125x64xf32, #tpu.memory_space<vmem>>) dst(%dma_wait3A_73 : memref<10240x64xf32, #tpu.memory_space<vmem_shared>>)
    %dma_wait3A_74 = arith.constant 156 : i32
    %dma_wait3A_75 = arith.constant 0 : i32
    %dma_wait3A_76 = tpu.memref_slice %arg7[%dma_wait3A_74, %dma_wait3A_75] : memref<160x125xi32, #tpu.memory_space<vmem>> -> memref<1x125xi32, #tpu.memory_space<vmem>>
    %dma_wait3A_77 = tpu.memref_squeeze %dma_wait3A_76 : memref<1x125xi32, #tpu.memory_space<vmem>> -> memref<125xi32, #tpu.memory_space<vmem>>
    %dma_wait3A_78 = arith.constant 0 : i32
    %dma_wait3A_79 = arith.constant 0 : i32
    %dma_wait3A_80 = tpu.memref_slice %arg13[%dma_wait3A_78, %dma_wait3A_79] : memref<10240x64xf32, #tpu.memory_space<vmem_shared>> -> memref<10240x64xf32, #tpu.memory_space<vmem_shared>>
    tpu.wait_indirect_dma semaphore(%arg20 : memref<!tpu.dma_semaphore, #tpu.memory_space<semaphore_mem>>) src(%arg9 : memref<125x64xf32, #tpu.memory_space<vmem>>) dst(%dma_wait3A_80 : memref<10240x64xf32, #tpu.memory_space<vmem_shared>>)
    %dma_wait3A_81 = arith.constant 157 : i32
    %dma_wait3A_82 = arith.constant 0 : i32
    %dma_wait3A_83 = tpu.memref_slice %arg7[%dma_wait3A_81, %dma_wait3A_82] : memref<160x125xi32, #tpu.memory_space<vmem>> -> memref<1x125xi32, #tpu.memory_space<vmem>>
    %dma_wait3A_84 = tpu.memref_squeeze %dma_wait3A_83 : memref<1x125xi32, #tpu.memory_space<vmem>> -> memref<125xi32, #tpu.memory_space<vmem>>
    %dma_wait3A_85 = arith.constant 0 : i32
    %dma_wait3A_86 = arith.constant 0 : i32
    %dma_wait3A_87 = tpu.memref_slice %arg13[%dma_wait3A_85, %dma_wait3A_86] : memref<10240x64xf32, #tpu.memory_space<vmem_shared>> -> memref<10240x64xf32, #tpu.memory_space<vmem_shared>>
    tpu.wait_indirect_dma semaphore(%arg21 : memref<!tpu.dma_semaphore, #tpu.memory_space<semaphore_mem>>) src(%arg10 : memref<125x64xf32, #tpu.memory_space<vmem>>) dst(%dma_wait3A_87 : memref<10240x64xf32, #tpu.memory_space<vmem_shared>>)
    %dma_wait3A_88 = arith.constant 158 : i32
    %dma_wait3A_89 = arith.constant 0 : i32
    %dma_wait3A_90 = tpu.memref_slice %arg7[%dma_wait3A_88, %dma_wait3A_89] : memref<160x125xi32, #tpu.memory_space<vmem>> -> memref<1x125xi32, #tpu.memory_space<vmem>>
    %dma_wait3A_91 = tpu.memref_squeeze %dma_wait3A_90 : memref<1x125xi32, #tpu.memory_space<vmem>> -> memref<125xi32, #tpu.memory_space<vmem>>
    %dma_wait3A_92 = arith.constant 0 : i32
    %dma_wait3A_93 = arith.constant 0 : i32
    %dma_wait3A_94 = tpu.memref_slice %arg13[%dma_wait3A_92, %dma_wait3A_93] : memref<10240x64xf32, #tpu.memory_space<vmem_shared>> -> memref<10240x64xf32, #tpu.memory_space<vmem_shared>>
    tpu.wait_indirect_dma semaphore(%arg22 : memref<!tpu.dma_semaphore, #tpu.memory_space<semaphore_mem>>) src(%arg11 : memref<125x64xf32, #tpu.memory_space<vmem>>) dst(%dma_wait3A_94 : memref<10240x64xf32, #tpu.memory_space<vmem_shared>>)
    %dma_wait3A_95 = arith.constant 159 : i32
    %dma_wait3A_96 = arith.constant 0 : i32
    %dma_wait3A_97 = tpu.memref_slice %arg7[%dma_wait3A_95, %dma_wait3A_96] : memref<160x125xi32, #tpu.memory_space<vmem>> -> memref<1x125xi32, #tpu.memory_space<vmem>>
    %dma_wait3A_98 = tpu.memref_squeeze %dma_wait3A_97 : memref<1x125xi32, #tpu.memory_space<vmem>> -> memref<125xi32, #tpu.memory_space<vmem>>
    %dma_wait3A_99 = arith.constant 0 : i32
    %dma_wait3A_100 = arith.constant 0 : i32
    %dma_wait3A_101 = tpu.memref_slice %arg13[%dma_wait3A_99, %dma_wait3A_100] : memref<10240x64xf32, #tpu.memory_space<vmem_shared>> -> memref<10240x64xf32, #tpu.memory_space<vmem_shared>>
    tpu.wait_indirect_dma semaphore(%arg23 : memref<!tpu.dma_semaphore, #tpu.memory_space<semaphore_mem>>) src(%arg12 : memref<125x64xf32, #tpu.memory_space<vmem>>) dst(%dma_wait3A_101 : memref<10240x64xf32, #tpu.memory_space<vmem_shared>>)
    %barrier3A_102 = arith.constant 0 : index
    tpu.barrier barrier_id(%barrier3A_102)
    %mul3A = arith.constant 640 : i32
    %mul3A_103 = arith.muli %arg1, %mul3A : i32
    %mul3A_104 = arith.constant 640 : i32
    %mul3A_105 = arith.muli %arg1, %mul3A_104 : i32
    "tpu.region"() ({
      %run_scoped3A = tpu.sem_alloc : memref<!tpu.dma_semaphore, #tpu.memory_space<semaphore_mem>>
      %dma_start3A_106 = arith.constant 0 : i32
      %dma_start3A_107 = tpu.memref_slice %arg5[%arg0, %mul3A_105, %dma_start3A_106] : memref<2x10240x64xf32, #tpu.memory_space<hbm>> -> memref<1x640x64xf32, #tpu.memory_space<hbm>>
      %dma_start3A_108 = tpu.memref_squeeze %dma_start3A_107 : memref<1x640x64xf32, #tpu.memory_space<hbm>> -> memref<640x64xf32, #tpu.memory_space<hbm>>
      %dma_start3A_109 = arith.constant 0 : i32
      %dma_start3A_110 = tpu.memref_slice %arg13[%mul3A_103, %dma_start3A_109] : memref<10240x64xf32, #tpu.memory_space<vmem_shared>> -> memref<640x64xf32, #tpu.memory_space<vmem_shared>>
      tpu.enqueue_dma source(%dma_start3A_110 : memref<640x64xf32, #tpu.memory_space<vmem_shared>>) target(%dma_start3A_108 : memref<640x64xf32, #tpu.memory_space<hbm>>) target_semaphore(%run_scoped3A : memref<!tpu.dma_semaphore, #tpu.memory_space<semaphore_mem>>)
      %dma_wait3A_111 = arith.constant 0 : i32
      %dma_wait3A_112 = tpu.memref_slice %arg5[%arg0, %mul3A_105, %dma_wait3A_111] : memref<2x10240x64xf32, #tpu.memory_space<hbm>> -> memref<1x640x64xf32, #tpu.memory_space<hbm>>
      %dma_wait3A_113 = tpu.memref_squeeze %dma_wait3A_112 : memref<1x640x64xf32, #tpu.memory_space<hbm>> -> memref<640x64xf32, #tpu.memory_space<hbm>>
      %dma_wait3A_114 = arith.constant 0 : i32
      %dma_wait3A_115 = tpu.memref_slice %arg13[%mul3A_103, %dma_wait3A_114] : memref<10240x64xf32, #tpu.memory_space<vmem_shared>> -> memref<640x64xf32, #tpu.memory_space<vmem_shared>>
      tpu.wait_dma2 semaphore(%run_scoped3A : memref<!tpu.dma_semaphore, #tpu.memory_space<semaphore_mem>>) src(%dma_wait3A_115 : memref<640x64xf32, #tpu.memory_space<vmem_shared>>) dst(%dma_wait3A_113 : memref<640x64xf32, #tpu.memory_space<hbm>>)
      tpu.yield
    }) : () -> ()
    return
  }
}

#map = affine_map<(d0, d1) -> (0, 0, 0)>
#map1 = affine_map<(d0, d1) -> (0, 0)>
module attributes {stable_mosaic.version = 14 : i64} {
  func.func @_deg_sc(%arg0: i32, %arg1: i32, %arg2: memref<32x125x80xi32, #tpu.memory_space<hbm>>, %arg3: memref<2x10240xf32, #tpu.memory_space<hbm>>, %arg4: memref<125x80xi32, #tpu.memory_space<vmem>>, %arg5: memref<80xf32, #tpu.memory_space<vmem>>, %arg6: memref<640xf32, #tpu.memory_space<vmem>>, %arg7: memref<10240xf32, #tpu.memory_space<vmem_shared>>, %arg8: memref<!tpu.dma_semaphore, #tpu.memory_space<semaphore_mem>>) attributes {dimension_semantics = [#tpu.dimension_semantics<core_parallel>, #tpu.dimension_semantics<subcore_parallel>], iteration_bounds = array<i64: 2, 16>, scalar_prefetch = 0 : i64, scratch_operands = 5 : i64, tpu.core_type = #tpu.core_type<sc_vector_subcore>, window_params = [{transform_indices = #map}, {transform_indices = #map1}]} {
    %scan3A = arith.constant 0 : i32
    %scan3A_0 = arith.constant 40 : i32
    %scan3A_1 = arith.addi %scan3A, %scan3A_0 : i32
    %scan3A_2 = arith.constant 1 : i32
    scf.for %scan3A_139 = %scan3A to %scan3A_1 step %scan3A_2  : i32 {
      %broadcast_in_dim3A_140 = arith.constant 0.000000e+00 : f32
      %broadcast_in_dim3A_141 = vector.broadcast %broadcast_in_dim3A_140 : f32 to vector<16xf32>
      %mul3A_142 = arith.constant 16 : i32
      %mul3A_143 = arith.muli %scan3A_139, %mul3A_142 : i32
      %swap3A_144 = arith.index_cast %mul3A_143 : i32 to index
      %swap3A_145 = tpu.vector_load %arg6[%swap3A_144] {strides = array<i32>} : memref<640xf32, #tpu.memory_space<vmem>>, vector<16xf32>,
      %swap3A_146 = vector.shape_cast %swap3A_145 : vector<16xf32> to vector<16xf32>
      %swap3A_147 = vector.shape_cast %broadcast_in_dim3A_141 : vector<16xf32> to vector<16xf32>
      tpu.vector_store %arg6[%swap3A_144], %swap3A_147 {strides = array<i32>} : memref<640xf32, #tpu.memory_space<vmem>>, vector<16xf32>,
    }
    %scan3A_3 = arith.constant 40 : i32
    %broadcast_in_dim3A = arith.constant 1.000000e+00 : f32
    %broadcast_in_dim3A_4 = vector.broadcast %broadcast_in_dim3A : f32 to vector<16xf32>
    %swap3A = arith.constant 0 : index
    %swap3A_5 = tpu.vector_load %arg5[%swap3A] {strides = array<i32>} : memref<80xf32, #tpu.memory_space<vmem>>, vector<16xf32>,
    %swap3A_6 = vector.shape_cast %swap3A_5 : vector<16xf32> to vector<16xf32>
    %swap3A_7 = vector.shape_cast %broadcast_in_dim3A_4 : vector<16xf32> to vector<16xf32>
    tpu.vector_store %arg5[%swap3A], %swap3A_7 {strides = array<i32>} : memref<80xf32, #tpu.memory_space<vmem>>, vector<16xf32>,
    %broadcast_in_dim3A_8 = arith.constant 1.000000e+00 : f32
    %broadcast_in_dim3A_9 = vector.broadcast %broadcast_in_dim3A_8 : f32 to vector<16xf32>
    %swap3A_10 = arith.constant 16 : index
    %swap3A_11 = tpu.vector_load %arg5[%swap3A_10] {strides = array<i32>} : memref<80xf32, #tpu.memory_space<vmem>>, vector<16xf32>,
    %swap3A_12 = vector.shape_cast %swap3A_11 : vector<16xf32> to vector<16xf32>
    %swap3A_13 = vector.shape_cast %broadcast_in_dim3A_9 : vector<16xf32> to vector<16xf32>
    tpu.vector_store %arg5[%swap3A_10], %swap3A_13 {strides = array<i32>} : memref<80xf32, #tpu.memory_space<vmem>>, vector<16xf32>,
    %broadcast_in_dim3A_14 = arith.constant 1.000000e+00 : f32
    %broadcast_in_dim3A_15 = vector.broadcast %broadcast_in_dim3A_14 : f32 to vector<16xf32>
    %swap3A_16 = arith.constant 32 : index
    %swap3A_17 = tpu.vector_load %arg5[%swap3A_16] {strides = array<i32>} : memref<80xf32, #tpu.memory_space<vmem>>, vector<16xf32>,
    %swap3A_18 = vector.shape_cast %swap3A_17 : vector<16xf32> to vector<16xf32>
    %swap3A_19 = vector.shape_cast %broadcast_in_dim3A_15 : vector<16xf32> to vector<16xf32>
    tpu.vector_store %arg5[%swap3A_16], %swap3A_19 {strides = array<i32>} : memref<80xf32, #tpu.memory_space<vmem>>, vector<16xf32>,
    %broadcast_in_dim3A_20 = arith.constant 1.000000e+00 : f32
    %broadcast_in_dim3A_21 = vector.broadcast %broadcast_in_dim3A_20 : f32 to vector<16xf32>
    %swap3A_22 = arith.constant 48 : index
    %swap3A_23 = tpu.vector_load %arg5[%swap3A_22] {strides = array<i32>} : memref<80xf32, #tpu.memory_space<vmem>>, vector<16xf32>,
    %swap3A_24 = vector.shape_cast %swap3A_23 : vector<16xf32> to vector<16xf32>
    %swap3A_25 = vector.shape_cast %broadcast_in_dim3A_21 : vector<16xf32> to vector<16xf32>
    tpu.vector_store %arg5[%swap3A_22], %swap3A_25 {strides = array<i32>} : memref<80xf32, #tpu.memory_space<vmem>>, vector<16xf32>,
    %broadcast_in_dim3A_26 = arith.constant 1.000000e+00 : f32
    %broadcast_in_dim3A_27 = vector.broadcast %broadcast_in_dim3A_26 : f32 to vector<16xf32>
    %swap3A_28 = arith.constant 64 : index
    %swap3A_29 = tpu.vector_load %arg5[%swap3A_28] {strides = array<i32>} : memref<80xf32, #tpu.memory_space<vmem>>, vector<16xf32>,
    %swap3A_30 = vector.shape_cast %swap3A_29 : vector<16xf32> to vector<16xf32>
    %swap3A_31 = vector.shape_cast %broadcast_in_dim3A_27 : vector<16xf32> to vector<16xf32>
    tpu.vector_store %arg5[%swap3A_28], %swap3A_31 {strides = array<i32>} : memref<80xf32, #tpu.memory_space<vmem>>, vector<16xf32>,
    %mul3A = arith.constant 640 : i32
    %mul3A_32 = arith.muli %arg1, %mul3A : i32
    "tpu.region"() ({
      %run_scoped3A = tpu.sem_alloc : memref<!tpu.dma_semaphore, #tpu.memory_space<semaphore_mem>>
      %dma_start3A_139 = tpu.memref_slice %arg7[%mul3A_32] : memref<10240xf32, #tpu.memory_space<vmem_shared>> -> memref<640xf32, #tpu.memory_space<vmem_shared>>
      %dma_start3A_140 = tpu.memref_slice %arg7[%mul3A_32] : memref<10240xf32, #tpu.memory_space<vmem_shared>> -> memref<640xf32, #tpu.memory_space<vmem_shared>>
      tpu.enqueue_dma source(%arg6 : memref<640xf32, #tpu.memory_space<vmem>>) target(%dma_start3A_140 : memref<640xf32, #tpu.memory_space<vmem_shared>>) target_semaphore(%run_scoped3A : memref<!tpu.dma_semaphore, #tpu.memory_space<semaphore_mem>>)
      %dma_wait3A_141 = tpu.memref_slice %arg7[%mul3A_32] : memref<10240xf32, #tpu.memory_space<vmem_shared>> -> memref<640xf32, #tpu.memory_space<vmem_shared>>
      %dma_wait3A_142 = tpu.memref_slice %arg7[%mul3A_32] : memref<10240xf32, #tpu.memory_space<vmem_shared>> -> memref<640xf32, #tpu.memory_space<vmem_shared>>
      tpu.wait_dma2 semaphore(%run_scoped3A : memref<!tpu.dma_semaphore, #tpu.memory_space<semaphore_mem>>) src(%arg6 : memref<640xf32, #tpu.memory_space<vmem>>) dst(%dma_wait3A_142 : memref<640xf32, #tpu.memory_space<vmem_shared>>)
      tpu.yield
    }) : () -> ()
    %mul3A_33 = arith.constant 16 : i32
    %mul3A_34 = arith.muli %arg0, %mul3A_33 : i32
    %add3A = arith.addi %mul3A_34, %arg1 : i32
    "tpu.region"() ({
      %run_scoped3A = tpu.sem_alloc : memref<!tpu.dma_semaphore, #tpu.memory_space<semaphore_mem>>
      %dma_start3A_139 = arith.constant 0 : i32
      %dma_start3A_140 = arith.constant 0 : i32
      %dma_start3A_141 = tpu.memref_slice %arg2[%add3A, %dma_start3A_139, %dma_start3A_140] : memref<32x125x80xi32, #tpu.memory_space<hbm>> -> memref<1x125x80xi32, #tpu.memory_space<hbm>>
      %dma_start3A_142 = tpu.memref_squeeze %dma_start3A_141 : memref<1x125x80xi32, #tpu.memory_space<hbm>> -> memref<125x80xi32, #tpu.memory_space<hbm>>
      %dma_start3A_143 = arith.constant 0 : i32
      %dma_start3A_144 = arith.constant 0 : i32
      %dma_start3A_145 = tpu.memref_slice %arg2[%add3A, %dma_start3A_143, %dma_start3A_144] : memref<32x125x80xi32, #tpu.memory_space<hbm>> -> memref<1x125x80xi32, #tpu.memory_space<hbm>>
      %dma_start3A_146 = tpu.memref_squeeze %dma_start3A_145 : memref<1x125x80xi32, #tpu.memory_space<hbm>> -> memref<125x80xi32, #tpu.memory_space<hbm>>
      tpu.enqueue_dma source(%dma_start3A_146 : memref<125x80xi32, #tpu.memory_space<hbm>>) target(%arg4 : memref<125x80xi32, #tpu.memory_space<vmem>>) target_semaphore(%run_scoped3A : memref<!tpu.dma_semaphore, #tpu.memory_space<semaphore_mem>>)
      %dma_wait3A_147 = arith.constant 0 : i32
      %dma_wait3A_148 = arith.constant 0 : i32
      %dma_wait3A_149 = tpu.memref_slice %arg2[%add3A, %dma_wait3A_147, %dma_wait3A_148] : memref<32x125x80xi32, #tpu.memory_space<hbm>> -> memref<1x125x80xi32, #tpu.memory_space<hbm>>
      %dma_wait3A_150 = tpu.memref_squeeze %dma_wait3A_149 : memref<1x125x80xi32, #tpu.memory_space<hbm>> -> memref<125x80xi32, #tpu.memory_space<hbm>>
      %dma_wait3A_151 = arith.constant 0 : i32
      %dma_wait3A_152 = arith.constant 0 : i32
      %dma_wait3A_153 = tpu.memref_slice %arg2[%add3A, %dma_wait3A_151, %dma_wait3A_152] : memref<32x125x80xi32, #tpu.memory_space<hbm>> -> memref<1x125x80xi32, #tpu.memory_space<hbm>>
      %dma_wait3A_154 = tpu.memref_squeeze %dma_wait3A_153 : memref<1x125x80xi32, #tpu.memory_space<hbm>> -> memref<125x80xi32, #tpu.memory_space<hbm>>
      tpu.wait_dma2 semaphore(%run_scoped3A : memref<!tpu.dma_semaphore, #tpu.memory_space<semaphore_mem>>) src(%dma_wait3A_154 : memref<125x80xi32, #tpu.memory_space<hbm>>) dst(%arg4 : memref<125x80xi32, #tpu.memory_space<vmem>>)
      tpu.yield
    }) : () -> ()
    %barrier3A = arith.constant 0 : index
    tpu.barrier barrier_id(%barrier3A)
    %dma_start3A = arith.constant 0 : i32
    %dma_start3A_35 = arith.constant 0 : i32
    %dma_start3A_36 = tpu.memref_slice %arg4[%dma_start3A, %dma_start3A_35] : memref<125x80xi32, #tpu.memory_space<vmem>> -> memref<1x80xi32, #tpu.memory_space<vmem>>
    %dma_start3A_37 = tpu.memref_squeeze %dma_start3A_36 : memref<1x80xi32, #tpu.memory_space<vmem>> -> memref<80xi32, #tpu.memory_space<vmem>>
    %dma_start3A_38 = arith.constant 0 : i32
    %dma_start3A_39 = tpu.memref_slice %arg7[%dma_start3A_38] : memref<10240xf32, #tpu.memory_space<vmem_shared>> -> memref<10240xf32, #tpu.memory_space<vmem_shared>>
    tpu.enqueue_indirect_dma source(%arg5 : memref<80xf32, #tpu.memory_space<vmem>>) target(%dma_start3A_39 : memref<10240xf32, #tpu.memory_space<vmem_shared>>) offsets(%dma_start3A_37 : memref<80xi32, #tpu.memory_space<vmem>>) semaphore(%arg8 : memref<!tpu.dma_semaphore, #tpu.memory_space<semaphore_mem>>) {add = true}
    %dma_start3A_40 = arith.constant 1 : i32
    %dma_start3A_41 = arith.constant 0 : i32
    %dma_start3A_42 = tpu.memref_slice %arg4[%dma_start3A_40, %dma_start3A_41] : memref<125x80xi32, #tpu.memory_space<vmem>> -> memref<1x80xi32, #tpu.memory_space<vmem>>
    %dma_start3A_43 = tpu.memref_squeeze %dma_start3A_42 : memref<1x80xi32, #tpu.memory_space<vmem>> -> memref<80xi32, #tpu.memory_space<vmem>>
    %dma_start3A_44 = arith.constant 0 : i32
    %dma_start3A_45 = tpu.memref_slice %arg7[%dma_start3A_44] : memref<10240xf32, #tpu.memory_space<vmem_shared>> -> memref<10240xf32, #tpu.memory_space<vmem_shared>>
    tpu.enqueue_indirect_dma source(%arg5 : memref<80xf32, #tpu.memory_space<vmem>>) target(%dma_start3A_45 : memref<10240xf32, #tpu.memory_space<vmem_shared>>) offsets(%dma_start3A_43 : memref<80xi32, #tpu.memory_space<vmem>>) semaphore(%arg8 : memref<!tpu.dma_semaphore, #tpu.memory_space<semaphore_mem>>) {add = true}
    %dma_start3A_46 = arith.constant 2 : i32
    %dma_start3A_47 = arith.constant 0 : i32
    %dma_start3A_48 = tpu.memref_slice %arg4[%dma_start3A_46, %dma_start3A_47] : memref<125x80xi32, #tpu.memory_space<vmem>> -> memref<1x80xi32, #tpu.memory_space<vmem>>
    %dma_start3A_49 = tpu.memref_squeeze %dma_start3A_48 : memref<1x80xi32, #tpu.memory_space<vmem>> -> memref<80xi32, #tpu.memory_space<vmem>>
    %dma_start3A_50 = arith.constant 0 : i32
    %dma_start3A_51 = tpu.memref_slice %arg7[%dma_start3A_50] : memref<10240xf32, #tpu.memory_space<vmem_shared>> -> memref<10240xf32, #tpu.memory_space<vmem_shared>>
    tpu.enqueue_indirect_dma source(%arg5 : memref<80xf32, #tpu.memory_space<vmem>>) target(%dma_start3A_51 : memref<10240xf32, #tpu.memory_space<vmem_shared>>) offsets(%dma_start3A_49 : memref<80xi32, #tpu.memory_space<vmem>>) semaphore(%arg8 : memref<!tpu.dma_semaphore, #tpu.memory_space<semaphore_mem>>) {add = true}
    %dma_start3A_52 = arith.constant 3 : i32
    %dma_start3A_53 = arith.constant 0 : i32
    %dma_start3A_54 = tpu.memref_slice %arg4[%dma_start3A_52, %dma_start3A_53] : memref<125x80xi32, #tpu.memory_space<vmem>> -> memref<1x80xi32, #tpu.memory_space<vmem>>
    %dma_start3A_55 = tpu.memref_squeeze %dma_start3A_54 : memref<1x80xi32, #tpu.memory_space<vmem>> -> memref<80xi32, #tpu.memory_space<vmem>>
    %dma_start3A_56 = arith.constant 0 : i32
    %dma_start3A_57 = tpu.memref_slice %arg7[%dma_start3A_56] : memref<10240xf32, #tpu.memory_space<vmem_shared>> -> memref<10240xf32, #tpu.memory_space<vmem_shared>>
    tpu.enqueue_indirect_dma source(%arg5 : memref<80xf32, #tpu.memory_space<vmem>>) target(%dma_start3A_57 : memref<10240xf32, #tpu.memory_space<vmem_shared>>) offsets(%dma_start3A_55 : memref<80xi32, #tpu.memory_space<vmem>>) semaphore(%arg8 : memref<!tpu.dma_semaphore, #tpu.memory_space<semaphore_mem>>) {add = true}
    %dma_start3A_58 = arith.constant 4 : i32
    %dma_start3A_59 = arith.constant 0 : i32
    %dma_start3A_60 = tpu.memref_slice %arg4[%dma_start3A_58, %dma_start3A_59] : memref<125x80xi32, #tpu.memory_space<vmem>> -> memref<1x80xi32, #tpu.memory_space<vmem>>
    %dma_start3A_61 = tpu.memref_squeeze %dma_start3A_60 : memref<1x80xi32, #tpu.memory_space<vmem>> -> memref<80xi32, #tpu.memory_space<vmem>>
    %dma_start3A_62 = arith.constant 0 : i32
    %dma_start3A_63 = tpu.memref_slice %arg7[%dma_start3A_62] : memref<10240xf32, #tpu.memory_space<vmem_shared>> -> memref<10240xf32, #tpu.memory_space<vmem_shared>>
    tpu.enqueue_indirect_dma source(%arg5 : memref<80xf32, #tpu.memory_space<vmem>>) target(%dma_start3A_63 : memref<10240xf32, #tpu.memory_space<vmem_shared>>) offsets(%dma_start3A_61 : memref<80xi32, #tpu.memory_space<vmem>>) semaphore(%arg8 : memref<!tpu.dma_semaphore, #tpu.memory_space<semaphore_mem>>) {add = true}
    %dma_start3A_64 = arith.constant 5 : i32
    %dma_start3A_65 = arith.constant 0 : i32
    %dma_start3A_66 = tpu.memref_slice %arg4[%dma_start3A_64, %dma_start3A_65] : memref<125x80xi32, #tpu.memory_space<vmem>> -> memref<1x80xi32, #tpu.memory_space<vmem>>
    %dma_start3A_67 = tpu.memref_squeeze %dma_start3A_66 : memref<1x80xi32, #tpu.memory_space<vmem>> -> memref<80xi32, #tpu.memory_space<vmem>>
    %dma_start3A_68 = arith.constant 0 : i32
    %dma_start3A_69 = tpu.memref_slice %arg7[%dma_start3A_68] : memref<10240xf32, #tpu.memory_space<vmem_shared>> -> memref<10240xf32, #tpu.memory_space<vmem_shared>>
    tpu.enqueue_indirect_dma source(%arg5 : memref<80xf32, #tpu.memory_space<vmem>>) target(%dma_start3A_69 : memref<10240xf32, #tpu.memory_space<vmem_shared>>) offsets(%dma_start3A_67 : memref<80xi32, #tpu.memory_space<vmem>>) semaphore(%arg8 : memref<!tpu.dma_semaphore, #tpu.memory_space<semaphore_mem>>) {add = true}
    %dma_start3A_70 = arith.constant 6 : i32
    %dma_start3A_71 = arith.constant 0 : i32
    %dma_start3A_72 = tpu.memref_slice %arg4[%dma_start3A_70, %dma_start3A_71] : memref<125x80xi32, #tpu.memory_space<vmem>> -> memref<1x80xi32, #tpu.memory_space<vmem>>
    %dma_start3A_73 = tpu.memref_squeeze %dma_start3A_72 : memref<1x80xi32, #tpu.memory_space<vmem>> -> memref<80xi32, #tpu.memory_space<vmem>>
    %dma_start3A_74 = arith.constant 0 : i32
    %dma_start3A_75 = tpu.memref_slice %arg7[%dma_start3A_74] : memref<10240xf32, #tpu.memory_space<vmem_shared>> -> memref<10240xf32, #tpu.memory_space<vmem_shared>>
    tpu.enqueue_indirect_dma source(%arg5 : memref<80xf32, #tpu.memory_space<vmem>>) target(%dma_start3A_75 : memref<10240xf32, #tpu.memory_space<vmem_shared>>) offsets(%dma_start3A_73 : memref<80xi32, #tpu.memory_space<vmem>>) semaphore(%arg8 : memref<!tpu.dma_semaphore, #tpu.memory_space<semaphore_mem>>) {add = true}
    %dma_start3A_76 = arith.constant 7 : i32
    %dma_start3A_77 = arith.constant 0 : i32
    %dma_start3A_78 = tpu.memref_slice %arg4[%dma_start3A_76, %dma_start3A_77] : memref<125x80xi32, #tpu.memory_space<vmem>> -> memref<1x80xi32, #tpu.memory_space<vmem>>
    %dma_start3A_79 = tpu.memref_squeeze %dma_start3A_78 : memref<1x80xi32, #tpu.memory_space<vmem>> -> memref<80xi32, #tpu.memory_space<vmem>>
    %dma_start3A_80 = arith.constant 0 : i32
    %dma_start3A_81 = tpu.memref_slice %arg7[%dma_start3A_80] : memref<10240xf32, #tpu.memory_space<vmem_shared>> -> memref<10240xf32, #tpu.memory_space<vmem_shared>>
    tpu.enqueue_indirect_dma source(%arg5 : memref<80xf32, #tpu.memory_space<vmem>>) target(%dma_start3A_81 : memref<10240xf32, #tpu.memory_space<vmem_shared>>) offsets(%dma_start3A_79 : memref<80xi32, #tpu.memory_space<vmem>>) semaphore(%arg8 : memref<!tpu.dma_semaphore, #tpu.memory_space<semaphore_mem>>) {add = true}
    %scan3A_82 = arith.constant 0 : i32
    %scan3A_83 = arith.constant 117 : i32
    %scan3A_84 = arith.addi %scan3A_82, %scan3A_83 : i32
    %scan3A_85 = arith.constant 1 : i32
    scf.for %scan3A_139 = %scan3A_82 to %scan3A_84 step %scan3A_85  : i32 {
      %dma_wait3A_140 = arith.constant 0 : i32
      %dma_wait3A_141 = tpu.memref_slice %arg4[%scan3A_139, %dma_wait3A_140] : memref<125x80xi32, #tpu.memory_space<vmem>> -> memref<1x80xi32, #tpu.memory_space<vmem>>
      %dma_wait3A_142 = tpu.memref_squeeze %dma_wait3A_141 : memref<1x80xi32, #tpu.memory_space<vmem>> -> memref<80xi32, #tpu.memory_space<vmem>>
      %dma_wait3A_143 = arith.constant 0 : i32
      %dma_wait3A_144 = tpu.memref_slice %arg7[%dma_wait3A_143] : memref<10240xf32, #tpu.memory_space<vmem_shared>> -> memref<10240xf32, #tpu.memory_space<vmem_shared>>
      tpu.wait_indirect_dma semaphore(%arg8 : memref<!tpu.dma_semaphore, #tpu.memory_space<semaphore_mem>>) src(%arg5 : memref<80xf32, #tpu.memory_space<vmem>>) dst(%dma_wait3A_144 : memref<10240xf32, #tpu.memory_space<vmem_shared>>)
      %add3A_145 = arith.constant 8 : i32
      %add3A_146 = arith.addi %scan3A_139, %add3A_145 : i32
      %dma_start3A_147 = arith.constant 0 : i32
      %dma_start3A_148 = tpu.memref_slice %arg4[%add3A_146, %dma_start3A_147] : memref<125x80xi32, #tpu.memory_space<vmem>> -> memref<1x80xi32, #tpu.memory_space<vmem>>
      %dma_start3A_149 = tpu.memref_squeeze %dma_start3A_148 : memref<1x80xi32, #tpu.memory_space<vmem>> -> memref<80xi32, #tpu.memory_space<vmem>>
      %dma_start3A_150 = arith.constant 0 : i32
      %dma_start3A_151 = tpu.memref_slice %arg7[%dma_start3A_150] : memref<10240xf32, #tpu.memory_space<vmem_shared>> -> memref<10240xf32, #tpu.memory_space<vmem_shared>>
      tpu.enqueue_indirect_dma source(%arg5 : memref<80xf32, #tpu.memory_space<vmem>>) target(%dma_start3A_151 : memref<10240xf32, #tpu.memory_space<vmem_shared>>) offsets(%dma_start3A_149 : memref<80xi32, #tpu.memory_space<vmem>>) semaphore(%arg8 : memref<!tpu.dma_semaphore, #tpu.memory_space<semaphore_mem>>) {add = true}
    }
    %scan3A_86 = arith.constant 117 : i32
    %dma_wait3A = arith.constant 0 : i32
    %dma_wait3A_87 = arith.constant 0 : i32
    %dma_wait3A_88 = tpu.memref_slice %arg4[%dma_wait3A, %dma_wait3A_87] : memref<125x80xi32, #tpu.memory_space<vmem>> -> memref<1x80xi32, #tpu.memory_space<vmem>>
    %dma_wait3A_89 = tpu.memref_squeeze %dma_wait3A_88 : memref<1x80xi32, #tpu.memory_space<vmem>> -> memref<80xi32, #tpu.memory_space<vmem>>
    %dma_wait3A_90 = arith.constant 0 : i32
    %dma_wait3A_91 = tpu.memref_slice %arg7[%dma_wait3A_90] : memref<10240xf32, #tpu.memory_space<vmem_shared>> -> memref<10240xf32, #tpu.memory_space<vmem_shared>>
    tpu.wait_indirect_dma semaphore(%arg8 : memref<!tpu.dma_semaphore, #tpu.memory_space<semaphore_mem>>) src(%arg5 : memref<80xf32, #tpu.memory_space<vmem>>) dst(%dma_wait3A_91 : memref<10240xf32, #tpu.memory_space<vmem_shared>>)
    %dma_wait3A_92 = arith.constant 1 : i32
    %dma_wait3A_93 = arith.constant 0 : i32
    %dma_wait3A_94 = tpu.memref_slice %arg4[%dma_wait3A_92, %dma_wait3A_93] : memref<125x80xi32, #tpu.memory_space<vmem>> -> memref<1x80xi32, #tpu.memory_space<vmem>>
    %dma_wait3A_95 = tpu.memref_squeeze %dma_wait3A_94 : memref<1x80xi32, #tpu.memory_space<vmem>> -> memref<80xi32, #tpu.memory_space<vmem>>
    %dma_wait3A_96 = arith.constant 0 : i32
    %dma_wait3A_97 = tpu.memref_slice %arg7[%dma_wait3A_96] : memref<10240xf32, #tpu.memory_space<vmem_shared>> -> memref<10240xf32, #tpu.memory_space<vmem_shared>>
    tpu.wait_indirect_dma semaphore(%arg8 : memref<!tpu.dma_semaphore, #tpu.memory_space<semaphore_mem>>) src(%arg5 : memref<80xf32, #tpu.memory_space<vmem>>) dst(%dma_wait3A_97 : memref<10240xf32, #tpu.memory_space<vmem_shared>>)
    %dma_wait3A_98 = arith.constant 2 : i32
    %dma_wait3A_99 = arith.constant 0 : i32
    %dma_wait3A_100 = tpu.memref_slice %arg4[%dma_wait3A_98, %dma_wait3A_99] : memref<125x80xi32, #tpu.memory_space<vmem>> -> memref<1x80xi32, #tpu.memory_space<vmem>>
    %dma_wait3A_101 = tpu.memref_squeeze %dma_wait3A_100 : memref<1x80xi32, #tpu.memory_space<vmem>> -> memref<80xi32, #tpu.memory_space<vmem>>
    %dma_wait3A_102 = arith.constant 0 : i32
    %dma_wait3A_103 = tpu.memref_slice %arg7[%dma_wait3A_102] : memref<10240xf32, #tpu.memory_space<vmem_shared>> -> memref<10240xf32, #tpu.memory_space<vmem_shared>>
    tpu.wait_indirect_dma semaphore(%arg8 : memref<!tpu.dma_semaphore, #tpu.memory_space<semaphore_mem>>) src(%arg5 : memref<80xf32, #tpu.memory_space<vmem>>) dst(%dma_wait3A_103 : memref<10240xf32, #tpu.memory_space<vmem_shared>>)
    %dma_wait3A_104 = arith.constant 3 : i32
    %dma_wait3A_105 = arith.constant 0 : i32
    %dma_wait3A_106 = tpu.memref_slice %arg4[%dma_wait3A_104, %dma_wait3A_105] : memref<125x80xi32, #tpu.memory_space<vmem>> -> memref<1x80xi32, #tpu.memory_space<vmem>>
    %dma_wait3A_107 = tpu.memref_squeeze %dma_wait3A_106 : memref<1x80xi32, #tpu.memory_space<vmem>> -> memref<80xi32, #tpu.memory_space<vmem>>
    %dma_wait3A_108 = arith.constant 0 : i32
    %dma_wait3A_109 = tpu.memref_slice %arg7[%dma_wait3A_108] : memref<10240xf32, #tpu.memory_space<vmem_shared>> -> memref<10240xf32, #tpu.memory_space<vmem_shared>>
    tpu.wait_indirect_dma semaphore(%arg8 : memref<!tpu.dma_semaphore, #tpu.memory_space<semaphore_mem>>) src(%arg5 : memref<80xf32, #tpu.memory_space<vmem>>) dst(%dma_wait3A_109 : memref<10240xf32, #tpu.memory_space<vmem_shared>>)
    %dma_wait3A_110 = arith.constant 4 : i32
    %dma_wait3A_111 = arith.constant 0 : i32
    %dma_wait3A_112 = tpu.memref_slice %arg4[%dma_wait3A_110, %dma_wait3A_111] : memref<125x80xi32, #tpu.memory_space<vmem>> -> memref<1x80xi32, #tpu.memory_space<vmem>>
    %dma_wait3A_113 = tpu.memref_squeeze %dma_wait3A_112 : memref<1x80xi32, #tpu.memory_space<vmem>> -> memref<80xi32, #tpu.memory_space<vmem>>
    %dma_wait3A_114 = arith.constant 0 : i32
    %dma_wait3A_115 = tpu.memref_slice %arg7[%dma_wait3A_114] : memref<10240xf32, #tpu.memory_space<vmem_shared>> -> memref<10240xf32, #tpu.memory_space<vmem_shared>>
    tpu.wait_indirect_dma semaphore(%arg8 : memref<!tpu.dma_semaphore, #tpu.memory_space<semaphore_mem>>) src(%arg5 : memref<80xf32, #tpu.memory_space<vmem>>) dst(%dma_wait3A_115 : memref<10240xf32, #tpu.memory_space<vmem_shared>>)
    %dma_wait3A_116 = arith.constant 5 : i32
    %dma_wait3A_117 = arith.constant 0 : i32
    %dma_wait3A_118 = tpu.memref_slice %arg4[%dma_wait3A_116, %dma_wait3A_117] : memref<125x80xi32, #tpu.memory_space<vmem>> -> memref<1x80xi32, #tpu.memory_space<vmem>>
    %dma_wait3A_119 = tpu.memref_squeeze %dma_wait3A_118 : memref<1x80xi32, #tpu.memory_space<vmem>> -> memref<80xi32, #tpu.memory_space<vmem>>
    %dma_wait3A_120 = arith.constant 0 : i32
    %dma_wait3A_121 = tpu.memref_slice %arg7[%dma_wait3A_120] : memref<10240xf32, #tpu.memory_space<vmem_shared>> -> memref<10240xf32, #tpu.memory_space<vmem_shared>>
    tpu.wait_indirect_dma semaphore(%arg8 : memref<!tpu.dma_semaphore, #tpu.memory_space<semaphore_mem>>) src(%arg5 : memref<80xf32, #tpu.memory_space<vmem>>) dst(%dma_wait3A_121 : memref<10240xf32, #tpu.memory_space<vmem_shared>>)
    %dma_wait3A_122 = arith.constant 6 : i32
    %dma_wait3A_123 = arith.constant 0 : i32
    %dma_wait3A_124 = tpu.memref_slice %arg4[%dma_wait3A_122, %dma_wait3A_123] : memref<125x80xi32, #tpu.memory_space<vmem>> -> memref<1x80xi32, #tpu.memory_space<vmem>>
    %dma_wait3A_125 = tpu.memref_squeeze %dma_wait3A_124 : memref<1x80xi32, #tpu.memory_space<vmem>> -> memref<80xi32, #tpu.memory_space<vmem>>
    %dma_wait3A_126 = arith.constant 0 : i32
    %dma_wait3A_127 = tpu.memref_slice %arg7[%dma_wait3A_126] : memref<10240xf32, #tpu.memory_space<vmem_shared>> -> memref<10240xf32, #tpu.memory_space<vmem_shared>>
    tpu.wait_indirect_dma semaphore(%arg8 : memref<!tpu.dma_semaphore, #tpu.memory_space<semaphore_mem>>) src(%arg5 : memref<80xf32, #tpu.memory_space<vmem>>) dst(%dma_wait3A_127 : memref<10240xf32, #tpu.memory_space<vmem_shared>>)
    %dma_wait3A_128 = arith.constant 7 : i32
    %dma_wait3A_129 = arith.constant 0 : i32
    %dma_wait3A_130 = tpu.memref_slice %arg4[%dma_wait3A_128, %dma_wait3A_129] : memref<125x80xi32, #tpu.memory_space<vmem>> -> memref<1x80xi32, #tpu.memory_space<vmem>>
    %dma_wait3A_131 = tpu.memref_squeeze %dma_wait3A_130 : memref<1x80xi32, #tpu.memory_space<vmem>> -> memref<80xi32, #tpu.memory_space<vmem>>
    %dma_wait3A_132 = arith.constant 0 : i32
    %dma_wait3A_133 = tpu.memref_slice %arg7[%dma_wait3A_132] : memref<10240xf32, #tpu.memory_space<vmem_shared>> -> memref<10240xf32, #tpu.memory_space<vmem_shared>>
    tpu.wait_indirect_dma semaphore(%arg8 : memref<!tpu.dma_semaphore, #tpu.memory_space<semaphore_mem>>) src(%arg5 : memref<80xf32, #tpu.memory_space<vmem>>) dst(%dma_wait3A_133 : memref<10240xf32, #tpu.memory_space<vmem_shared>>)
    %barrier3A_134 = arith.constant 0 : index
    tpu.barrier barrier_id(%barrier3A_134)
    %mul3A_135 = arith.constant 640 : i32
    %mul3A_136 = arith.muli %arg1, %mul3A_135 : i32
    %mul3A_137 = arith.constant 640 : i32
    %mul3A_138 = arith.muli %arg1, %mul3A_137 : i32
    "tpu.region"() ({
      %run_scoped3A = tpu.sem_alloc : memref<!tpu.dma_semaphore, #tpu.memory_space<semaphore_mem>>
      %dma_start3A_139 = tpu.memref_slice %arg3[%arg0, %mul3A_138] : memref<2x10240xf32, #tpu.memory_space<hbm>> -> memref<1x640xf32, #tpu.memory_space<hbm>>
      %dma_start3A_140 = tpu.memref_squeeze %dma_start3A_139 : memref<1x640xf32, #tpu.memory_space<hbm>> -> memref<640xf32, #tpu.memory_space<hbm>>
      %dma_start3A_141 = tpu.memref_slice %arg7[%mul3A_136] : memref<10240xf32, #tpu.memory_space<vmem_shared>> -> memref<640xf32, #tpu.memory_space<vmem_shared>>
      tpu.enqueue_dma source(%dma_start3A_141 : memref<640xf32, #tpu.memory_space<vmem_shared>>) target(%dma_start3A_140 : memref<640xf32, #tpu.memory_space<hbm>>) target_semaphore(%run_scoped3A : memref<!tpu.dma_semaphore, #tpu.memory_space<semaphore_mem>>)
      %dma_wait3A_142 = tpu.memref_slice %arg3[%arg0, %mul3A_138] : memref<2x10240xf32, #tpu.memory_space<hbm>> -> memref<1x640xf32, #tpu.memory_space<hbm>>
      %dma_wait3A_143 = tpu.memref_squeeze %dma_wait3A_142 : memref<1x640xf32, #tpu.memory_space<hbm>> -> memref<640xf32, #tpu.memory_space<hbm>>
      %dma_wait3A_144 = tpu.memref_slice %arg7[%mul3A_136] : memref<10240xf32, #tpu.memory_space<vmem_shared>> -> memref<640xf32, #tpu.memory_space<vmem_shared>>
      tpu.wait_dma2 semaphore(%run_scoped3A : memref<!tpu.dma_semaphore, #tpu.memory_space<semaphore_mem>>) src(%dma_wait3A_144 : memref<640xf32, #tpu.memory_space<vmem_shared>>) dst(%dma_wait3A_143 : memref<640xf32, #tpu.memory_space<hbm>>)
      tpu.yield
    }) : () -> ()
    return
  }
}

#map = affine_map<(d0, d1) -> (0, 0, 0)>
module attributes {stable_mosaic.version = 14 : i64} {
  func.func @agg(%arg0: i32, %arg1: i32, %arg2: memref<16x40x500xi32, #tpu.memory_space<hbm>>, %arg3: memref<16x40x500xi32, #tpu.memory_space<hbm>>, %arg4: memref<2x10240x16xf32, #tpu.memory_space<hbm>>, %arg5: memref<2x10240x16xf32, #tpu.memory_space<hbm>>, %arg6: memref<40x500xi32, #tpu.memory_space<vmem>>, %arg7: memref<40x500xi32, #tpu.memory_space<vmem>>, %arg8: memref<500x16xf32, #tpu.memory_space<vmem>>, %arg9: memref<500x16xf32, #tpu.memory_space<vmem>>, %arg10: memref<500x16xf32, #tpu.memory_space<vmem>>, %arg11: memref<500x16xf32, #tpu.memory_space<vmem>>, %arg12: memref<10240x16xf32, #tpu.memory_space<vmem_shared>>, %arg13: memref<!tpu.dma_semaphore, #tpu.memory_space<semaphore_mem>>, %arg14: memref<!tpu.dma_semaphore, #tpu.memory_space<semaphore_mem>>, %arg15: memref<!tpu.dma_semaphore, #tpu.memory_space<semaphore_mem>>, %arg16: memref<!tpu.dma_semaphore, #tpu.memory_space<semaphore_mem>>, %arg17: memref<!tpu.dma_semaphore, #tpu.memory_space<semaphore_mem>>, %arg18: memref<!tpu.dma_semaphore, #tpu.memory_space<semaphore_mem>>, %arg19: memref<!tpu.dma_semaphore, #tpu.memory_space<semaphore_mem>>, %arg20: memref<!tpu.dma_semaphore, #tpu.memory_space<semaphore_mem>>) attributes {dimension_semantics = [#tpu.dimension_semantics<core_parallel>, #tpu.dimension_semantics<subcore_parallel>], iteration_bounds = array<i64: 2, 16>, scalar_prefetch = 0 : i64, scratch_operands = 15 : i64, tpu.core_type = #tpu.core_type<sc_vector_subcore>, window_params = [{transform_indices = #map}, {transform_indices = #map}, {transform_indices = #map}, {transform_indices = #map}]} {
    %scan3A = arith.constant 0 : i32
    %scan3A_0 = arith.constant 80 : i32
    %scan3A_1 = arith.addi %scan3A, %scan3A_0 : i32
    %scan3A_2 = arith.constant 1 : i32
    scf.for %scan3A_88 = %scan3A to %scan3A_1 step %scan3A_2  : i32 {
      %broadcast_in_dim3A = arith.constant 0.000000e+00 : f32
      %broadcast_in_dim3A_89 = vector.broadcast %broadcast_in_dim3A : f32 to vector<16xf32>
      %swap3A = arith.index_cast %scan3A_88 : i32 to index
      %swap3A_90 = arith.constant 0 : index
      %swap3A_91 = tpu.vector_load %arg8[%swap3A, %swap3A_90] {strides = array<i32>} : memref<500x16xf32, #tpu.memory_space<vmem>>, vector<1x16xf32>,
      %swap3A_92 = vector.shape_cast %swap3A_91 : vector<1x16xf32> to vector<16xf32>
      %swap3A_93 = vector.shape_cast %broadcast_in_dim3A_89 : vector<16xf32> to vector<1x16xf32>
      tpu.vector_store %arg8[%swap3A, %swap3A_90], %swap3A_93 {strides = array<i32>} : memref<500x16xf32, #tpu.memory_space<vmem>>, vector<1x16xf32>,
    }
    %scan3A_3 = arith.constant 80 : i32
    %scan3A_4 = arith.constant 0 : i32
    %scan3A_5 = arith.constant 8 : i32
    %scan3A_6 = arith.addi %scan3A_4, %scan3A_5 : i32
    %scan3A_7 = arith.constant 1 : i32
    scf.for %scan3A_88 = %scan3A_4 to %scan3A_6 step %scan3A_7  : i32 {
      %mul3A_89 = arith.constant 640 : i32
      %mul3A_90 = arith.muli %arg1, %mul3A_89 : i32
      %mul3A_91 = arith.constant 80 : i32
      %mul3A_92 = arith.muli %scan3A_88, %mul3A_91 : i32
      %add3A = arith.addi %mul3A_90, %mul3A_92 : i32
      "tpu.region"() ({
        %run_scoped3A = tpu.sem_alloc : memref<!tpu.dma_semaphore, #tpu.memory_space<semaphore_mem>>
        %dma_start3A_93 = arith.constant 0 : i32
        %dma_start3A_94 = arith.constant 0 : i32
        %dma_start3A_95 = tpu.memref_slice %arg8[%dma_start3A_93, %dma_start3A_94] : memref<500x16xf32, #tpu.memory_space<vmem>> -> memref<80x16xf32, #tpu.memory_space<vmem>>
        %dma_start3A_96 = arith.constant 0 : i32
        %dma_start3A_97 = tpu.memref_slice %arg12[%add3A, %dma_start3A_96] : memref<10240x16xf32, #tpu.memory_space<vmem_shared>> -> memref<80x16xf32, #tpu.memory_space<vmem_shared>>
        %dma_start3A_98 = arith.constant 0 : i32
        %dma_start3A_99 = tpu.memref_slice %arg12[%add3A, %dma_start3A_98] : memref<10240x16xf32, #tpu.memory_space<vmem_shared>> -> memref<80x16xf32, #tpu.memory_space<vmem_shared>>
        %dma_start3A_100 = arith.constant 0 : i32
        %dma_start3A_101 = arith.constant 0 : i32
        %dma_start3A_102 = tpu.memref_slice %arg8[%dma_start3A_100, %dma_start3A_101] : memref<500x16xf32, #tpu.memory_space<vmem>> -> memref<80x16xf32, #tpu.memory_space<vmem>>
        tpu.enqueue_dma source(%dma_start3A_102 : memref<80x16xf32, #tpu.memory_space<vmem>>) target(%dma_start3A_99 : memref<80x16xf32, #tpu.memory_space<vmem_shared>>) target_semaphore(%run_scoped3A : memref<!tpu.dma_semaphore, #tpu.memory_space<semaphore_mem>>)
        %dma_wait3A_103 = arith.constant 0 : i32
        %dma_wait3A_104 = arith.constant 0 : i32
        %dma_wait3A_105 = tpu.memref_slice %arg8[%dma_wait3A_103, %dma_wait3A_104] : memref<500x16xf32, #tpu.memory_space<vmem>> -> memref<80x16xf32, #tpu.memory_space<vmem>>
        %dma_wait3A_106 = arith.constant 0 : i32
        %dma_wait3A_107 = tpu.memref_slice %arg12[%add3A, %dma_wait3A_106] : memref<10240x16xf32, #tpu.memory_space<vmem_shared>> -> memref<80x16xf32, #tpu.memory_space<vmem_shared>>
        %dma_wait3A_108 = arith.constant 0 : i32
        %dma_wait3A_109 = tpu.memref_slice %arg12[%add3A, %dma_wait3A_108] : memref<10240x16xf32, #tpu.memory_space<vmem_shared>> -> memref<80x16xf32, #tpu.memory_space<vmem_shared>>
        %dma_wait3A_110 = arith.constant 0 : i32
        %dma_wait3A_111 = arith.constant 0 : i32
        %dma_wait3A_112 = tpu.memref_slice %arg8[%dma_wait3A_110, %dma_wait3A_111] : memref<500x16xf32, #tpu.memory_space<vmem>> -> memref<80x16xf32, #tpu.memory_space<vmem>>
        tpu.wait_dma2 semaphore(%run_scoped3A : memref<!tpu.dma_semaphore, #tpu.memory_space<semaphore_mem>>) src(%dma_wait3A_112 : memref<80x16xf32, #tpu.memory_space<vmem>>) dst(%dma_wait3A_109 : memref<80x16xf32, #tpu.memory_space<vmem_shared>>)
        tpu.yield
      }) : () -> ()
    }
    %scan3A_8 = arith.constant 8 : i32
    "tpu.region"() ({
      %run_scoped3A = tpu.sem_alloc : memref<!tpu.dma_semaphore, #tpu.memory_space<semaphore_mem>>
      %dma_start3A_88 = arith.constant 0 : i32
      %dma_start3A_89 = arith.constant 0 : i32
      %dma_start3A_90 = tpu.memref_slice %arg2[%arg1, %dma_start3A_88, %dma_start3A_89] : memref<16x40x500xi32, #tpu.memory_space<hbm>> -> memref<1x40x500xi32, #tpu.memory_space<hbm>>
      %dma_start3A_91 = tpu.memref_squeeze %dma_start3A_90 : memref<1x40x500xi32, #tpu.memory_space<hbm>> -> memref<40x500xi32, #tpu.memory_space<hbm>>
      %dma_start3A_92 = arith.constant 0 : i32
      %dma_start3A_93 = arith.constant 0 : i32
      %dma_start3A_94 = tpu.memref_slice %arg2[%arg1, %dma_start3A_92, %dma_start3A_93] : memref<16x40x500xi32, #tpu.memory_space<hbm>> -> memref<1x40x500xi32, #tpu.memory_space<hbm>>
      %dma_start3A_95 = tpu.memref_squeeze %dma_start3A_94 : memref<1x40x500xi32, #tpu.memory_space<hbm>> -> memref<40x500xi32, #tpu.memory_space<hbm>>
      tpu.enqueue_dma source(%dma_start3A_95 : memref<40x500xi32, #tpu.memory_space<hbm>>) target(%arg6 : memref<40x500xi32, #tpu.memory_space<vmem>>) target_semaphore(%run_scoped3A : memref<!tpu.dma_semaphore, #tpu.memory_space<semaphore_mem>>)
      %dma_wait3A_96 = arith.constant 0 : i32
      %dma_wait3A_97 = arith.constant 0 : i32
      %dma_wait3A_98 = tpu.memref_slice %arg2[%arg1, %dma_wait3A_96, %dma_wait3A_97] : memref<16x40x500xi32, #tpu.memory_space<hbm>> -> memref<1x40x500xi32, #tpu.memory_space<hbm>>
      %dma_wait3A_99 = tpu.memref_squeeze %dma_wait3A_98 : memref<1x40x500xi32, #tpu.memory_space<hbm>> -> memref<40x500xi32, #tpu.memory_space<hbm>>
      %dma_wait3A_100 = arith.constant 0 : i32
      %dma_wait3A_101 = arith.constant 0 : i32
      %dma_wait3A_102 = tpu.memref_slice %arg2[%arg1, %dma_wait3A_100, %dma_wait3A_101] : memref<16x40x500xi32, #tpu.memory_space<hbm>> -> memref<1x40x500xi32, #tpu.memory_space<hbm>>
      %dma_wait3A_103 = tpu.memref_squeeze %dma_wait3A_102 : memref<1x40x500xi32, #tpu.memory_space<hbm>> -> memref<40x500xi32, #tpu.memory_space<hbm>>
      tpu.wait_dma2 semaphore(%run_scoped3A : memref<!tpu.dma_semaphore, #tpu.memory_space<semaphore_mem>>) src(%dma_wait3A_103 : memref<40x500xi32, #tpu.memory_space<hbm>>) dst(%arg6 : memref<40x500xi32, #tpu.memory_space<vmem>>)
      tpu.yield
    }) : () -> ()
    "tpu.region"() ({
      %run_scoped3A = tpu.sem_alloc : memref<!tpu.dma_semaphore, #tpu.memory_space<semaphore_mem>>
      %dma_start3A_88 = arith.constant 0 : i32
      %dma_start3A_89 = arith.constant 0 : i32
      %dma_start3A_90 = tpu.memref_slice %arg3[%arg1, %dma_start3A_88, %dma_start3A_89] : memref<16x40x500xi32, #tpu.memory_space<hbm>> -> memref<1x40x500xi32, #tpu.memory_space<hbm>>
      %dma_start3A_91 = tpu.memref_squeeze %dma_start3A_90 : memref<1x40x500xi32, #tpu.memory_space<hbm>> -> memref<40x500xi32, #tpu.memory_space<hbm>>
      %dma_start3A_92 = arith.constant 0 : i32
      %dma_start3A_93 = arith.constant 0 : i32
      %dma_start3A_94 = tpu.memref_slice %arg3[%arg1, %dma_start3A_92, %dma_start3A_93] : memref<16x40x500xi32, #tpu.memory_space<hbm>> -> memref<1x40x500xi32, #tpu.memory_space<hbm>>
      %dma_start3A_95 = tpu.memref_squeeze %dma_start3A_94 : memref<1x40x500xi32, #tpu.memory_space<hbm>> -> memref<40x500xi32, #tpu.memory_space<hbm>>
      tpu.enqueue_dma source(%dma_start3A_95 : memref<40x500xi32, #tpu.memory_space<hbm>>) target(%arg7 : memref<40x500xi32, #tpu.memory_space<vmem>>) target_semaphore(%run_scoped3A : memref<!tpu.dma_semaphore, #tpu.memory_space<semaphore_mem>>)
      %dma_wait3A_96 = arith.constant 0 : i32
      %dma_wait3A_97 = arith.constant 0 : i32
      %dma_wait3A_98 = tpu.memref_slice %arg3[%arg1, %dma_wait3A_96, %dma_wait3A_97] : memref<16x40x500xi32, #tpu.memory_space<hbm>> -> memref<1x40x500xi32, #tpu.memory_space<hbm>>
      %dma_wait3A_99 = tpu.memref_squeeze %dma_wait3A_98 : memref<1x40x500xi32, #tpu.memory_space<hbm>> -> memref<40x500xi32, #tpu.memory_space<hbm>>
      %dma_wait3A_100 = arith.constant 0 : i32
      %dma_wait3A_101 = arith.constant 0 : i32
      %dma_wait3A_102 = tpu.memref_slice %arg3[%arg1, %dma_wait3A_100, %dma_wait3A_101] : memref<16x40x500xi32, #tpu.memory_space<hbm>> -> memref<1x40x500xi32, #tpu.memory_space<hbm>>
      %dma_wait3A_103 = tpu.memref_squeeze %dma_wait3A_102 : memref<1x40x500xi32, #tpu.memory_space<hbm>> -> memref<40x500xi32, #tpu.memory_space<hbm>>
      tpu.wait_dma2 semaphore(%run_scoped3A : memref<!tpu.dma_semaphore, #tpu.memory_space<semaphore_mem>>) src(%dma_wait3A_103 : memref<40x500xi32, #tpu.memory_space<hbm>>) dst(%arg7 : memref<40x500xi32, #tpu.memory_space<vmem>>)
      tpu.yield
    }) : () -> ()
    %barrier3A = arith.constant 0 : index
    tpu.barrier barrier_id(%barrier3A)
    %dma_start3A = arith.constant 0 : i32
    %dma_start3A_9 = arith.constant 0 : i32
    %dma_start3A_10 = tpu.memref_slice %arg6[%dma_start3A, %dma_start3A_9] : memref<40x500xi32, #tpu.memory_space<vmem>> -> memref<1x500xi32, #tpu.memory_space<vmem>>
    %dma_start3A_11 = tpu.memref_squeeze %dma_start3A_10 : memref<1x500xi32, #tpu.memory_space<vmem>> -> memref<500xi32, #tpu.memory_space<vmem>>
    %dma_start3A_12 = arith.constant 0 : i32
    %dma_start3A_13 = arith.constant 0 : i32
    %dma_start3A_14 = tpu.memref_slice %arg4[%arg0, %dma_start3A_12, %dma_start3A_13] : memref<2x10240x16xf32, #tpu.memory_space<hbm>> -> memref<1x10240x16xf32, #tpu.memory_space<hbm>>
    %dma_start3A_15 = tpu.memref_squeeze %dma_start3A_14 : memref<1x10240x16xf32, #tpu.memory_space<hbm>> -> memref<10240x16xf32, #tpu.memory_space<hbm>>
    %dma_start3A_16 = arith.constant 0 : i32
    %dma_start3A_17 = arith.constant 0 : i32
    %dma_start3A_18 = tpu.memref_slice %dma_start3A_15[%dma_start3A_16, %dma_start3A_17] : memref<10240x16xf32, #tpu.memory_space<hbm>> -> memref<10240x16xf32, #tpu.memory_space<hbm>>
    tpu.enqueue_indirect_dma source(%dma_start3A_18 : memref<10240x16xf32, #tpu.memory_space<hbm>>) target(%arg8 : memref<500x16xf32, #tpu.memory_space<vmem>>) offsets(%dma_start3A_11 : memref<500xi32, #tpu.memory_space<vmem>>) semaphore(%arg13 : memref<!tpu.dma_semaphore, #tpu.memory_space<semaphore_mem>>)
    %dma_start3A_19 = arith.constant 1 : i32
    %dma_start3A_20 = arith.constant 0 : i32
    %dma_start3A_21 = tpu.memref_slice %arg6[%dma_start3A_19, %dma_start3A_20] : memref<40x500xi32, #tpu.memory_space<vmem>> -> memref<1x500xi32, #tpu.memory_space<vmem>>
    %dma_start3A_22 = tpu.memref_squeeze %dma_start3A_21 : memref<1x500xi32, #tpu.memory_space<vmem>> -> memref<500xi32, #tpu.memory_space<vmem>>
    %dma_start3A_23 = arith.constant 0 : i32
    %dma_start3A_24 = arith.constant 0 : i32
    %dma_start3A_25 = tpu.memref_slice %arg4[%arg0, %dma_start3A_23, %dma_start3A_24] : memref<2x10240x16xf32, #tpu.memory_space<hbm>> -> memref<1x10240x16xf32, #tpu.memory_space<hbm>>
    %dma_start3A_26 = tpu.memref_squeeze %dma_start3A_25 : memref<1x10240x16xf32, #tpu.memory_space<hbm>> -> memref<10240x16xf32, #tpu.memory_space<hbm>>
    %dma_start3A_27 = arith.constant 0 : i32
    %dma_start3A_28 = arith.constant 0 : i32
    %dma_start3A_29 = tpu.memref_slice %dma_start3A_26[%dma_start3A_27, %dma_start3A_28] : memref<10240x16xf32, #tpu.memory_space<hbm>> -> memref<10240x16xf32, #tpu.memory_space<hbm>>
    tpu.enqueue_indirect_dma source(%dma_start3A_29 : memref<10240x16xf32, #tpu.memory_space<hbm>>) target(%arg9 : memref<500x16xf32, #tpu.memory_space<vmem>>) offsets(%dma_start3A_22 : memref<500xi32, #tpu.memory_space<vmem>>) semaphore(%arg14 : memref<!tpu.dma_semaphore, #tpu.memory_space<semaphore_mem>>)
    %dma_start3A_30 = arith.constant 2 : i32
    %dma_start3A_31 = arith.constant 0 : i32
    %dma_start3A_32 = tpu.memref_slice %arg6[%dma_start3A_30, %dma_start3A_31] : memref<40x500xi32, #tpu.memory_space<vmem>> -> memref<1x500xi32, #tpu.memory_space<vmem>>
    %dma_start3A_33 = tpu.memref_squeeze %dma_start3A_32 : memref<1x500xi32, #tpu.memory_space<vmem>> -> memref<500xi32, #tpu.memory_space<vmem>>
    %dma_start3A_34 = arith.constant 0 : i32
    %dma_start3A_35 = arith.constant 0 : i32
    %dma_start3A_36 = tpu.memref_slice %arg4[%arg0, %dma_start3A_34, %dma_start3A_35] : memref<2x10240x16xf32, #tpu.memory_space<hbm>> -> memref<1x10240x16xf32, #tpu.memory_space<hbm>>
    %dma_start3A_37 = tpu.memref_squeeze %dma_start3A_36 : memref<1x10240x16xf32, #tpu.memory_space<hbm>> -> memref<10240x16xf32, #tpu.memory_space<hbm>>
    %dma_start3A_38 = arith.constant 0 : i32
    %dma_start3A_39 = arith.constant 0 : i32
    %dma_start3A_40 = tpu.memref_slice %dma_start3A_37[%dma_start3A_38, %dma_start3A_39] : memref<10240x16xf32, #tpu.memory_space<hbm>> -> memref<10240x16xf32, #tpu.memory_space<hbm>>
    tpu.enqueue_indirect_dma source(%dma_start3A_40 : memref<10240x16xf32, #tpu.memory_space<hbm>>) target(%arg10 : memref<500x16xf32, #tpu.memory_space<vmem>>) offsets(%dma_start3A_33 : memref<500xi32, #tpu.memory_space<vmem>>) semaphore(%arg15 : memref<!tpu.dma_semaphore, #tpu.memory_space<semaphore_mem>>)
    %dma_start3A_41 = arith.constant 3 : i32
    %dma_start3A_42 = arith.constant 0 : i32
    %dma_start3A_43 = tpu.memref_slice %arg6[%dma_start3A_41, %dma_start3A_42] : memref<40x500xi32, #tpu.memory_space<vmem>> -> memref<1x500xi32, #tpu.memory_space<vmem>>
    %dma_start3A_44 = tpu.memref_squeeze %dma_start3A_43 : memref<1x500xi32, #tpu.memory_space<vmem>> -> memref<500xi32, #tpu.memory_space<vmem>>
    %dma_start3A_45 = arith.constant 0 : i32
    %dma_start3A_46 = arith.constant 0 : i32
    %dma_start3A_47 = tpu.memref_slice %arg4[%arg0, %dma_start3A_45, %dma_start3A_46] : memref<2x10240x16xf32, #tpu.memory_space<hbm>> -> memref<1x10240x16xf32, #tpu.memory_space<hbm>>
    %dma_start3A_48 = tpu.memref_squeeze %dma_start3A_47 : memref<1x10240x16xf32, #tpu.memory_space<hbm>> -> memref<10240x16xf32, #tpu.memory_space<hbm>>
    %dma_start3A_49 = arith.constant 0 : i32
    %dma_start3A_50 = arith.constant 0 : i32
    %dma_start3A_51 = tpu.memref_slice %dma_start3A_48[%dma_start3A_49, %dma_start3A_50] : memref<10240x16xf32, #tpu.memory_space<hbm>> -> memref<10240x16xf32, #tpu.memory_space<hbm>>
    tpu.enqueue_indirect_dma source(%dma_start3A_51 : memref<10240x16xf32, #tpu.memory_space<hbm>>) target(%arg11 : memref<500x16xf32, #tpu.memory_space<vmem>>) offsets(%dma_start3A_44 : memref<500xi32, #tpu.memory_space<vmem>>) semaphore(%arg16 : memref<!tpu.dma_semaphore, #tpu.memory_space<semaphore_mem>>)
    %scan3A_52 = arith.constant 0 : i32
    %scan3A_53 = arith.constant 10 : i32
    %scan3A_54 = arith.addi %scan3A_52, %scan3A_53 : i32
    %scan3A_55 = arith.constant 1 : i32
    scf.for %scan3A_88 = %scan3A_52 to %scan3A_54 step %scan3A_55  : i32 {
      %mul3A_89 = arith.constant 4 : i32
      %mul3A_90 = arith.muli %scan3A_88, %mul3A_89 : i32
      %add3A = arith.constant 0 : i32
      %add3A_91 = arith.addi %mul3A_90, %add3A : i32
      %dma_wait3A_92 = arith.constant 0 : i32
      %dma_wait3A_93 = tpu.memref_slice %arg6[%add3A_91, %dma_wait3A_92] : memref<40x500xi32, #tpu.memory_space<vmem>> -> memref<1x500xi32, #tpu.memory_space<vmem>>
      %dma_wait3A_94 = tpu.memref_squeeze %dma_wait3A_93 : memref<1x500xi32, #tpu.memory_space<vmem>> -> memref<500xi32, #tpu.memory_space<vmem>>
      %dma_wait3A_95 = arith.constant 0 : i32
      %dma_wait3A_96 = arith.constant 0 : i32
      %dma_wait3A_97 = tpu.memref_slice %arg4[%arg0, %dma_wait3A_95, %dma_wait3A_96] : memref<2x10240x16xf32, #tpu.memory_space<hbm>> -> memref<1x10240x16xf32, #tpu.memory_space<hbm>>
      %dma_wait3A_98 = tpu.memref_squeeze %dma_wait3A_97 : memref<1x10240x16xf32, #tpu.memory_space<hbm>> -> memref<10240x16xf32, #tpu.memory_space<hbm>>
      %dma_wait3A_99 = arith.constant 0 : i32
      %dma_wait3A_100 = arith.constant 0 : i32
      %dma_wait3A_101 = tpu.memref_slice %dma_wait3A_98[%dma_wait3A_99, %dma_wait3A_100] : memref<10240x16xf32, #tpu.memory_space<hbm>> -> memref<10240x16xf32, #tpu.memory_space<hbm>>
      tpu.wait_indirect_dma semaphore(%arg13 : memref<!tpu.dma_semaphore, #tpu.memory_space<semaphore_mem>>) src(%dma_wait3A_101 : memref<10240x16xf32, #tpu.memory_space<hbm>>) dst(%arg8 : memref<500x16xf32, #tpu.memory_space<vmem>>)
      %dma_start3A_102 = arith.constant 0 : i32
      %dma_start3A_103 = tpu.memref_slice %arg7[%add3A_91, %dma_start3A_102] : memref<40x500xi32, #tpu.memory_space<vmem>> -> memref<1x500xi32, #tpu.memory_space<vmem>>
      %dma_start3A_104 = tpu.memref_squeeze %dma_start3A_103 : memref<1x500xi32, #tpu.memory_space<vmem>> -> memref<500xi32, #tpu.memory_space<vmem>>
      %dma_start3A_105 = arith.constant 0 : i32
      %dma_start3A_106 = arith.constant 0 : i32
      %dma_start3A_107 = tpu.memref_slice %arg12[%dma_start3A_105, %dma_start3A_106] : memref<10240x16xf32, #tpu.memory_space<vmem_shared>> -> memref<10240x16xf32, #tpu.memory_space<vmem_shared>>
      tpu.enqueue_indirect_dma source(%arg8 : memref<500x16xf32, #tpu.memory_space<vmem>>) target(%dma_start3A_107 : memref<10240x16xf32, #tpu.memory_space<vmem_shared>>) offsets(%dma_start3A_104 : memref<500xi32, #tpu.memory_space<vmem>>) semaphore(%arg17 : memref<!tpu.dma_semaphore, #tpu.memory_space<semaphore_mem>>) {add = true}
      %mul3A_108 = arith.constant 4 : i32
      %mul3A_109 = arith.muli %scan3A_88, %mul3A_108 : i32
      %add3A_110 = arith.constant 1 : i32
      %add3A_111 = arith.addi %mul3A_109, %add3A_110 : i32
      %dma_wait3A_112 = arith.constant 0 : i32
      %dma_wait3A_113 = tpu.memref_slice %arg6[%add3A_111, %dma_wait3A_112] : memref<40x500xi32, #tpu.memory_space<vmem>> -> memref<1x500xi32, #tpu.memory_space<vmem>>
      %dma_wait3A_114 = tpu.memref_squeeze %dma_wait3A_113 : memref<1x500xi32, #tpu.memory_space<vmem>> -> memref<500xi32, #tpu.memory_space<vmem>>
      %dma_wait3A_115 = arith.constant 0 : i32
      %dma_wait3A_116 = arith.constant 0 : i32
      %dma_wait3A_117 = tpu.memref_slice %arg4[%arg0, %dma_wait3A_115, %dma_wait3A_116] : memref<2x10240x16xf32, #tpu.memory_space<hbm>> -> memref<1x10240x16xf32, #tpu.memory_space<hbm>>
      %dma_wait3A_118 = tpu.memref_squeeze %dma_wait3A_117 : memref<1x10240x16xf32, #tpu.memory_space<hbm>> -> memref<10240x16xf32, #tpu.memory_space<hbm>>
      %dma_wait3A_119 = arith.constant 0 : i32
      %dma_wait3A_120 = arith.constant 0 : i32
      %dma_wait3A_121 = tpu.memref_slice %dma_wait3A_118[%dma_wait3A_119, %dma_wait3A_120] : memref<10240x16xf32, #tpu.memory_space<hbm>> -> memref<10240x16xf32, #tpu.memory_space<hbm>>
      tpu.wait_indirect_dma semaphore(%arg14 : memref<!tpu.dma_semaphore, #tpu.memory_space<semaphore_mem>>) src(%dma_wait3A_121 : memref<10240x16xf32, #tpu.memory_space<hbm>>) dst(%arg9 : memref<500x16xf32, #tpu.memory_space<vmem>>)
      %dma_start3A_122 = arith.constant 0 : i32
      %dma_start3A_123 = tpu.memref_slice %arg7[%add3A_111, %dma_start3A_122] : memref<40x500xi32, #tpu.memory_space<vmem>> -> memref<1x500xi32, #tpu.memory_space<vmem>>
      %dma_start3A_124 = tpu.memref_squeeze %dma_start3A_123 : memref<1x500xi32, #tpu.memory_space<vmem>> -> memref<500xi32, #tpu.memory_space<vmem>>
      %dma_start3A_125 = arith.constant 0 : i32
      %dma_start3A_126 = arith.constant 0 : i32
      %dma_start3A_127 = tpu.memref_slice %arg12[%dma_start3A_125, %dma_start3A_126] : memref<10240x16xf32, #tpu.memory_space<vmem_shared>> -> memref<10240x16xf32, #tpu.memory_space<vmem_shared>>
      tpu.enqueue_indirect_dma source(%arg9 : memref<500x16xf32, #tpu.memory_space<vmem>>) target(%dma_start3A_127 : memref<10240x16xf32, #tpu.memory_space<vmem_shared>>) offsets(%dma_start3A_124 : memref<500xi32, #tpu.memory_space<vmem>>) semaphore(%arg18 : memref<!tpu.dma_semaphore, #tpu.memory_space<semaphore_mem>>) {add = true}
      %mul3A_128 = arith.constant 4 : i32
      %mul3A_129 = arith.muli %scan3A_88, %mul3A_128 : i32
      %add3A_130 = arith.constant 2 : i32
      %add3A_131 = arith.addi %mul3A_129, %add3A_130 : i32
      %dma_wait3A_132 = arith.constant 0 : i32
      %dma_wait3A_133 = tpu.memref_slice %arg6[%add3A_131, %dma_wait3A_132] : memref<40x500xi32, #tpu.memory_space<vmem>> -> memref<1x500xi32, #tpu.memory_space<vmem>>
      %dma_wait3A_134 = tpu.memref_squeeze %dma_wait3A_133 : memref<1x500xi32, #tpu.memory_space<vmem>> -> memref<500xi32, #tpu.memory_space<vmem>>
      %dma_wait3A_135 = arith.constant 0 : i32
      %dma_wait3A_136 = arith.constant 0 : i32
      %dma_wait3A_137 = tpu.memref_slice %arg4[%arg0, %dma_wait3A_135, %dma_wait3A_136] : memref<2x10240x16xf32, #tpu.memory_space<hbm>> -> memref<1x10240x16xf32, #tpu.memory_space<hbm>>
      %dma_wait3A_138 = tpu.memref_squeeze %dma_wait3A_137 : memref<1x10240x16xf32, #tpu.memory_space<hbm>> -> memref<10240x16xf32, #tpu.memory_space<hbm>>
      %dma_wait3A_139 = arith.constant 0 : i32
      %dma_wait3A_140 = arith.constant 0 : i32
      %dma_wait3A_141 = tpu.memref_slice %dma_wait3A_138[%dma_wait3A_139, %dma_wait3A_140] : memref<10240x16xf32, #tpu.memory_space<hbm>> -> memref<10240x16xf32, #tpu.memory_space<hbm>>
      tpu.wait_indirect_dma semaphore(%arg15 : memref<!tpu.dma_semaphore, #tpu.memory_space<semaphore_mem>>) src(%dma_wait3A_141 : memref<10240x16xf32, #tpu.memory_space<hbm>>) dst(%arg10 : memref<500x16xf32, #tpu.memory_space<vmem>>)
      %dma_start3A_142 = arith.constant 0 : i32
      %dma_start3A_143 = tpu.memref_slice %arg7[%add3A_131, %dma_start3A_142] : memref<40x500xi32, #tpu.memory_space<vmem>> -> memref<1x500xi32, #tpu.memory_space<vmem>>
      %dma_start3A_144 = tpu.memref_squeeze %dma_start3A_143 : memref<1x500xi32, #tpu.memory_space<vmem>> -> memref<500xi32, #tpu.memory_space<vmem>>
      %dma_start3A_145 = arith.constant 0 : i32
      %dma_start3A_146 = arith.constant 0 : i32
      %dma_start3A_147 = tpu.memref_slice %arg12[%dma_start3A_145, %dma_start3A_146] : memref<10240x16xf32, #tpu.memory_space<vmem_shared>> -> memref<10240x16xf32, #tpu.memory_space<vmem_shared>>
      tpu.enqueue_indirect_dma source(%arg10 : memref<500x16xf32, #tpu.memory_space<vmem>>) target(%dma_start3A_147 : memref<10240x16xf32, #tpu.memory_space<vmem_shared>>) offsets(%dma_start3A_144 : memref<500xi32, #tpu.memory_space<vmem>>) semaphore(%arg19 : memref<!tpu.dma_semaphore, #tpu.memory_space<semaphore_mem>>) {add = true}
      %mul3A_148 = arith.constant 4 : i32
      %mul3A_149 = arith.muli %scan3A_88, %mul3A_148 : i32
      %add3A_150 = arith.constant 3 : i32
      %add3A_151 = arith.addi %mul3A_149, %add3A_150 : i32
      %dma_wait3A_152 = arith.constant 0 : i32
      %dma_wait3A_153 = tpu.memref_slice %arg6[%add3A_151, %dma_wait3A_152] : memref<40x500xi32, #tpu.memory_space<vmem>> -> memref<1x500xi32, #tpu.memory_space<vmem>>
      %dma_wait3A_154 = tpu.memref_squeeze %dma_wait3A_153 : memref<1x500xi32, #tpu.memory_space<vmem>> -> memref<500xi32, #tpu.memory_space<vmem>>
      %dma_wait3A_155 = arith.constant 0 : i32
      %dma_wait3A_156 = arith.constant 0 : i32
      %dma_wait3A_157 = tpu.memref_slice %arg4[%arg0, %dma_wait3A_155, %dma_wait3A_156] : memref<2x10240x16xf32, #tpu.memory_space<hbm>> -> memref<1x10240x16xf32, #tpu.memory_space<hbm>>
      %dma_wait3A_158 = tpu.memref_squeeze %dma_wait3A_157 : memref<1x10240x16xf32, #tpu.memory_space<hbm>> -> memref<10240x16xf32, #tpu.memory_space<hbm>>
      %dma_wait3A_159 = arith.constant 0 : i32
      %dma_wait3A_160 = arith.constant 0 : i32
      %dma_wait3A_161 = tpu.memref_slice %dma_wait3A_158[%dma_wait3A_159, %dma_wait3A_160] : memref<10240x16xf32, #tpu.memory_space<hbm>> -> memref<10240x16xf32, #tpu.memory_space<hbm>>
      tpu.wait_indirect_dma semaphore(%arg16 : memref<!tpu.dma_semaphore, #tpu.memory_space<semaphore_mem>>) src(%dma_wait3A_161 : memref<10240x16xf32, #tpu.memory_space<hbm>>) dst(%arg11 : memref<500x16xf32, #tpu.memory_space<vmem>>)
      %dma_start3A_162 = arith.constant 0 : i32
      %dma_start3A_163 = tpu.memref_slice %arg7[%add3A_151, %dma_start3A_162] : memref<40x500xi32, #tpu.memory_space<vmem>> -> memref<1x500xi32, #tpu.memory_space<vmem>>
      %dma_start3A_164 = tpu.memref_squeeze %dma_start3A_163 : memref<1x500xi32, #tpu.memory_space<vmem>> -> memref<500xi32, #tpu.memory_space<vmem>>
      %dma_start3A_165 = arith.constant 0 : i32
      %dma_start3A_166 = arith.constant 0 : i32
      %dma_start3A_167 = tpu.memref_slice %arg12[%dma_start3A_165, %dma_start3A_166] : memref<10240x16xf32, #tpu.memory_space<vmem_shared>> -> memref<10240x16xf32, #tpu.memory_space<vmem_shared>>
      tpu.enqueue_indirect_dma source(%arg11 : memref<500x16xf32, #tpu.memory_space<vmem>>) target(%dma_start3A_167 : memref<10240x16xf32, #tpu.memory_space<vmem_shared>>) offsets(%dma_start3A_164 : memref<500xi32, #tpu.memory_space<vmem>>) semaphore(%arg20 : memref<!tpu.dma_semaphore, #tpu.memory_space<semaphore_mem>>) {add = true}
      %mul3A_168 = arith.constant 4 : i32
      %mul3A_169 = arith.muli %scan3A_88, %mul3A_168 : i32
      %add3A_170 = arith.constant 0 : i32
      %add3A_171 = arith.addi %mul3A_169, %add3A_170 : i32
      %add3A_172 = arith.constant 4 : i32
      %add3A_173 = arith.addi %add3A_171, %add3A_172 : i32
      %lt3A = arith.constant 40 : i32
      %lt3A_174 = arith.cmpi slt, %add3A_173, %lt3A : i32
      %convert_element_type3A = arith.extui %lt3A_174 : i1 to i32
      %cond3A = arith.constant 0 : i32
      %cond3A_175 = arith.cmpi ne, %convert_element_type3A, %cond3A : i32
      scf.if %cond3A_175 {
        %dma_wait3A_209 = arith.constant 0 : i32
        %dma_wait3A_210 = tpu.memref_slice %arg7[%add3A_171, %dma_wait3A_209] : memref<40x500xi32, #tpu.memory_space<vmem>> -> memref<1x500xi32, #tpu.memory_space<vmem>>
        %dma_wait3A_211 = tpu.memref_squeeze %dma_wait3A_210 : memref<1x500xi32, #tpu.memory_space<vmem>> -> memref<500xi32, #tpu.memory_space<vmem>>
        %dma_wait3A_212 = arith.constant 0 : i32
        %dma_wait3A_213 = arith.constant 0 : i32
        %dma_wait3A_214 = tpu.memref_slice %arg12[%dma_wait3A_212, %dma_wait3A_213] : memref<10240x16xf32, #tpu.memory_space<vmem_shared>> -> memref<10240x16xf32, #tpu.memory_space<vmem_shared>>
        tpu.wait_indirect_dma semaphore(%arg17 : memref<!tpu.dma_semaphore, #tpu.memory_space<semaphore_mem>>) src(%arg8 : memref<500x16xf32, #tpu.memory_space<vmem>>) dst(%dma_wait3A_214 : memref<10240x16xf32, #tpu.memory_space<vmem_shared>>)
        %add3A_215 = arith.constant 4 : i32
        %add3A_216 = arith.addi %add3A_171, %add3A_215 : i32
        %dma_start3A_217 = arith.constant 0 : i32
        %dma_start3A_218 = tpu.memref_slice %arg6[%add3A_216, %dma_start3A_217] : memref<40x500xi32, #tpu.memory_space<vmem>> -> memref<1x500xi32, #tpu.memory_space<vmem>>
        %dma_start3A_219 = tpu.memref_squeeze %dma_start3A_218 : memref<1x500xi32, #tpu.memory_space<vmem>> -> memref<500xi32, #tpu.memory_space<vmem>>
        %dma_start3A_220 = arith.constant 0 : i32
        %dma_start3A_221 = arith.constant 0 : i32
        %dma_start3A_222 = tpu.memref_slice %arg4[%arg0, %dma_start3A_220, %dma_start3A_221] : memref<2x10240x16xf32, #tpu.memory_space<hbm>> -> memref<1x10240x16xf32, #tpu.memory_space<hbm>>
        %dma_start3A_223 = tpu.memref_squeeze %dma_start3A_222 : memref<1x10240x16xf32, #tpu.memory_space<hbm>> -> memref<10240x16xf32, #tpu.memory_space<hbm>>
        %dma_start3A_224 = arith.constant 0 : i32
        %dma_start3A_225 = arith.constant 0 : i32
        %dma_start3A_226 = tpu.memref_slice %dma_start3A_223[%dma_start3A_224, %dma_start3A_225] : memref<10240x16xf32, #tpu.memory_space<hbm>> -> memref<10240x16xf32, #tpu.memory_space<hbm>>
        tpu.enqueue_indirect_dma source(%dma_start3A_226 : memref<10240x16xf32, #tpu.memory_space<hbm>>) target(%arg8 : memref<500x16xf32, #tpu.memory_space<vmem>>) offsets(%dma_start3A_219 : memref<500xi32, #tpu.memory_space<vmem>>) semaphore(%arg13 : memref<!tpu.dma_semaphore, #tpu.memory_space<semaphore_mem>>)
      } else {
      }
      %mul3A_176 = arith.constant 4 : i32
      %mul3A_177 = arith.muli %scan3A_88, %mul3A_176 : i32
      %add3A_178 = arith.constant 1 : i32
      %add3A_179 = arith.addi %mul3A_177, %add3A_178 : i32
      %add3A_180 = arith.constant 4 : i32
      %add3A_181 = arith.addi %add3A_179, %add3A_180 : i32
      %lt3A_182 = arith.constant 40 : i32
      %lt3A_183 = arith.cmpi slt, %add3A_181, %lt3A_182 : i32
      %convert_element_type3A_184 = arith.extui %lt3A_183 : i1 to i32
      %cond3A_185 = arith.constant 0 : i32
      %cond3A_186 = arith.cmpi ne, %convert_element_type3A_184, %cond3A_185 : i32
      scf.if %cond3A_186 {
        %dma_wait3A_209 = arith.constant 0 : i32
        %dma_wait3A_210 = tpu.memref_slice %arg7[%add3A_179, %dma_wait3A_209] : memref<40x500xi32, #tpu.memory_space<vmem>> -> memref<1x500xi32, #tpu.memory_space<vmem>>
        %dma_wait3A_211 = tpu.memref_squeeze %dma_wait3A_210 : memref<1x500xi32, #tpu.memory_space<vmem>> -> memref<500xi32, #tpu.memory_space<vmem>>
        %dma_wait3A_212 = arith.constant 0 : i32
        %dma_wait3A_213 = arith.constant 0 : i32
        %dma_wait3A_214 = tpu.memref_slice %arg12[%dma_wait3A_212, %dma_wait3A_213] : memref<10240x16xf32, #tpu.memory_space<vmem_shared>> -> memref<10240x16xf32, #tpu.memory_space<vmem_shared>>
        tpu.wait_indirect_dma semaphore(%arg18 : memref<!tpu.dma_semaphore, #tpu.memory_space<semaphore_mem>>) src(%arg9 : memref<500x16xf32, #tpu.memory_space<vmem>>) dst(%dma_wait3A_214 : memref<10240x16xf32, #tpu.memory_space<vmem_shared>>)
        %add3A_215 = arith.constant 4 : i32
        %add3A_216 = arith.addi %add3A_179, %add3A_215 : i32
        %dma_start3A_217 = arith.constant 0 : i32
        %dma_start3A_218 = tpu.memref_slice %arg6[%add3A_216, %dma_start3A_217] : memref<40x500xi32, #tpu.memory_space<vmem>> -> memref<1x500xi32, #tpu.memory_space<vmem>>
        %dma_start3A_219 = tpu.memref_squeeze %dma_start3A_218 : memref<1x500xi32, #tpu.memory_space<vmem>> -> memref<500xi32, #tpu.memory_space<vmem>>
        %dma_start3A_220 = arith.constant 0 : i32
        %dma_start3A_221 = arith.constant 0 : i32
        %dma_start3A_222 = tpu.memref_slice %arg4[%arg0, %dma_start3A_220, %dma_start3A_221] : memref<2x10240x16xf32, #tpu.memory_space<hbm>> -> memref<1x10240x16xf32, #tpu.memory_space<hbm>>
        %dma_start3A_223 = tpu.memref_squeeze %dma_start3A_222 : memref<1x10240x16xf32, #tpu.memory_space<hbm>> -> memref<10240x16xf32, #tpu.memory_space<hbm>>
        %dma_start3A_224 = arith.constant 0 : i32
        %dma_start3A_225 = arith.constant 0 : i32
        %dma_start3A_226 = tpu.memref_slice %dma_start3A_223[%dma_start3A_224, %dma_start3A_225] : memref<10240x16xf32, #tpu.memory_space<hbm>> -> memref<10240x16xf32, #tpu.memory_space<hbm>>
        tpu.enqueue_indirect_dma source(%dma_start3A_226 : memref<10240x16xf32, #tpu.memory_space<hbm>>) target(%arg9 : memref<500x16xf32, #tpu.memory_space<vmem>>) offsets(%dma_start3A_219 : memref<500xi32, #tpu.memory_space<vmem>>) semaphore(%arg14 : memref<!tpu.dma_semaphore, #tpu.memory_space<semaphore_mem>>)
      } else {
      }
      %mul3A_187 = arith.constant 4 : i32
      %mul3A_188 = arith.muli %scan3A_88, %mul3A_187 : i32
      %add3A_189 = arith.constant 2 : i32
      %add3A_190 = arith.addi %mul3A_188, %add3A_189 : i32
      %add3A_191 = arith.constant 4 : i32
      %add3A_192 = arith.addi %add3A_190, %add3A_191 : i32
      %lt3A_193 = arith.constant 40 : i32
      %lt3A_194 = arith.cmpi slt, %add3A_192, %lt3A_193 : i32
      %convert_element_type3A_195 = arith.extui %lt3A_194 : i1 to i32
      %cond3A_196 = arith.constant 0 : i32
      %cond3A_197 = arith.cmpi ne, %convert_element_type3A_195, %cond3A_196 : i32
      scf.if %cond3A_197 {
        %dma_wait3A_209 = arith.constant 0 : i32
        %dma_wait3A_210 = tpu.memref_slice %arg7[%add3A_190, %dma_wait3A_209] : memref<40x500xi32, #tpu.memory_space<vmem>> -> memref<1x500xi32, #tpu.memory_space<vmem>>
        %dma_wait3A_211 = tpu.memref_squeeze %dma_wait3A_210 : memref<1x500xi32, #tpu.memory_space<vmem>> -> memref<500xi32, #tpu.memory_space<vmem>>
        %dma_wait3A_212 = arith.constant 0 : i32
        %dma_wait3A_213 = arith.constant 0 : i32
        %dma_wait3A_214 = tpu.memref_slice %arg12[%dma_wait3A_212, %dma_wait3A_213] : memref<10240x16xf32, #tpu.memory_space<vmem_shared>> -> memref<10240x16xf32, #tpu.memory_space<vmem_shared>>
        tpu.wait_indirect_dma semaphore(%arg19 : memref<!tpu.dma_semaphore, #tpu.memory_space<semaphore_mem>>) src(%arg10 : memref<500x16xf32, #tpu.memory_space<vmem>>) dst(%dma_wait3A_214 : memref<10240x16xf32, #tpu.memory_space<vmem_shared>>)
        %add3A_215 = arith.constant 4 : i32
        %add3A_216 = arith.addi %add3A_190, %add3A_215 : i32
        %dma_start3A_217 = arith.constant 0 : i32
        %dma_start3A_218 = tpu.memref_slice %arg6[%add3A_216, %dma_start3A_217] : memref<40x500xi32, #tpu.memory_space<vmem>> -> memref<1x500xi32, #tpu.memory_space<vmem>>
        %dma_start3A_219 = tpu.memref_squeeze %dma_start3A_218 : memref<1x500xi32, #tpu.memory_space<vmem>> -> memref<500xi32, #tpu.memory_space<vmem>>
        %dma_start3A_220 = arith.constant 0 : i32
        %dma_start3A_221 = arith.constant 0 : i32
        %dma_start3A_222 = tpu.memref_slice %arg4[%arg0, %dma_start3A_220, %dma_start3A_221] : memref<2x10240x16xf32, #tpu.memory_space<hbm>> -> memref<1x10240x16xf32, #tpu.memory_space<hbm>>
        %dma_start3A_223 = tpu.memref_squeeze %dma_start3A_222 : memref<1x10240x16xf32, #tpu.memory_space<hbm>> -> memref<10240x16xf32, #tpu.memory_space<hbm>>
        %dma_start3A_224 = arith.constant 0 : i32
        %dma_start3A_225 = arith.constant 0 : i32
        %dma_start3A_226 = tpu.memref_slice %dma_start3A_223[%dma_start3A_224, %dma_start3A_225] : memref<10240x16xf32, #tpu.memory_space<hbm>> -> memref<10240x16xf32, #tpu.memory_space<hbm>>
        tpu.enqueue_indirect_dma source(%dma_start3A_226 : memref<10240x16xf32, #tpu.memory_space<hbm>>) target(%arg10 : memref<500x16xf32, #tpu.memory_space<vmem>>) offsets(%dma_start3A_219 : memref<500xi32, #tpu.memory_space<vmem>>) semaphore(%arg15 : memref<!tpu.dma_semaphore, #tpu.memory_space<semaphore_mem>>)
      } else {
      }
      %mul3A_198 = arith.constant 4 : i32
      %mul3A_199 = arith.muli %scan3A_88, %mul3A_198 : i32
      %add3A_200 = arith.constant 3 : i32
      %add3A_201 = arith.addi %mul3A_199, %add3A_200 : i32
      %add3A_202 = arith.constant 4 : i32
      %add3A_203 = arith.addi %add3A_201, %add3A_202 : i32
      %lt3A_204 = arith.constant 40 : i32
      %lt3A_205 = arith.cmpi slt, %add3A_203, %lt3A_204 : i32
      %convert_element_type3A_206 = arith.extui %lt3A_205 : i1 to i32
      %cond3A_207 = arith.constant 0 : i32
      %cond3A_208 = arith.cmpi ne, %convert_element_type3A_206, %cond3A_207 : i32
      scf.if %cond3A_208 {
        %dma_wait3A_209 = arith.constant 0 : i32
        %dma_wait3A_210 = tpu.memref_slice %arg7[%add3A_201, %dma_wait3A_209] : memref<40x500xi32, #tpu.memory_space<vmem>> -> memref<1x500xi32, #tpu.memory_space<vmem>>
        %dma_wait3A_211 = tpu.memref_squeeze %dma_wait3A_210 : memref<1x500xi32, #tpu.memory_space<vmem>> -> memref<500xi32, #tpu.memory_space<vmem>>
        %dma_wait3A_212 = arith.constant 0 : i32
        %dma_wait3A_213 = arith.constant 0 : i32
        %dma_wait3A_214 = tpu.memref_slice %arg12[%dma_wait3A_212, %dma_wait3A_213] : memref<10240x16xf32, #tpu.memory_space<vmem_shared>> -> memref<10240x16xf32, #tpu.memory_space<vmem_shared>>
        tpu.wait_indirect_dma semaphore(%arg20 : memref<!tpu.dma_semaphore, #tpu.memory_space<semaphore_mem>>) src(%arg11 : memref<500x16xf32, #tpu.memory_space<vmem>>) dst(%dma_wait3A_214 : memref<10240x16xf32, #tpu.memory_space<vmem_shared>>)
        %add3A_215 = arith.constant 4 : i32
        %add3A_216 = arith.addi %add3A_201, %add3A_215 : i32
        %dma_start3A_217 = arith.constant 0 : i32
        %dma_start3A_218 = tpu.memref_slice %arg6[%add3A_216, %dma_start3A_217] : memref<40x500xi32, #tpu.memory_space<vmem>> -> memref<1x500xi32, #tpu.memory_space<vmem>>
        %dma_start3A_219 = tpu.memref_squeeze %dma_start3A_218 : memref<1x500xi32, #tpu.memory_space<vmem>> -> memref<500xi32, #tpu.memory_space<vmem>>
        %dma_start3A_220 = arith.constant 0 : i32
        %dma_start3A_221 = arith.constant 0 : i32
        %dma_start3A_222 = tpu.memref_slice %arg4[%arg0, %dma_start3A_220, %dma_start3A_221] : memref<2x10240x16xf32, #tpu.memory_space<hbm>> -> memref<1x10240x16xf32, #tpu.memory_space<hbm>>
        %dma_start3A_223 = tpu.memref_squeeze %dma_start3A_222 : memref<1x10240x16xf32, #tpu.memory_space<hbm>> -> memref<10240x16xf32, #tpu.memory_space<hbm>>
        %dma_start3A_224 = arith.constant 0 : i32
        %dma_start3A_225 = arith.constant 0 : i32
        %dma_start3A_226 = tpu.memref_slice %dma_start3A_223[%dma_start3A_224, %dma_start3A_225] : memref<10240x16xf32, #tpu.memory_space<hbm>> -> memref<10240x16xf32, #tpu.memory_space<hbm>>
        tpu.enqueue_indirect_dma source(%dma_start3A_226 : memref<10240x16xf32, #tpu.memory_space<hbm>>) target(%arg11 : memref<500x16xf32, #tpu.memory_space<vmem>>) offsets(%dma_start3A_219 : memref<500xi32, #tpu.memory_space<vmem>>) semaphore(%arg16 : memref<!tpu.dma_semaphore, #tpu.memory_space<semaphore_mem>>)
      } else {
      }
    }
    %scan3A_56 = arith.constant 10 : i32
    %dma_wait3A = arith.constant 36 : i32
    %dma_wait3A_57 = arith.constant 0 : i32
    %dma_wait3A_58 = tpu.memref_slice %arg7[%dma_wait3A, %dma_wait3A_57] : memref<40x500xi32, #tpu.memory_space<vmem>> -> memref<1x500xi32, #tpu.memory_space<vmem>>
    %dma_wait3A_59 = tpu.memref_squeeze %dma_wait3A_58 : memref<1x500xi32, #tpu.memory_space<vmem>> -> memref<500xi32, #tpu.memory_space<vmem>>
    %dma_wait3A_60 = arith.constant 0 : i32
    %dma_wait3A_61 = arith.constant 0 : i32
    %dma_wait3A_62 = tpu.memref_slice %arg12[%dma_wait3A_60, %dma_wait3A_61] : memref<10240x16xf32, #tpu.memory_space<vmem_shared>> -> memref<10240x16xf32, #tpu.memory_space<vmem_shared>>
    tpu.wait_indirect_dma semaphore(%arg17 : memref<!tpu.dma_semaphore, #tpu.memory_space<semaphore_mem>>) src(%arg8 : memref<500x16xf32, #tpu.memory_space<vmem>>) dst(%dma_wait3A_62 : memref<10240x16xf32, #tpu.memory_space<vmem_shared>>)
    %dma_wait3A_63 = arith.constant 37 : i32
    %dma_wait3A_64 = arith.constant 0 : i32
    %dma_wait3A_65 = tpu.memref_slice %arg7[%dma_wait3A_63, %dma_wait3A_64] : memref<40x500xi32, #tpu.memory_space<vmem>> -> memref<1x500xi32, #tpu.memory_space<vmem>>
    %dma_wait3A_66 = tpu.memref_squeeze %dma_wait3A_65 : memref<1x500xi32, #tpu.memory_space<vmem>> -> memref<500xi32, #tpu.memory_space<vmem>>
    %dma_wait3A_67 = arith.constant 0 : i32
    %dma_wait3A_68 = arith.constant 0 : i32
    %dma_wait3A_69 = tpu.memref_slice %arg12[%dma_wait3A_67, %dma_wait3A_68] : memref<10240x16xf32, #tpu.memory_space<vmem_shared>> -> memref<10240x16xf32, #tpu.memory_space<vmem_shared>>
    tpu.wait_indirect_dma semaphore(%arg18 : memref<!tpu.dma_semaphore, #tpu.memory_space<semaphore_mem>>) src(%arg9 : memref<500x16xf32, #tpu.memory_space<vmem>>) dst(%dma_wait3A_69 : memref<10240x16xf32, #tpu.memory_space<vmem_shared>>)
    %dma_wait3A_70 = arith.constant 38 : i32
    %dma_wait3A_71 = arith.constant 0 : i32
    %dma_wait3A_72 = tpu.memref_slice %arg7[%dma_wait3A_70, %dma_wait3A_71] : memref<40x500xi32, #tpu.memory_space<vmem>> -> memref<1x500xi32, #tpu.memory_space<vmem>>
    %dma_wait3A_73 = tpu.memref_squeeze %dma_wait3A_72 : memref<1x500xi32, #tpu.memory_space<vmem>> -> memref<500xi32, #tpu.memory_space<vmem>>
    %dma_wait3A_74 = arith.constant 0 : i32
    %dma_wait3A_75 = arith.constant 0 : i32
    %dma_wait3A_76 = tpu.memref_slice %arg12[%dma_wait3A_74, %dma_wait3A_75] : memref<10240x16xf32, #tpu.memory_space<vmem_shared>> -> memref<10240x16xf32, #tpu.memory_space<vmem_shared>>
    tpu.wait_indirect_dma semaphore(%arg19 : memref<!tpu.dma_semaphore, #tpu.memory_space<semaphore_mem>>) src(%arg10 : memref<500x16xf32, #tpu.memory_space<vmem>>) dst(%dma_wait3A_76 : memref<10240x16xf32, #tpu.memory_space<vmem_shared>>)
    %dma_wait3A_77 = arith.constant 39 : i32
    %dma_wait3A_78 = arith.constant 0 : i32
    %dma_wait3A_79 = tpu.memref_slice %arg7[%dma_wait3A_77, %dma_wait3A_78] : memref<40x500xi32, #tpu.memory_space<vmem>> -> memref<1x500xi32, #tpu.memory_space<vmem>>
    %dma_wait3A_80 = tpu.memref_squeeze %dma_wait3A_79 : memref<1x500xi32, #tpu.memory_space<vmem>> -> memref<500xi32, #tpu.memory_space<vmem>>
    %dma_wait3A_81 = arith.constant 0 : i32
    %dma_wait3A_82 = arith.constant 0 : i32
    %dma_wait3A_83 = tpu.memref_slice %arg12[%dma_wait3A_81, %dma_wait3A_82] : memref<10240x16xf32, #tpu.memory_space<vmem_shared>> -> memref<10240x16xf32, #tpu.memory_space<vmem_shared>>
    tpu.wait_indirect_dma semaphore(%arg20 : memref<!tpu.dma_semaphore, #tpu.memory_space<semaphore_mem>>) src(%arg11 : memref<500x16xf32, #tpu.memory_space<vmem>>) dst(%dma_wait3A_83 : memref<10240x16xf32, #tpu.memory_space<vmem_shared>>)
    %barrier3A_84 = arith.constant 0 : index
    tpu.barrier barrier_id(%barrier3A_84)
    %mul3A = arith.constant 640 : i32
    %mul3A_85 = arith.muli %arg1, %mul3A : i32
    %mul3A_86 = arith.constant 640 : i32
    %mul3A_87 = arith.muli %arg1, %mul3A_86 : i32
    "tpu.region"() ({
      %run_scoped3A = tpu.sem_alloc : memref<!tpu.dma_semaphore, #tpu.memory_space<semaphore_mem>>
      %dma_start3A_88 = arith.constant 0 : i32
      %dma_start3A_89 = tpu.memref_slice %arg5[%arg0, %mul3A_87, %dma_start3A_88] : memref<2x10240x16xf32, #tpu.memory_space<hbm>> -> memref<1x640x16xf32, #tpu.memory_space<hbm>>
      %dma_start3A_90 = tpu.memref_squeeze %dma_start3A_89 : memref<1x640x16xf32, #tpu.memory_space<hbm>> -> memref<640x16xf32, #tpu.memory_space<hbm>>
      %dma_start3A_91 = arith.constant 0 : i32
      %dma_start3A_92 = tpu.memref_slice %arg12[%mul3A_85, %dma_start3A_91] : memref<10240x16xf32, #tpu.memory_space<vmem_shared>> -> memref<640x16xf32, #tpu.memory_space<vmem_shared>>
      tpu.enqueue_dma source(%dma_start3A_92 : memref<640x16xf32, #tpu.memory_space<vmem_shared>>) target(%dma_start3A_90 : memref<640x16xf32, #tpu.memory_space<hbm>>) target_semaphore(%run_scoped3A : memref<!tpu.dma_semaphore, #tpu.memory_space<semaphore_mem>>)
      %dma_wait3A_93 = arith.constant 0 : i32
      %dma_wait3A_94 = tpu.memref_slice %arg5[%arg0, %mul3A_87, %dma_wait3A_93] : memref<2x10240x16xf32, #tpu.memory_space<hbm>> -> memref<1x640x16xf32, #tpu.memory_space<hbm>>
      %dma_wait3A_95 = tpu.memref_squeeze %dma_wait3A_94 : memref<1x640x16xf32, #tpu.memory_space<hbm>> -> memref<640x16xf32, #tpu.memory_space<hbm>>
      %dma_wait3A_96 = arith.constant 0 : i32
      %dma_wait3A_97 = tpu.memref_slice %arg12[%mul3A_85, %dma_wait3A_96] : memref<10240x16xf32, #tpu.memory_space<vmem_shared>> -> memref<640x16xf32, #tpu.memory_space<vmem_shared>>
      tpu.wait_dma2 semaphore(%run_scoped3A : memref<!tpu.dma_semaphore, #tpu.memory_space<semaphore_mem>>) src(%dma_wait3A_97 : memref<640x16xf32, #tpu.memory_space<vmem_shared>>) dst(%dma_wait3A_95 : memref<640x16xf32, #tpu.memory_space<hbm>>)
      tpu.yield
    }) : () -> ()
    return
  }
}

module attributes {stable_mosaic.version = 14 : i64} {
  func.func @_tc1_body(%arg0: i32, %arg1: memref<2048x128xf32, #tpu.memory_space<vmem>>, %arg2: memref<2x2048xf32, #tpu.memory_space<vmem>>, %arg3: memref<128x16xf32, #tpu.memory_space<vmem>>, %arg4: memref<1x16xf32, #tpu.memory_space<vmem>>, %arg5: memref<128x16xf32, #tpu.memory_space<vmem>>, %arg6: memref<1x16xf32, #tpu.memory_space<vmem>>, %arg7: memref<2x2048x16xf32, #tpu.memory_space<vmem>>, %arg8: memref<2048x2xf32, #tpu.memory_space<vmem>>) attributes {dimension_semantics = [#tpu.dimension_semantics<arbitrary>], iteration_bounds = array<i64: 5>, scalar_prefetch = 0 : i64, scratch_operands = 0 : i64, tpu.core_type = #tpu.core_type<tc>, window_params = [{transform_indices = @transform_0, window_bounds = array<i64: 2048, 128>}, {transform_indices = @transform_1, window_bounds = array<i64: 2, 2048>}, {pipeline_mode = #tpu.pipeline_mode<synchronous>, transform_indices = @transform_2, window_bounds = array<i64: 128, 16>}, {pipeline_mode = #tpu.pipeline_mode<synchronous>, transform_indices = @transform_3, window_bounds = array<i64: 1, 16>}, {pipeline_mode = #tpu.pipeline_mode<synchronous>, transform_indices = @transform_4, window_bounds = array<i64: 128, 16>}, {pipeline_mode = #tpu.pipeline_mode<synchronous>, transform_indices = @transform_5, window_bounds = array<i64: 1, 16>}, {transform_indices = @transform_6, window_bounds = array<i64: 2, 2048, 16>}, {transform_indices = @transform_7, window_bounds = array<i64: 2048, 2>}]} {
    %get3A = arith.constant 0 : index
    %get3A_0 = arith.constant 0 : index
    %get3A_1 = vector.load %arg2[%get3A, %get3A_0] : memref<2x2048xf32, #tpu.memory_space<vmem>>, vector<2x2048xf32>
    %transpose3A = tpu.transpose %get3A_1, [1, 0] : vector<2x2048xf32> -> vector<2048x2xf32>
    %slice3A = vector.extract_strided_slice %transpose3A {offsets = [0, 0], sizes = [2048, 1], strides = [1, 1]} : vector<2048x2xf32> to vector<2048x1xf32>
    %slice3A_2 = vector.extract_strided_slice %transpose3A {offsets = [0, 1], sizes = [2048, 1], strides = [1, 1]} : vector<2048x2xf32> to vector<2048x1xf32>
    %add3A = arith.addf %slice3A, %slice3A_2 : vector<2048x1xf32>
    %max3A = arith.constant 1.000000e+00 : f32
    %max3A_3 = vector.broadcast %max3A : f32 to vector<2048x1xf32>
    %max3A_4 = arith.maximumf %add3A, %max3A_3 : vector<2048x1xf32>
    %rsqrt3A = math.rsqrt %max3A_4 : vector<2048x1xf32>
    %div3A = arith.constant 1.000000e+00 : f32
    %div3A_5 = vector.broadcast %div3A : f32 to vector<2048x1xf32>
    %div3A_6 = arith.divf %div3A_5, %max3A_4 : vector<2048x1xf32>
    %concatenate3A = tpu.concatenate %rsqrt3A, %div3A_6 in 1 : vector<2048x1xf32>, vector<2048x1xf32> -> vector<2048x2xf32>
    %swap3A = arith.constant 0 : index
    %swap3A_7 = arith.constant 0 : index
    %swap3A_8 = vector.load %arg8[%swap3A, %swap3A_7] : memref<2048x2xf32, #tpu.memory_space<vmem>>, vector<2048x2xf32>
    tpu.vector_store %arg8[%swap3A, %swap3A_7], %concatenate3A {strides = array<i32>} : memref<2048x2xf32, #tpu.memory_space<vmem>>, vector<2048x2xf32>,
    %get3A_9 = arith.constant 0 : index
    %get3A_10 = arith.constant 0 : index
    %get3A_11 = vector.load %arg1[%get3A_9, %get3A_10] : memref<2048x128xf32, #tpu.memory_space<vmem>>, vector<2048x128xf32>
    %get3A_12 = arith.constant 0 : index
    %get3A_13 = arith.constant 0 : index
    %get3A_14 = vector.load %arg3[%get3A_12, %get3A_13] : memref<128x16xf32, #tpu.memory_space<vmem>>, vector<128x16xf32>
    %dot_general3A = arith.constant dense<0.000000e+00> : vector<2048x16xf32>
    %dot_general3A_15 = tpu.matmul %get3A_11, %get3A_14, %dot_general3A {dimension_numbers = #tpu.dot_dimension_numbers<[1], [0], [0], [1], [0, 0, 1, 1], [], []>, transpose_lhs_hint = false} : vector<2048x128xf32>, vector<128x16xf32>, vector<2048x16xf32> -> vector<2048x16xf32>
    %get3A_16 = arith.constant 0 : index
    %get3A_17 = arith.constant 0 : index
    %get3A_18 = vector.load %arg4[%get3A_16, %get3A_17] : memref<1x16xf32, #tpu.memory_space<vmem>>, vector<1x16xf32>
    %add3A_19 = vector.broadcast %get3A_18 : vector<1x16xf32> to vector<2048x16xf32>
    %add3A_20 = arith.addf %dot_general3A_15, %add3A_19 : vector<2048x16xf32>
    %max3A_21 = arith.constant 0.000000e+00 : f32
    %max3A_22 = vector.broadcast %max3A_21 : f32 to vector<2048x16xf32>
    %max3A_23 = arith.maximumf %add3A_20, %max3A_22 : vector<2048x16xf32>
    %get3A_24 = arith.constant 0 : index
    %get3A_25 = arith.constant 0 : index
    %get3A_26 = vector.load %arg5[%get3A_24, %get3A_25] : memref<128x16xf32, #tpu.memory_space<vmem>>, vector<128x16xf32>
    %dot_general3A_27 = arith.constant dense<0.000000e+00> : vector<2048x16xf32>
    %dot_general3A_28 = tpu.matmul %get3A_11, %get3A_26, %dot_general3A_27 {dimension_numbers = #tpu.dot_dimension_numbers<[1], [0], [0], [1], [0, 0, 1, 1], [], []>, transpose_lhs_hint = false} : vector<2048x128xf32>, vector<128x16xf32>, vector<2048x16xf32> -> vector<2048x16xf32>
    %get3A_29 = arith.constant 0 : index
    %get3A_30 = arith.constant 0 : index
    %get3A_31 = vector.load %arg6[%get3A_29, %get3A_30] : memref<1x16xf32, #tpu.memory_space<vmem>>, vector<1x16xf32>
    %add3A_32 = vector.broadcast %get3A_31 : vector<1x16xf32> to vector<2048x16xf32>
    %add3A_33 = arith.addf %dot_general3A_28, %add3A_32 : vector<2048x16xf32>
    %max3A_34 = arith.constant 0.000000e+00 : f32
    %max3A_35 = vector.broadcast %max3A_34 : f32 to vector<2048x16xf32>
    %max3A_36 = arith.maximumf %add3A_33, %max3A_35 : vector<2048x16xf32>
    %neg3A = arith.constant 0.000000e+00 : f32
    %neg3A_37 = vector.broadcast %neg3A : f32 to vector<2048x16xf32>
    %neg3A_38 = arith.subf %neg3A_37, %max3A_36 : vector<2048x16xf32>
    %exp3A = math.exp %neg3A_38 : vector<2048x16xf32>
    %mul3A = arith.mulf %max3A_23, %exp3A : vector<2048x16xf32>
    %mul3A_39 = vector.broadcast %rsqrt3A : vector<2048x1xf32> to vector<2048x16xf32>
    %mul3A_40 = arith.mulf %mul3A, %mul3A_39 : vector<2048x16xf32>
    %swap3A_41 = arith.constant 0 : index
    %swap3A_42 = arith.constant 0 : index
    %swap3A_43 = arith.constant 0 : index
    %swap3A_44 = vector.load %arg7[%swap3A_41, %swap3A_42, %swap3A_43] : memref<2x2048x16xf32, #tpu.memory_space<vmem>>, vector<1x2048x16xf32>
    %swap3A_45 = vector.shape_cast %swap3A_44 : vector<1x2048x16xf32> to vector<2048x16xf32>
    %swap3A_46 = vector.shape_cast %mul3A_40 : vector<2048x16xf32> to vector<1x2048x16xf32>
    tpu.vector_store %arg7[%swap3A_41, %swap3A_42, %swap3A_43], %swap3A_46 {strides = array<i32>} : memref<2x2048x16xf32, #tpu.memory_space<vmem>>, vector<1x2048x16xf32>,
    %mul3A_47 = arith.mulf %max3A_36, %exp3A : vector<2048x16xf32>
    %mul3A_48 = arith.mulf %mul3A_47, %exp3A : vector<2048x16xf32>
    %mul3A_49 = vector.broadcast %div3A_6 : vector<2048x1xf32> to vector<2048x16xf32>
    %mul3A_50 = arith.mulf %mul3A_48, %mul3A_49 : vector<2048x16xf32>
    %swap3A_51 = arith.constant 1 : index
    %swap3A_52 = arith.constant 0 : index
    %swap3A_53 = arith.constant 0 : index
    %swap3A_54 = vector.load %arg7[%swap3A_51, %swap3A_52, %swap3A_53] : memref<2x2048x16xf32, #tpu.memory_space<vmem>>, vector<1x2048x16xf32>
    %swap3A_55 = vector.shape_cast %swap3A_54 : vector<1x2048x16xf32> to vector<2048x16xf32>
    %swap3A_56 = vector.shape_cast %mul3A_50 : vector<2048x16xf32> to vector<1x2048x16xf32>
    tpu.vector_store %arg7[%swap3A_51, %swap3A_52, %swap3A_53], %swap3A_56 {strides = array<i32>} : memref<2x2048x16xf32, #tpu.memory_space<vmem>>, vector<1x2048x16xf32>,
    return
  }
  func.func @transform_0(%arg0: i32) -> (i32, i32) {
    %c0_i32 = arith.constant 0 : i32
    %c0_i32_0 = arith.constant 0 : i32
    return %arg0, %c0_i32 : i32, i32
  }
  func.func @transform_1(%arg0: i32) -> (i32, i32) {
    %c0_i32 = arith.constant 0 : i32
    %c0_i32_0 = arith.constant 0 : i32
    return %c0_i32, %arg0 : i32, i32
  }
  func.func @transform_2(%arg0: i32) -> (i32, i32) {
    %c0_i32 = arith.constant 0 : i32
    %c0_i32_0 = arith.constant 0 : i32
    %c0_i32_1 = arith.constant 0 : i32
    return %c0_i32, %c0_i32_0 : i32, i32
  }
  func.func @transform_3(%arg0: i32) -> (i32, i32) {
    %c0_i32 = arith.constant 0 : i32
    %c0_i32_0 = arith.constant 0 : i32
    %c0_i32_1 = arith.constant 0 : i32
    return %c0_i32, %c0_i32_0 : i32, i32
  }
  func.func @transform_4(%arg0: i32) -> (i32, i32) {
    %c0_i32 = arith.constant 0 : i32
    %c0_i32_0 = arith.constant 0 : i32
    %c0_i32_1 = arith.constant 0 : i32
    return %c0_i32, %c0_i32_0 : i32, i32
  }
  func.func @transform_5(%arg0: i32) -> (i32, i32) {
    %c0_i32 = arith.constant 0 : i32
    %c0_i32_0 = arith.constant 0 : i32
    %c0_i32_1 = arith.constant 0 : i32
    return %c0_i32, %c0_i32_0 : i32, i32
  }
  func.func @transform_6(%arg0: i32) -> (i32, i32, i32) {
    %c0_i32 = arith.constant 0 : i32
    %c0_i32_0 = arith.constant 0 : i32
    %c0_i32_1 = arith.constant 0 : i32
    return %c0_i32, %arg0, %c0_i32_0 : i32, i32, i32
  }
  func.func @transform_7(%arg0: i32) -> (i32, i32) {
    %c0_i32 = arith.constant 0 : i32
    %c0_i32_0 = arith.constant 0 : i32
    return %arg0, %c0_i32 : i32, i32
  }
}

module attributes {stable_mosaic.version = 14 : i64} {
  func.func @_tc2_body(%arg0: i32, %arg1: memref<2x2048x16xf32, #tpu.memory_space<vmem>>, %arg2: memref<2048x2xf32, #tpu.memory_space<vmem>>, %arg3: memref<16x64xf32, #tpu.memory_space<vmem>>, %arg4: memref<1x64xf32, #tpu.memory_space<vmem>>, %arg5: memref<16x64xf32, #tpu.memory_space<vmem>>, %arg6: memref<1x64xf32, #tpu.memory_space<vmem>>, %arg7: memref<2x2048x64xf32, #tpu.memory_space<vmem>>) attributes {dimension_semantics = [#tpu.dimension_semantics<arbitrary>], iteration_bounds = array<i64: 5>, scalar_prefetch = 0 : i64, scratch_operands = 0 : i64, tpu.core_type = #tpu.core_type<tc>, window_params = [{transform_indices = @transform_0, window_bounds = array<i64: 2, 2048, 16>}, {transform_indices = @transform_1, window_bounds = array<i64: 2048, 2>}, {pipeline_mode = #tpu.pipeline_mode<synchronous>, transform_indices = @transform_2, window_bounds = array<i64: 16, 64>}, {pipeline_mode = #tpu.pipeline_mode<synchronous>, transform_indices = @transform_3, window_bounds = array<i64: 1, 64>}, {pipeline_mode = #tpu.pipeline_mode<synchronous>, transform_indices = @transform_4, window_bounds = array<i64: 16, 64>}, {pipeline_mode = #tpu.pipeline_mode<synchronous>, transform_indices = @transform_5, window_bounds = array<i64: 1, 64>}, {transform_indices = @transform_6, window_bounds = array<i64: 2, 2048, 64>}]} {
    %get3A = arith.constant 0 : index
    %get3A_0 = arith.constant 0 : index
    %get3A_1 = vector.load %arg2[%get3A, %get3A_0] : memref<2048x2xf32, #tpu.memory_space<vmem>>, vector<2048x1xf32>
    %get3A_2 = arith.constant 0 : index
    %get3A_3 = arith.constant 1 : index
    %get3A_4 = vector.load %arg2[%get3A_2, %get3A_3] : memref<2048x2xf32, #tpu.memory_space<vmem>>, vector<2048x1xf32>
    %get3A_5 = arith.constant 0 : index
    %get3A_6 = arith.constant 0 : index
    %get3A_7 = arith.constant 0 : index
    %get3A_8 = vector.load %arg1[%get3A_5, %get3A_6, %get3A_7] : memref<2x2048x16xf32, #tpu.memory_space<vmem>>, vector<1x2048x16xf32>
    %get3A_9 = vector.shape_cast %get3A_8 : vector<1x2048x16xf32> to vector<2048x16xf32>
    %mul3A = vector.broadcast %get3A_1 : vector<2048x1xf32> to vector<2048x16xf32>
    %mul3A_10 = arith.mulf %get3A_9, %mul3A : vector<2048x16xf32>
    %get3A_11 = arith.constant 1 : index
    %get3A_12 = arith.constant 0 : index
    %get3A_13 = arith.constant 0 : index
    %get3A_14 = vector.load %arg1[%get3A_11, %get3A_12, %get3A_13] : memref<2x2048x16xf32, #tpu.memory_space<vmem>>, vector<1x2048x16xf32>
    %get3A_15 = vector.shape_cast %get3A_14 : vector<1x2048x16xf32> to vector<2048x16xf32>
    %mul3A_16 = vector.broadcast %get3A_4 : vector<2048x1xf32> to vector<2048x16xf32>
    %mul3A_17 = arith.mulf %get3A_15, %mul3A_16 : vector<2048x16xf32>
    %get3A_18 = arith.constant 0 : index
    %get3A_19 = arith.constant 0 : index
    %get3A_20 = vector.load %arg3[%get3A_18, %get3A_19] : memref<16x64xf32, #tpu.memory_space<vmem>>, vector<16x64xf32>
    %dot_general3A = arith.constant dense<0.000000e+00> : vector<2048x64xf32>
    %dot_general3A_21 = tpu.matmul %mul3A_10, %get3A_20, %dot_general3A {dimension_numbers = #tpu.dot_dimension_numbers<[1], [0], [0], [1], [0, 0, 1, 1], [], []>, transpose_lhs_hint = false} : vector<2048x16xf32>, vector<16x64xf32>, vector<2048x64xf32> -> vector<2048x64xf32>
    %get3A_22 = arith.constant 0 : index
    %get3A_23 = arith.constant 0 : index
    %get3A_24 = vector.load %arg4[%get3A_22, %get3A_23] : memref<1x64xf32, #tpu.memory_space<vmem>>, vector<1x64xf32>
    %add3A = vector.broadcast %get3A_24 : vector<1x64xf32> to vector<2048x64xf32>
    %add3A_25 = arith.addf %dot_general3A_21, %add3A : vector<2048x64xf32>
    %get3A_26 = arith.constant 0 : index
    %get3A_27 = arith.constant 0 : index
    %get3A_28 = vector.load %arg5[%get3A_26, %get3A_27] : memref<16x64xf32, #tpu.memory_space<vmem>>, vector<16x64xf32>
    %dot_general3A_29 = arith.constant dense<0.000000e+00> : vector<2048x64xf32>
    %dot_general3A_30 = tpu.matmul %mul3A_17, %get3A_28, %dot_general3A_29 {dimension_numbers = #tpu.dot_dimension_numbers<[1], [0], [0], [1], [0, 0, 1, 1], [], []>, transpose_lhs_hint = false} : vector<2048x16xf32>, vector<16x64xf32>, vector<2048x64xf32> -> vector<2048x64xf32>
    %get3A_31 = arith.constant 0 : index
    %get3A_32 = arith.constant 0 : index
    %get3A_33 = vector.load %arg6[%get3A_31, %get3A_32] : memref<1x64xf32, #tpu.memory_space<vmem>>, vector<1x64xf32>
    %add3A_34 = vector.broadcast %get3A_33 : vector<1x64xf32> to vector<2048x64xf32>
    %add3A_35 = arith.addf %dot_general3A_30, %add3A_34 : vector<2048x64xf32>
    %max3A = arith.constant 0.000000e+00 : f32
    %max3A_36 = vector.broadcast %max3A : f32 to vector<2048x64xf32>
    %max3A_37 = arith.maximumf %add3A_35, %max3A_36 : vector<2048x64xf32>
    %neg3A = arith.constant 0.000000e+00 : f32
    %neg3A_38 = vector.broadcast %neg3A : f32 to vector<2048x64xf32>
    %neg3A_39 = arith.subf %neg3A_38, %max3A_37 : vector<2048x64xf32>
    %exp3A = math.exp %neg3A_39 : vector<2048x64xf32>
    %mul3A_40 = arith.mulf %add3A_25, %exp3A : vector<2048x64xf32>
    %mul3A_41 = vector.broadcast %get3A_1 : vector<2048x1xf32> to vector<2048x64xf32>
    %mul3A_42 = arith.mulf %mul3A_40, %mul3A_41 : vector<2048x64xf32>
    %swap3A = arith.constant 0 : index
    %swap3A_43 = arith.constant 0 : index
    %swap3A_44 = arith.constant 0 : index
    %swap3A_45 = vector.load %arg7[%swap3A, %swap3A_43, %swap3A_44] : memref<2x2048x64xf32, #tpu.memory_space<vmem>>, vector<1x2048x64xf32>
    %swap3A_46 = vector.shape_cast %swap3A_45 : vector<1x2048x64xf32> to vector<2048x64xf32>
    %swap3A_47 = vector.shape_cast %mul3A_42 : vector<2048x64xf32> to vector<1x2048x64xf32>
    tpu.vector_store %arg7[%swap3A, %swap3A_43, %swap3A_44], %swap3A_47 {strides = array<i32>} : memref<2x2048x64xf32, #tpu.memory_space<vmem>>, vector<1x2048x64xf32>,
    %mul3A_48 = arith.mulf %max3A_37, %exp3A : vector<2048x64xf32>
    %mul3A_49 = arith.mulf %mul3A_48, %exp3A : vector<2048x64xf32>
    %mul3A_50 = vector.broadcast %get3A_4 : vector<2048x1xf32> to vector<2048x64xf32>
    %mul3A_51 = arith.mulf %mul3A_49, %mul3A_50 : vector<2048x64xf32>
    %swap3A_52 = arith.constant 1 : index
    %swap3A_53 = arith.constant 0 : index
    %swap3A_54 = arith.constant 0 : index
    %swap3A_55 = vector.load %arg7[%swap3A_52, %swap3A_53, %swap3A_54] : memref<2x2048x64xf32, #tpu.memory_space<vmem>>, vector<1x2048x64xf32>
    %swap3A_56 = vector.shape_cast %swap3A_55 : vector<1x2048x64xf32> to vector<2048x64xf32>
    %swap3A_57 = vector.shape_cast %mul3A_51 : vector<2048x64xf32> to vector<1x2048x64xf32>
    tpu.vector_store %arg7[%swap3A_52, %swap3A_53, %swap3A_54], %swap3A_57 {strides = array<i32>} : memref<2x2048x64xf32, #tpu.memory_space<vmem>>, vector<1x2048x64xf32>,
    return
  }
  func.func @transform_0(%arg0: i32) -> (i32, i32, i32) {
    %c0_i32 = arith.constant 0 : i32
    %c0_i32_0 = arith.constant 0 : i32
    %c0_i32_1 = arith.constant 0 : i32
    return %c0_i32, %arg0, %c0_i32_0 : i32, i32, i32
  }
  func.func @transform_1(%arg0: i32) -> (i32, i32) {
    %c0_i32 = arith.constant 0 : i32
    %c0_i32_0 = arith.constant 0 : i32
    return %arg0, %c0_i32 : i32, i32
  }
  func.func @transform_2(%arg0: i32) -> (i32, i32) {
    %c0_i32 = arith.constant 0 : i32
    %c0_i32_0 = arith.constant 0 : i32
    %c0_i32_1 = arith.constant 0 : i32
    return %c0_i32, %c0_i32_0 : i32, i32
  }
  func.func @transform_3(%arg0: i32) -> (i32, i32) {
    %c0_i32 = arith.constant 0 : i32
    %c0_i32_0 = arith.constant 0 : i32
    %c0_i32_1 = arith.constant 0 : i32
    return %c0_i32, %c0_i32_0 : i32, i32
  }
  func.func @transform_4(%arg0: i32) -> (i32, i32) {
    %c0_i32 = arith.constant 0 : i32
    %c0_i32_0 = arith.constant 0 : i32
    %c0_i32_1 = arith.constant 0 : i32
    return %c0_i32, %c0_i32_0 : i32, i32
  }
  func.func @transform_5(%arg0: i32) -> (i32, i32) {
    %c0_i32 = arith.constant 0 : i32
    %c0_i32_0 = arith.constant 0 : i32
    %c0_i32_1 = arith.constant 0 : i32
    return %c0_i32, %c0_i32_0 : i32, i32
  }
  func.func @transform_6(%arg0: i32) -> (i32, i32, i32) {
    %c0_i32 = arith.constant 0 : i32
    %c0_i32_0 = arith.constant 0 : i32
    %c0_i32_1 = arith.constant 0 : i32
    return %c0_i32, %arg0, %c0_i32_0 : i32, i32, i32
  }
}

module attributes {stable_mosaic.version = 14 : i64} {
  func.func @_tcf_body(%arg0: i32, %arg1: memref<2x2000x64xf32, #tpu.memory_space<vmem>>, %arg2: memref<2000x2xf32, #tpu.memory_space<vmem>>, %arg3: memref<2000x64xf32, #tpu.memory_space<vmem>>, %arg4: memref<2000x64xf32, #tpu.memory_space<vmem>>) attributes {dimension_semantics = [#tpu.dimension_semantics<arbitrary>], iteration_bounds = array<i64: 5>, scalar_prefetch = 0 : i64, scratch_operands = 0 : i64, tpu.core_type = #tpu.core_type<tc>, window_params = [{transform_indices = @transform_0, window_bounds = array<i64: 2, 2000, 64>}, {transform_indices = @transform_1, window_bounds = array<i64: 2000, 2>}, {transform_indices = @transform_2, window_bounds = array<i64: 2000, 64>}, {transform_indices = @transform_3, window_bounds = array<i64: 2000, 64>}]} {
    %get3A = arith.constant 0 : index
    %get3A_0 = arith.constant 0 : index
    %get3A_1 = vector.load %arg2[%get3A, %get3A_0] : memref<2000x2xf32, #tpu.memory_space<vmem>>, vector<2000x1xf32>
    %get3A_2 = arith.constant 0 : index
    %get3A_3 = arith.constant 1 : index
    %get3A_4 = vector.load %arg2[%get3A_2, %get3A_3] : memref<2000x2xf32, #tpu.memory_space<vmem>>, vector<2000x1xf32>
    %get3A_5 = arith.constant 0 : index
    %get3A_6 = arith.constant 0 : index
    %get3A_7 = arith.constant 0 : index
    %get3A_8 = vector.load %arg1[%get3A_5, %get3A_6, %get3A_7] : memref<2x2000x64xf32, #tpu.memory_space<vmem>>, vector<1x2000x64xf32>
    %get3A_9 = vector.shape_cast %get3A_8 : vector<1x2000x64xf32> to vector<2000x64xf32>
    %mul3A = vector.broadcast %get3A_1 : vector<2000x1xf32> to vector<2000x64xf32>
    %mul3A_10 = arith.mulf %get3A_9, %mul3A : vector<2000x64xf32>
    %get3A_11 = arith.constant 1 : index
    %get3A_12 = arith.constant 0 : index
    %get3A_13 = arith.constant 0 : index
    %get3A_14 = vector.load %arg1[%get3A_11, %get3A_12, %get3A_13] : memref<2x2000x64xf32, #tpu.memory_space<vmem>>, vector<1x2000x64xf32>
    %get3A_15 = vector.shape_cast %get3A_14 : vector<1x2000x64xf32> to vector<2000x64xf32>
    %mul3A_16 = vector.broadcast %get3A_4 : vector<2000x1xf32> to vector<2000x64xf32>
    %mul3A_17 = arith.mulf %get3A_15, %mul3A_16 : vector<2000x64xf32>
    %get3A_18 = arith.constant 0 : index
    %get3A_19 = arith.constant 0 : index
    %get3A_20 = vector.load %arg3[%get3A_18, %get3A_19] : memref<2000x64xf32, #tpu.memory_space<vmem>>, vector<2000x64xf32>
    %add3A = arith.constant 9.99999993E-9 : f32
    %add3A_21 = vector.broadcast %add3A : f32 to vector<2000x64xf32>
    %add3A_22 = arith.addf %mul3A_17, %add3A_21 : vector<2000x64xf32>
    %sqrt3A = math.sqrt %add3A_22 : vector<2000x64xf32>
    %mul3A_23 = arith.mulf %get3A_20, %sqrt3A : vector<2000x64xf32>
    %add3A_24 = arith.addf %mul3A_23, %mul3A_10 : vector<2000x64xf32>
    %swap3A = arith.constant 0 : index
    %swap3A_25 = arith.constant 0 : index
    %swap3A_26 = vector.load %arg4[%swap3A, %swap3A_25] : memref<2000x64xf32, #tpu.memory_space<vmem>>, vector<2000x64xf32>
    tpu.vector_store %arg4[%swap3A, %swap3A_25], %add3A_24 {strides = array<i32>} : memref<2000x64xf32, #tpu.memory_space<vmem>>, vector<2000x64xf32>,
    return
  }
  func.func @transform_0(%arg0: i32) -> (i32, i32, i32) {
    %c0_i32 = arith.constant 0 : i32
    %c0_i32_0 = arith.constant 0 : i32
    %c0_i32_1 = arith.constant 0 : i32
    return %c0_i32, %arg0, %c0_i32_0 : i32, i32, i32
  }
  func.func @transform_1(%arg0: i32) -> (i32, i32) {
    %c0_i32 = arith.constant 0 : i32
    %c0_i32_0 = arith.constant 0 : i32
    return %arg0, %c0_i32 : i32, i32
  }
  func.func @transform_2(%arg0: i32) -> (i32, i32) {
    %c0_i32 = arith.constant 0 : i32
    %c0_i32_0 = arith.constant 0 : i32
    return %arg0, %c0_i32 : i32, i32
  }
  func.func @transform_3(%arg0: i32) -> (i32, i32) {
    %c0_i32 = arith.constant 0 : i32
    %c0_i32_0 = arith.constant 0 : i32
    return %arg0, %c0_i32 : i32, i32
  }
}

</mosaic_0001>

<sc_bundles>
// kernel: kernel.11.cloned.1.call-start
scs
__scs_entry_jumppad:
0x0: {  	(pc) =	sbr.rel $0x88, $3  }
0x1: {  	(tag) =	ssettag $0x0;
	lr =	simm.s32 $0x1  }
0x2: {  	[smem:$0x3F97] =	sst lr;
	_ =	strace $0xD0000000  }
0x3: {  	_ = 	snop  }
0x4: {  	_ = 	snop  }
0x5: {  	_ = 	snop  }
0x6: {  	_ = 	snop  }
0x7: {  	_ = 	snop  }
__scs_overlays_trampoline_lowered:
0x8: {  	[smem:$0x3FA6] =	sst s0  }
0x9: {  	[smem:$0x3FA7] =	sst s1  }
0xa: {  	[smem:$0x3FA8] =	sst s2  }
0xb: {  	[smem:$0x3FA9] =	sst s3  }
0xc: {  	[smem:$0x3FAA] =	sst s4  }
0xd: {  	[smem:$0x3FAB] =	sst s5  }
0xe: {  	[smem:$0x3FAC] =	sst s6  }
0xf: {  	[smem:$0x3FAD] =	sst s7  }
0x10: {  	[smem:$0x3FAE] =	sst s8  }
0x11: {  	[smem:$0x3FAF] =	sst s9;
	s0 =	simm.s32 @!p0 $0x0  }
0x12: {  	s1 =	sld [smem:$0x3F95];
	s0 =	simm.s32 @p0 $0x1  }
0x13: {  	[smem:$0x3FB0] =	sst s0;
	s0 =	simm.s32 @!p1 $0x0  }
0x14: {  	s2 =	sld [smem:$0x3F94];
	s0 =	simm.s32 @p1 $0x1  }
0x15: {  	[smem:$0x3FB1] =	sst s0;
	s0 =	simm.s32 @!p2 $0x0  }
0x16: {  	s3 =	sld [smem:$0x3FDB];
	s0 =	simm.s32 @p2 $0x1  }
0x17: {  	s4 =	simm.s32 $0x1BF5;
	[smem:$0x3FB3] =	sst s0  }
0x18: {  	s0 =	sld [smem:$0x3F96];
	_ =	swait.ge [sflag:s4], $0x0  }
0x19: {  	s7 =	sld [smem:$0x3F97]  }
0x1a: {  	s8 =	sadd.s32 $0xFFFFE003, lr  }
0x1b: {  	s9 =	sadd.s32 $0xFFFFFEF7, lr;
	s5 =	simm.s32 $0xFFFFFFFF;
	p2 =	slt.u32 s8, $0xFFFFF086  }
0x1c: {  	p1 =	slt.u32 s9, $0xF7A;
	s5 =	simm.s32 @!p2 $0x0  }
0x1d: {  	s5 =	simm.s32 @p1 $0x1;
	p0 =	seq.s32 s7, s2  }
0x1e: {  	s7 =	smul.u32 @!p0 $0xF7A, s2;
	p2 =	seq.s32 @!p0 s5, $0x0  }
0x1f: {  	s9 =	smul.u32 $0xF7A, s1;
	s8 =	simm.s32 @!p0 $0x1BF5;
	p2 =	por !p2, p0  }
0x20: {  	[sflag:s8] =	ssyncset.s32 @!p0 $0xFFFFF086;
	s6 =	sadd.s32 @!p0 s3, s7;
	s7 =	simm.s32 @!p0 $0x108  }
0x21: {  	s3 =	sadd.s32 s3, s9;
	s6 =	sadd.s32 @!p0 $0x88, s6;
	s7 =	simm.s32 @p2 $0x1082  }
0x22: {  	[simem:s7], [sflag:s8] =	dma.local @!p0 [hbm:s6], $0xF7A  }
0x23: {  	s9 =	sor.u32 $0xD0000000, s2;
	s6 =	simm.s32 $0x108;
	_ =	swait.ge @!p0 [sflag:s8], $0x0  }
0x24: {  	s3 =	sadd.s32 $0x88, s3;
	s6 =	simm.s32 @!p1 $0x1082;
	[sflag:s4] =	ssyncset.s32 $0xFFFFF086  }
0x25: {  	[simem:s6], [sflag:s4] =	dma.local [hbm:s3], $0xF7A  }
0x26: {  	[smem:$0x3F97] =	sst s1;
	(tag) =	ssettag s2;
	_ =	strace s9  }
0x27: {  	s1 =	sld [smem:$0x3FA7]  }
0x28: {  	s2 =	sld [smem:$0x3FA8]  }
0x29: {  	s4 =	sld [smem:$0x3FAA]  }
0x2a: {  	p0 =	seq.s32 s5, $0x0;
	s5 =	sld [smem:$0x3FAB]  }
0x2b: {  	s6 =	sld [smem:$0x3FAC]  }
0x2c: {  	s7 =	sld [smem:$0x3FAD]  }
0x2d: {  	s3 =	simm.s32 $0x108;
	s8 =	sld [smem:$0x3FAE]  }
0x2e: {  	s3 =	simm.s32 @!p0 $0x1082;
	s9 =	sld [smem:$0x3FAF]  }
0x2f: {  	lr =	sadd.s32 s0, s3;
	s0 =	sld [smem:$0x3FA6]  }
0x30: {  	s3 =	sld [smem:$0x3FA9]  }
0x31: {  	[smem:$0x3FB2] =	sst s10  }
0x32: {  	s10 =	sld [smem:$0x3FB0];
	_ =	sdelay $0x3  }
0x33: {  	p0 =	seq.s32 s10, $0x1;
	s10 =	sld [smem:$0x3FB2];
	_ =	sdelay $0x3  }
0x34: {  	[smem:$0x3FB2] =	sst s10  }
0x35: {  	s10 =	sld [smem:$0x3FB1];
	_ =	sdelay $0x3  }
0x36: {  	p1 =	seq.s32 s10, $0x1;
	s10 =	sld [smem:$0x3FB2];
	_ =	sdelay $0x3  }
0x37: {  	[smem:$0x3FB2] =	sst s10  }
0x38: {  	s10 =	sld [smem:$0x3FB3]  }
0x39: {  	_ = 	snop;
	(pc) =	sbr.ind lr, $3  }
0x3a: {  	_ = 	snop  }
0x3b: {  	_ = 	snop  }
0x3c: {  	p2 =	seq.s32 s10, $0x1;
	s10 =	sld [smem:$0x3FB2]  }
0x3d: {  	_ =	shalt  }
0x3e: {  	_ =	shalt  }
0x3f: {  	_ =	shalt  }
0x40: {  	_ =	shalt  }
0x41: {  	_ =	shalt  }
0x42: {  	_ =	shalt  }
0x43: {  	_ =	shalt  }
0x44: {  	_ =	shalt  }
0x45: {  	_ =	shalt  }
0x46: {  	_ =	shalt  }
0x47: {  	_ =	shalt  }
0x48: {  	_ =	shalt  }
0x49: {  	_ =	shalt  }
0x4a: {  	_ =	shalt  }
0x4b: {  	_ =	shalt  }
0x4c: {  	_ =	shalt  }
0x4d: {  	_ =	shalt  }
0x4e: {  	_ =	shalt  }
0x4f: {  	_ =	shalt  }
0x50: {  	_ =	shalt  }
0x51: {  	_ =	shalt  }
0x52: {  	_ =	shalt  }
0x53: {  	_ =	shalt  }
0x54: {  	_ =	shalt  }
0x55: {  	_ =	shalt  }
0x56: {  	_ =	shalt  }
0x57: {  	_ =	shalt  }
0x58: {  	_ =	shalt  }
0x59: {  	_ =	shalt  }
0x5a: {  	_ =	shalt  }
0x5b: {  	_ =	shalt  }
0x5c: {  	_ =	shalt  }
0x5d: {  	_ =	shalt  }
0x5e: {  	_ =	shalt  }
0x5f: {  	_ =	shalt  }
0x60: {  	_ =	shalt  }
0x61: {  	_ =	shalt  }
0x62: {  	_ =	shalt  }
0x63: {  	_ =	shalt  }
0x64: {  	_ =	shalt  }
0x65: {  	_ =	shalt  }
0x66: {  	_ =	shalt  }
0x67: {  	_ =	shalt  }
0x68: {  	_ =	shalt  }
0x69: {  	_ =	shalt  }
0x6a: {  	_ =	shalt  }
0x6b: {  	_ =	shalt  }
0x6c: {  	_ =	shalt  }
0x6d: {  	_ =	shalt  }
0x6e: {  	_ =	shalt  }
0x6f: {  	_ =	shalt  }
0x70: {  	_ =	shalt  }
0x71: {  	_ =	shalt  }
0x72: {  	_ =	shalt  }
0x73: {  	_ =	shalt  }
0x74: {  	_ =	shalt  }
0x75: {  	_ =	shalt  }
0x76: {  	_ =	shalt  }
0x77: {  	_ =	shalt  }
0x78: {  	_ =	shalt  }
0x79: {  	_ =	shalt  }
0x7a: {  	_ =	shalt  }
0x7b: {  	_ =	shalt  }
0x7c: {  	_ =	shalt  }
0x7d: {  	_ =	shalt  }
0x7e: {  	_ =	shalt  }
0x7f: {  	_ =	shalt  }
0x80: {  	_ =	shalt  }
0x81: {  	_ =	shalt  }
0x82: {  	_ =	shalt  }
0x83: {  	_ =	shalt  }
0x84: {  	_ =	shalt  }
0x85: {  	_ =	shalt  }
0x86: {  	_ =	shalt  }
0x87: {  	_ =	shalt  }
.Lfunc_end0:
.L_simem_size_0:
called_computation.1_lowered:
.L_overlay_start_0:
0x88: {  	s2 =	sld [smem:$0x3FD9]  }
0x89: {  	s3 =	sld [smem:$0x3FFE];
	_ =	sdelay $0x1  }
0x8a: {  	s1 =	srdreg.scid  }
0x8b: {  	s0 =	sand.u32 $0x1, s1  }
0x8c: {  	s16 =	sshll.u32 s0, $0xA;
	s2 =	sadd.s32 s3, s2  }
0x8d: {  	s2 =	sadd.s32 s2, s16  }
0x8e: {  	[smem:$0x3FBE] =	sst s2  }
0x8f: {  	_ = 	snop  }
0x90: {  	(tm) =	ssettm $0x1  }
0x91: {  	s17 =	sld [smem:$0x3FFB];
	_ =	sdelay $0x3  }
0x92: {  	_ =	strace s17  }
0x93: {  	s2 =	sld [smem:$0x3FFC];
	_ =	sdelay $0x3  }
0x94: {  	_ =	strace s2  }
0x95: {  	s2 =	sld [smem:$0x3FFD];
	_ =	sdelay $0x3  }
0x96: {  	_ =	strace s2  }
0x97: {  	_ =	strace $0x8FFFFFFF  }
0x98: {  	s18 =	sld [smem:$0x3FDB];
	_ =	sdelay $0x1  }
0x99: {  	s19 =	simm.s32 $_scs_section_size  }
0x9a: {  	s4 =	simm.s32 $_size__tile_overlayer_lowered;
	s5 =	simm.s32 $_tile_overlayer_lowered  }
0x9b: {  	s22 =	simm.s32 $0x1BFF;
	s21 =	sshll.u32 s5, $0x1;
	s2 =	sadd.s32 s19, s18  }
0x9c: {  	s6 =	simm.s32 $0x0;
	s20 =	sshll.u32 s4, $0x1;
	s4 =	sadd.s32 s21, s2  }
0x9d: {  	[timem:s6], [sflag:s22] =	dma.local [hbm:s4], s20  }
0x9e: {  	_ =	swait.ge [sflag:s22], s20  }
0x9f: {  	s3 =	ssub.s32 $0x0, s20;
	[sflag:s22] =	ssyncset.done $0x0  }
0xa0: {  	[sflag:s22] =	ssyncadd.s32 s3;
	_ =	sdelay $0x1  }
0xa1: {  	s23 =	simm.s32 $0x1B8B  }
0xa2: {  	_ =	swait.ge [sflag:s23], $0x1  }
0xa3: {  	[sflag:s23] =	ssyncset.done $0x0  }
0xa4: {  	s25 =	simm.s32 $0x1B8E;
	s24 =	sld [smem:$0x3FFE];
	[sflag:s23] =	ssyncadd.s32 $0xFFFFFFFF  }
0xa5: {  	s26 =	simm.s32 $execute0_lowered;
	[smem:$0x3FD2] =	sst s25  }
0xa6: {  	s4 =	sshll.u32 s26, $0x1;
	_ =	strace $0x80000049;
	[dreg:$0x1] =	wrdreg $0xFFFFFFFF  }
0xa7: {  	s28 =	simm.s32 $_size_execute0_lowered;
	s2 =	sadd.s32 s2, s4;
	[dreg:$0x0] =	wrdreg $0x0  }
0xa8: {  	s4 =	sshll.u32 s28, $0x1;
	[dreg:$0x2] =	wrdreg s2  }
0xa9: {  	[dreg:$0x3] =	wrdreg s4  }
0xaa: {  	[dreg:$0x4] =	wrdreg $0xC0  }
0xab: {  	_ =	task [dreg:s6], $0x5FFFF  }
0xac: {  	[dreg:$0x1] =	wrdreg $0xFFFFFFFF  }
0xad: {  	[dreg:$0x0] =	wrdreg $0x60  }
0xae: {  	[dreg:$0x2] =	wrdreg s24  }
0xaf: {  	[dreg:$0x3] =	wrdreg $0x11A800  }
0xb0: {  	[dreg:$0x4] =	wrdreg $0x9  }
0xb1: {  	_ =	task.clear_ibuf [dreg:s6], $0x5FFFF;
	_ =	strace $0x90000049  }
0xb2: {  	s29 =	simm.s32 $0x9;
	_ =	strace $0x8000004B  }
0xb3: {  	_ =	swait.ge [sflag:s29], $0x1  }
0xb4: {  	[sflag:s29] =	ssyncadd.s32 $0xFFFFFFFF  }
0xb5: {  	_ =	strace $0x9000004B  }
0xb6: {  	_ =	sfence  }
0xb7: {  	s30 =	sld [smem:$0x0];
	_ =	sdelay $0x2  }
0xb8: {  	s31 =	sshll.u32 s1, $0xD;
	s1 =	sshrl.u32 s1, $0x2  }
0xb9: {  	s3 =	sand.u32 $0x4000, s31;
	s1 =	sadd.s32 s1, s30  }
0xba: {  	s0 =	sor.u32 s3, s0;
	s1 =	sshll.u32 s1, $0x11  }
0xbb: {  	s0 =	sor.u32 s1, s0  }
0xbc: {  	s0 =	sadd.s32 $0x8F2B, s0  }
0xbd: {  	[sflag:s0] =	ssyncadd.remote.s32 $0x1  }
0xbe: {  	_ =	sfence.sel $0xFFFF  }
0xbf: {  	[dreg:$0x0] =	wrdreg $0xFFFFFFFF;
	(pc) =	sbr.abs _section_cstart, $3  }
0xc0: {  	[dreg:$0x1] =	wrdreg $0xFFFFFFFF  }
0xc1: {  	_ =	task.clear_ibuf [dreg:s6], $0x2FFFF;
	_ =	strace $0x9FFFFFFF  }
0xc2: {  	(tm) =	ssettm $0x7FFFFFFF  }
0xc3: {  	_ =	shalt  }
tec
execute0_lowered:
.L_overlay_start_1:
0x0: {  	(tag) =	ssettag $0x1  }
0x1: {  	s0 =	rddreg [dreg:$0x0];
	s7 =	stileid.u32  }
0x2: {  	s1 =	srdreg.scid;
	s2 =	rddreg [dreg:$0x1];
	s3 =	simm.s32 $0x0  }
0x3: {  	s17 =	simm.s32 $0x9D80;
	s18 =	simm.s32 $0x9;
	s20 =	simm.s32 $0x1F4  }
0x4: {  	s22 =	simm.s32 $0xBCC0;
	s28 =	simm.s32 $0xFB40;
	s29 =	simm.s32 $0x1  }
0x5: {  	s30 =	simm.s32 $0x2;
	s31 =	simm.s32 $0x3;
	s4 =	smul.u32 $0x9D8, s7  }
0x6: {  	s19 =	simm.s32 $0x6;
	s21 =	simm.s32 $0x7;
	s8 =	smul.u32 $0x2800, s7  }
0x7: {  	s1 =	sand.u32 $0x1, s1;
	[smem:$0x7FF] =	sst s3;
	s9 =	smul.u32 $0xA000, s7  }
0x8: {  	s5 =	smul.u32 $0x28000, s1;
	_ =	strace $0x8000004A;
	s1 =	ssub.s32 $0x2, s1  }
0x9: {  	s4 =	sadd.s32 s4, s0;
	s23 =	sshrl.u32 s1, $0x1;
	s25 =	sshrl.u32 s9, $0x2  }
0xa: {  	s26 =	sadd.s32 s8, s2;
	s6 =	sshrl.u32 s5, $0x3;
	s5 =	sadd.s32 s8, s5  }
0xb: {  	s1 =	ssub.s32 s1, s23;
	s24 =	sadd.s32 $0xCA00, s4;
	s4 =	sadd.s32 $0x2C00, s4  }
0xc: {  	s9 =	sadd.s32 s25, s2;
	s25 =	sshrl.u32 s26, $0x3;
	s23 =	simm.s32 $0x8  }
0xd: {  	s6 =	sadd.s32 s6, s0;
	s5 =	sshrl.u32 s5, $0x3;
	[dreg:$0x3] =	wrdreg s24  }
0xe: {  	[dreg:$0x4] =	wrdreg s4;
	s8 =	smax.u32 s1, $0x1;
	s10 =	sadd.s32 $0x500, s9  }
0xf: {  	s11 =	sadd.s32 $0xA00, s9;
	s12 =	sadd.s32 $0xF00, s9;
	s13 =	sadd.s32 $0x1400, s9  }
0x10: {  	s14 =	sadd.s32 $0x1900, s9;
	s15 =	sadd.s32 $0x1E00, s9;
	s16 =	sadd.s32 $0x2300, s9  }
0x11: {  	s24 =	simm.s32 $0xDC00;
	s1 =	simm.s32 $0x4;
	s0 =	sadd.s32 s5, s0  }
0x12: {  	v0 =	vimm.f32 $0.0e+00;
	s6 =	sadd.s32 $0x16800, s6;
	s7 =	sadd.s32 $0x20800, s0;
	s0 =	simm.s32 $0x5  }
.LBB2_1:
0x13: {  	s4 =	simm.s32 $0x40;
	s26 =	simm.s32 $0x0  }
.LBB2_2:
0x14: {  	p0 =	sne.s32 s4, $0x13C0;
	[tilespmem:s26+$0x9D80] =	vst v0;
	s26 =	smov.u32 s4;
	s4 =	sadd.s32 $0x40, s4  }
.Ltmp0:
0x15: {  	(pc) =	sbr.rel @p0 .LBB2_2-.Ltmp0, $2  }
0x16: {  	_ =	sdelay $0x2  }
0x17: {  	s26 =	sshra.s32 s26, $0x2  }
0x18: {  	[tilespmem:s26+$0x9D80] =	vst v0  }
0x19: {  	[spmem:s9] =	stream.linear.scatter [tilespmem:s17], [sflag:$0x9], $0x500, $0x38;
	[tilespmem:$0x14280] =	vst v63  }
0x1a: {  	_ =	swait.ge [sflag:s18], $0x500  }
0x1b: {  	[sflag:s18] =	ssyncset.done $0x0  }
0x1c: {  	[sflag:s18] =	ssyncadd.s32 $0xFFFFFB00  }
0x1d: {  	[spmem:s10] =	stream.linear.scatter [tilespmem:s17], [sflag:$0x9], $0x500, $0x38;
	[tilespmem:$0x14280] =	vst v63  }
0x1e: {  	_ =	swait.ge [sflag:s18], $0x500  }
0x1f: {  	[sflag:s18] =	ssyncset.done $0x0  }
0x20: {  	[sflag:s18] =	ssyncadd.s32 $0xFFFFFB00  }
0x21: {  	[spmem:s11] =	stream.linear.scatter [tilespmem:s17], [sflag:$0x9], $0x500, $0x38;
	[tilespmem:$0x14280] =	vst v63  }
0x22: {  	_ =	swait.ge [sflag:s18], $0x500  }
0x23: {  	[sflag:s18] =	ssyncset.done $0x0  }
0x24: {  	[sflag:s18] =	ssyncadd.s32 $0xFFFFFB00  }
0x25: {  	[spmem:s12] =	stream.linear.scatter [tilespmem:s17], [sflag:$0x9], $0x500, $0x38;
	[tilespmem:$0x14280] =	vst v63  }
0x26: {  	_ =	swait.ge [sflag:s18], $0x500  }
0x27: {  	[sflag:s18] =	ssyncset.done $0x0  }
0x28: {  	[sflag:s18] =	ssyncadd.s32 $0xFFFFFB00  }
0x29: {  	[spmem:s13] =	stream.linear.scatter [tilespmem:s17], [sflag:$0x9], $0x500, $0x38;
	[tilespmem:$0x14280] =	vst v63  }
0x2a: {  	_ =	swait.ge [sflag:s18], $0x500  }
0x2b: {  	[sflag:s18] =	ssyncset.done $0x0  }
0x2c: {  	[sflag:s18] =	ssyncadd.s32 $0xFFFFFB00  }
0x2d: {  	[spmem:s14] =	stream.linear.scatter [tilespmem:s17], [sflag:$0x9], $0x500, $0x38;
	[tilespmem:$0x14280] =	vst v63  }
0x2e: {  	_ =	swait.ge [sflag:s18], $0x500  }
0x2f: {  	[sflag:s18] =	ssyncset.done $0x0  }
0x30: {  	[sflag:s18] =	ssyncadd.s32 $0xFFFFFB00  }
0x31: {  	[spmem:s15] =	stream.linear.scatter [tilespmem:s17], [sflag:$0x9], $0x500, $0x38;
	[tilespmem:$0x14280] =	vst v63  }
0x32: {  	_ =	swait.ge [sflag:s18], $0x500  }
0x33: {  	[sflag:s18] =	ssyncset.done $0x0  }
0x34: {  	[sflag:s18] =	ssyncadd.s32 $0xFFFFFB00  }
0x35: {  	[spmem:s16] =	stream.linear.scatter [tilespmem:s17], [sflag:$0x9], $0x500, $0x38;
	[tilespmem:$0x14280] =	vst v63  }
0x36: {  	_ =	swait.ge [sflag:s18], $0x500  }
0x37: {  	[sflag:s18] =	ssyncset.done $0x0  }
0x38: {  	s4 =	simm.s32 $0x0;
	s5 =	rddreg [dreg:$0x3];
	[sflag:s18] =	ssyncadd.s32 $0xFFFFFB00  }
0x39: {  	[tilespmem:s4], [sflag:$0x9] =	stream.linear.gather [hbm4b:s5+s4], $0x4EC0, $0x38;
	[tilespmem:$0x14280] =	vst v63  }
0x3a: {  	_ =	swait.ge [sflag:s18], $0x4EC0  }
0x3b: {  	[sflag:s18] =	ssyncset.done $0x0  }
0x3c: {  	s26 =	simm.s32 $0x4EC0;
	s5 =	rddreg [dreg:$0x4];
	[sflag:s18] =	ssyncadd.s32 $0xFFFFB140  }
0x3d: {  	[tilespmem:s26], [sflag:$0x9] =	stream.linear.gather [hbm4b:s5+s4], $0x4EC0, $0x38;
	[tilespmem:$0x14280] =	vst v63  }
0x3e: {  	_ =	swait.ge [sflag:s18], $0x4EC0  }
0x3f: {  	[sflag:s18] =	ssyncset.done $0x0  }
0x40: {  	[sflag:s18] =	ssyncadd.s32 $0xFFFFB140  }
0x41: {  	[bflag:$0x0] =	sbarrier.arrive $0xFFFF  }
0x42: {  	[tilespmem:s17], [sflag:$0x1] =	stream.indirect.gather [hbm4b:s6+s20], $0x10, s4, s20, $0xb8;
	[tilespmem:$0x14280] =	vst v63  }
0x43: {  	s5 =	simm.s32 $0x1F8  }
0x44: {  	[tilespmem:s22], [sflag:$0x2] =	stream.indirect.gather [hbm4b:s6+s20], $0x10, s5, s20, $0xb8;
	[tilespmem:$0x14280] =	vst v63  }
0x45: {  	s26 =	simm.s32 $0x3F0  }
0x46: {  	[tilespmem:s24], [sflag:$0x3] =	stream.indirect.gather [hbm4b:s6+s20], $0x10, s26, s20, $0xb8;
	[tilespmem:$0x14280] =	vst v63  }
0x47: {  	s5 =	simm.s32 $0x5E8  }
0x48: {  	[tilespmem:s28], [sflag:$0x4] =	stream.indirect.gather [hbm4b:s6+s20], $0x10, s5, s20, $0xb8;
	[tilespmem:$0x14280] =	vst v63  }
0x49: {  	_ =	swait.ge [sflag:s29], $0x1F40  }
0x4a: {  	[sflag:s29] =	ssyncset.done $0x0  }
0x4b: {  	s26 =	simm.s32 $0x4EC0;
	[sflag:s29] =	ssyncadd.s32 $0xFFFFE0C0  }
0x4c: {  	[spmem:s2] =	stream.indirect.scatter.add.f32 [tilespmem:s17], [sflag:$0x5], $0x10, s26, s20, $0xb8;
	[tilespmem:$0x14280] =	vst v63  }
0x4d: {  	_ =	swait.ge [sflag:s30], $0x1F40  }
0x4e: {  	[sflag:s30] =	ssyncset.done $0x0  }
0x4f: {  	s5 =	simm.s32 $0x50B8;
	[sflag:s30] =	ssyncadd.s32 $0xFFFFE0C0  }
0x50: {  	[spmem:s2] =	stream.indirect.scatter.add.f32 [tilespmem:s22], [sflag:$0x6], $0x10, s5, s20, $0xb8;
	[tilespmem:$0x14280] =	vst v63  }
0x51: {  	_ =	swait.ge [sflag:s31], $0x1F40  }
0x52: {  	[sflag:s31] =	ssyncset.done $0x0  }
0x53: {  	s26 =	simm.s32 $0x52B0;
	[sflag:s31] =	ssyncadd.s32 $0xFFFFE0C0  }
0x54: {  	[spmem:s2] =	stream.indirect.scatter.add.f32 [tilespmem:s24], [sflag:$0x7], $0x10, s26, s20, $0xb8;
	[tilespmem:$0x14280] =	vst v63  }
0x55: {  	_ =	swait.ge [sflag:s1], $0x1F40  }
0x56: {  	[sflag:s1] =	ssyncset.done $0x0  }
0x57: {  	s5 =	simm.s32 $0x54A8;
	[sflag:s1] =	ssyncadd.s32 $0xFFFFE0C0  }
0x58: {  	[spmem:s2] =	stream.indirect.scatter.add.f32 [tilespmem:s28], [sflag:$0x8], $0x10, s5, s20, $0xb8;
	[tilespmem:$0x14280] =	vst v63  }
0x59: {  	_ =	swait.ge [sflag:s0], $0x1F40  }
0x5a: {  	[sflag:s0] =	ssyncset.done $0x0  }
0x5b: {  	s26 =	simm.s32 $0x7E0;
	[sflag:s0] =	ssyncadd.s32 $0xFFFFE0C0  }
0x5c: {  	[tilespmem:s17], [sflag:$0x1] =	stream.indirect.gather [hbm4b:s6+s20], $0x10, s26, s20, $0xb8;
	[tilespmem:$0x14280] =	vst v63  }
0x5d: {  	_ =	swait.ge [sflag:s19], $0x1F40  }
0x5e: {  	[sflag:s19] =	ssyncset.done $0x0  }
0x5f: {  	s5 =	simm.s32 $0x9D8;
	[sflag:s19] =	ssyncadd.s32 $0xFFFFE0C0  }
0x60: {  	[tilespmem:s22], [sflag:$0x2] =	stream.indirect.gather [hbm4b:s6+s20], $0x10, s5, s20, $0xb8;
	[tilespmem:$0x14280] =	vst v63  }
0x61: {  	_ =	swait.ge [sflag:s21], $0x1F40  }
0x62: {  	[sflag:s21] =	ssyncset.done $0x0  }
0x63: {  	s26 =	simm.s32 $0xBD0;
	[sflag:s21] =	ssyncadd.s32 $0xFFFFE0C0  }
0x64: {  	[tilespmem:s24], [sflag:$0x3] =	stream.indirect.gather [hbm4b:s6+s20], $0x10, s26, s20, $0xb8;
	[tilespmem:$0x14280] =	vst v63  }
0x65: {  	_ =	swait.ge [sflag:s23], $0x1F40  }
0x66: {  	[sflag:s23] =	ssyncset.done $0x0  }
0x67: {  	s4 =	simm.s32 $0xDC8;
	s26 =	simm.s32 $0x1F80;
	[sflag:s23] =	ssyncadd.s32 $0xFFFFE0C0  }
.LBB2_4:
0x68: {  	[tilespmem:s28], [sflag:$0x4] =	stream.indirect.gather [hbm4b:s6+s20], $0x10, s4, s20, $0xb8;
	[tilespmem:$0x14280] =	vst v63  }
0x69: {  	s4 =	smov.u32 s26  }
0x6a: {  	p0 =	sne.s32 s26, $0xFC00;
	s26 =	sadd.s32 $0x1F80, s26;
	_ =	swait.ge [sflag:s29], $0x1F40  }
0x6b: {  	s4 =	sshra.s32 s4, $0x2;
	[sflag:s29] =	ssyncset.done $0x0  }
0x6c: {  	s5 =	sadd.s32 $0x4EC0, s4;
	[sflag:s29] =	ssyncadd.s32 $0xFFFFE0C0  }
0x6d: {  	[spmem:s2] =	stream.indirect.scatter.add.f32 [tilespmem:s17], [sflag:$0x5], $0x10, s5, s20, $0xb8;
	[tilespmem:$0x14280] =	vst v63  }
0x6e: {  	_ =	swait.ge [sflag:s30], $0x1F40  }
0x6f: {  	[sflag:s30] =	ssyncset.done $0x0  }
0x70: {  	s5 =	sadd.s32 $0x50B8, s4;
	[sflag:s30] =	ssyncadd.s32 $0xFFFFE0C0  }
0x71: {  	[spmem:s2] =	stream.indirect.scatter.add.f32 [tilespmem:s22], [sflag:$0x6], $0x10, s5, s20, $0xb8;
	[tilespmem:$0x14280] =	vst v63  }
0x72: {  	_ =	swait.ge [sflag:s31], $0x1F40  }
0x73: {  	[sflag:s31] =	ssyncset.done $0x0  }
0x74: {  	s5 =	sadd.s32 $0x52B0, s4;
	[sflag:s31] =	ssyncadd.s32 $0xFFFFE0C0  }
0x75: {  	[spmem:s2] =	stream.indirect.scatter.add.f32 [tilespmem:s24], [sflag:$0x7], $0x10, s5, s20, $0xb8;
	[tilespmem:$0x14280] =	vst v63  }
0x76: {  	_ =	swait.ge [sflag:s1], $0x1F40  }
0x77: {  	[sflag:s1] =	ssyncset.done $0x0  }
0x78: {  	s5 =	sadd.s32 $0x54A8, s4;
	[sflag:s1] =	ssyncadd.s32 $0xFFFFE0C0  }
0x79: {  	[spmem:s2] =	stream.indirect.scatter.add.f32 [tilespmem:s28], [sflag:$0x8], $0x10, s5, s20, $0xb8;
	[tilespmem:$0x14280] =	vst v63  }
0x7a: {  	_ =	swait.ge [sflag:s0], $0x1F40  }
0x7b: {  	[sflag:s0] =	ssyncset.done $0x0  }
0x7c: {  	s5 =	sadd.s32 $0x7E0, s4;
	[sflag:s0] =	ssyncadd.s32 $0xFFFFE0C0  }
0x7d: {  	[tilespmem:s17], [sflag:$0x1] =	stream.indirect.gather [hbm4b:s6+s20], $0x10, s5, s20, $0xb8;
	[tilespmem:$0x14280] =	vst v63  }
0x7e: {  	_ =	swait.ge [sflag:s19], $0x1F40  }
0x7f: {  	[sflag:s19] =	ssyncset.done $0x0  }
0x80: {  	s5 =	sadd.s32 $0x9D8, s4;
	[sflag:s19] =	ssyncadd.s32 $0xFFFFE0C0  }
0x81: {  	[tilespmem:s22], [sflag:$0x2] =	stream.indirect.gather [hbm4b:s6+s20], $0x10, s5, s20, $0xb8;
	[tilespmem:$0x14280] =	vst v63  }
0x82: {  	_ =	swait.ge [sflag:s21], $0x1F40  }
0x83: {  	[sflag:s21] =	ssyncset.done $0x0  }
.Ltmp1:
0x84: {  	s5 =	sadd.s32 $0xBD0, s4;
	[sflag:s21] =	ssyncadd.s32 $0xFFFFE0C0;
	(pc) =	sbr.rel @p0 .LBB2_4-.Ltmp1, $4  }
0x85: {  	[tilespmem:s24], [sflag:$0x3] =	stream.indirect.gather [hbm4b:s6+s20], $0x10, s5, s20, $0xb8;
	[tilespmem:$0x14280] =	vst v63  }
0x86: {  	_ =	swait.ge [sflag:s23], $0x1F40  }
0x87: {  	[sflag:s23] =	ssyncset.done $0x0  }
0x88: {  	s4 =	sadd.s32 $0xDC8, s4;
	[sflag:s23] =	ssyncadd.s32 $0xFFFFE0C0  }
0x89: {  	[tilespmem:s28], [sflag:$0x4] =	stream.indirect.gather [hbm4b:s6+s20], $0x10, s4, s20, $0xb8;
	[tilespmem:$0x14280] =	vst v63  }
0x8a: {  	_ =	swait.ge [sflag:s29], $0x1F40  }
0x8b: {  	[sflag:s29] =	ssyncset.done $0x0  }
0x8c: {  	s26 =	simm.s32 $0x95A0;
	[sflag:s29] =	ssyncadd.s32 $0xFFFFE0C0  }
0x8d: {  	[spmem:s2] =	stream.indirect.scatter.add.f32 [tilespmem:s17], [sflag:$0x5], $0x10, s26, s20, $0xb8;
	[tilespmem:$0x14280] =	vst v63  }
0x8e: {  	_ =	swait.ge [sflag:s30], $0x1F40  }
0x8f: {  	[sflag:s30] =	ssyncset.done $0x0  }
0x90: {  	s5 =	simm.s32 $0x9798;
	[sflag:s30] =	ssyncadd.s32 $0xFFFFE0C0  }
0x91: {  	[spmem:s2] =	stream.indirect.scatter.add.f32 [tilespmem:s22], [sflag:$0x6], $0x10, s5, s20, $0xb8;
	[tilespmem:$0x14280] =	vst v63  }
0x92: {  	_ =	swait.ge [sflag:s31], $0x1F40  }
0x93: {  	[sflag:s31] =	ssyncset.done $0x0  }
0x94: {  	s26 =	simm.s32 $0x9990;
	[sflag:s31] =	ssyncadd.s32 $0xFFFFE0C0  }
0x95: {  	[spmem:s2] =	stream.indirect.scatter.add.f32 [tilespmem:s24], [sflag:$0x7], $0x10, s26, s20, $0xb8;
	[tilespmem:$0x14280] =	vst v63  }
0x96: {  	_ =	swait.ge [sflag:s1], $0x1F40  }
0x97: {  	[sflag:s1] =	ssyncset.done $0x0  }
0x98: {  	s5 =	simm.s32 $0x9B88;
	[sflag:s1] =	ssyncadd.s32 $0xFFFFE0C0  }
0x99: {  	[spmem:s2] =	stream.indirect.scatter.add.f32 [tilespmem:s28], [sflag:$0x8], $0x10, s5, s20, $0xb8;
	[tilespmem:$0x14280] =	vst v63  }
0x9a: {  	_ =	swait.ge [sflag:s0], $0x1F40  }
0x9b: {  	[sflag:s0] =	ssyncset.done $0x0  }
0x9c: {  	[sflag:s0] =	ssyncadd.s32 $0xFFFFE0C0  }
0x9d: {  	_ =	swait.ge [sflag:s19], $0x1F40  }
0x9e: {  	[sflag:s19] =	ssyncset.done $0x0  }
0x9f: {  	[sflag:s19] =	ssyncadd.s32 $0xFFFFE0C0  }
0xa0: {  	_ =	swait.ge [sflag:s21], $0x1F40  }
0xa1: {  	[sflag:s21] =	ssyncset.done $0x0  }
0xa2: {  	[sflag:s21] =	ssyncadd.s32 $0xFFFFE0C0  }
0xa3: {  	_ =	swait.ge [sflag:s23], $0x1F40  }
0xa4: {  	s3 =	sadd.s32 $0x1, s3;
	s26 =	stileid.u32;
	[sflag:s23] =	ssyncset.done $0x0  }
0xa5: {  	p0 =	sne.s32 s3, s8;
	s4 =	sshll.u32 s26, $0x6;
	[sflag:s23] =	ssyncadd.s32 $0xFFFFE0C0  }
.Ltmp2:
0xa6: {  	s4 =	sor.u32 $0x1C09, s4;
	[bflag:$0x0] =	sbarrier.arrive $0xFFFF;
	(pc) =	sbr.rel @p0 .LBB2_1-.Ltmp2, $4  }
0xa7: {  	[hbm:s7], [sflag:s4] =	dma.local [spmem:s25], $0x500  }
0xa8: {  	_ =	swait.ge [sflag:s18], $0x500  }
0xa9: {  	[sflag:s18] =	ssyncset.done $0x0  }
0xaa: {  	[sflag:s18] =	ssyncadd.s32 $0xFFFFFB00  }
0xab: {  	_ =	sfence.sel $0x180000  }
0xac: {  	[bflag:$0x0] =	sbarrier.arrive $0xFFFF  }
0xad: {  	_ =	strace $0x9000004A  }
0xae: {  	s0 =	stileid.u32;
	[bflag:$0x2] =	sbarrier.arrive $0xFFFF  }
0xaf: {  	p0 =	sne.s32 s0, $0x0;
	s0 =	rddreg [dreg:$0x2]  }
0xb0: {  	s0 =	sadd.s32 @!p0 $0x100000, s0  }
0xb1: {  	[sflag:s0] =	ssyncadd.tile.s32 @!p0 $0x1;
	_ =	shalt  }
.Lfunc_end2:
_tile_overlayer_lowered:
.L_overlay_start_2:
0xb2: {  	(tag) =	ssettag $0x2  }
0xb3: {  	s0 =	rddreg [dreg:$0x0];
	s2 =	stileid.u32  }
0xb4: {  	s1 =	rddreg [dreg:$0x1];
	p0 =	sne.s32 s2, $0x0  }
0xb5: {  	s3 =	rddreg [dreg:$0x2];
	[bflag:$0x3] =	sbarrier.arrive $0xFFFF;
	s2 =	simm.s32 @!p0 $0x1C09  }
0xb6: {  	[timem:s3], [sflag:s2] =	dma.local @!p0 [hbm:s0], s1  }
0xb7: {  	s0 =	simm.s32 @!p0 $0x9  }
0xb8: {  	_ =	swait.ge @!p0 [sflag:s0], s1  }
0xb9: {  	s1 =	ssub.s32 @!p0 $0x0, s1;
	[sflag:s0] =	ssyncset.done @!p0 $0x0  }
0xba: {  	[sflag:s0] =	ssyncadd.s32 @!p0 s1  }
0xbb: {  	[bflag:$0x3] =	sbarrier.arrive $0xFFFF  }
0xbc: {  	_ =	shalt  }

// kernel: kernel.14.cloned.1.call-start
scs
__scs_entry_jumppad:
0x0: {  	(pc) =	sbr.rel $0x88, $3  }
0x1: {  	(tag) =	ssettag $0x0;
	lr =	simm.s32 $0x1  }
0x2: {  	[smem:$0x3F97] =	sst lr;
	_ =	strace $0xD0000000  }
0x3: {  	_ = 	snop  }
0x4: {  	_ = 	snop  }
0x5: {  	_ = 	snop  }
0x6: {  	_ = 	snop  }
0x7: {  	_ = 	snop  }
__scs_overlays_trampoline_lowered:
0x8: {  	[smem:$0x3FA6] =	sst s0  }
0x9: {  	[smem:$0x3FA7] =	sst s1  }
0xa: {  	[smem:$0x3FA8] =	sst s2  }
0xb: {  	[smem:$0x3FA9] =	sst s3  }
0xc: {  	[smem:$0x3FAA] =	sst s4  }
0xd: {  	[smem:$0x3FAB] =	sst s5  }
0xe: {  	[smem:$0x3FAC] =	sst s6  }
0xf: {  	[smem:$0x3FAD] =	sst s7  }
0x10: {  	[smem:$0x3FAE] =	sst s8  }
0x11: {  	[smem:$0x3FAF] =	sst s9;
	s0 =	simm.s32 @!p0 $0x0  }
0x12: {  	s1 =	sld [smem:$0x3F95];
	s0 =	simm.s32 @p0 $0x1  }
0x13: {  	[smem:$0x3FB0] =	sst s0;
	s0 =	simm.s32 @!p1 $0x0  }
0x14: {  	s2 =	sld [smem:$0x3F94];
	s0 =	simm.s32 @p1 $0x1  }
0x15: {  	[smem:$0x3FB1] =	sst s0;
	s0 =	simm.s32 @!p2 $0x0  }
0x16: {  	s3 =	sld [smem:$0x3FDB];
	s0 =	simm.s32 @p2 $0x1  }
0x17: {  	s4 =	simm.s32 $0x1BF5;
	[smem:$0x3FB3] =	sst s0  }
0x18: {  	s0 =	sld [smem:$0x3F96];
	_ =	swait.ge [sflag:s4], $0x0  }
0x19: {  	s7 =	sld [smem:$0x3F97]  }
0x1a: {  	s8 =	sadd.s32 $0xFFFFE003, lr  }
0x1b: {  	s9 =	sadd.s32 $0xFFFFFEF7, lr;
	s5 =	simm.s32 $0xFFFFFFFF;
	p2 =	slt.u32 s8, $0xFFFFF086  }
0x1c: {  	p1 =	slt.u32 s9, $0xF7A;
	s5 =	simm.s32 @!p2 $0x0  }
0x1d: {  	s5 =	simm.s32 @p1 $0x1;
	p0 =	seq.s32 s7, s2  }
0x1e: {  	s7 =	smul.u32 @!p0 $0xF7A, s2;
	p2 =	seq.s32 @!p0 s5, $0x0  }
0x1f: {  	s9 =	smul.u32 $0xF7A, s1;
	s8 =	simm.s32 @!p0 $0x1BF5;
	p2 =	por !p2, p0  }
0x20: {  	[sflag:s8] =	ssyncset.s32 @!p0 $0xFFFFF086;
	s6 =	sadd.s32 @!p0 s3, s7;
	s7 =	simm.s32 @!p0 $0x108  }
0x21: {  	s3 =	sadd.s32 s3, s9;
	s6 =	sadd.s32 @!p0 $0x88, s6;
	s7 =	simm.s32 @p2 $0x1082  }
0x22: {  	[simem:s7], [sflag:s8] =	dma.local @!p0 [hbm:s6], $0xF7A  }
0x23: {  	s9 =	sor.u32 $0xD0000000, s2;
	s6 =	simm.s32 $0x108;
	_ =	swait.ge @!p0 [sflag:s8], $0x0  }
0x24: {  	s3 =	sadd.s32 $0x88, s3;
	s6 =	simm.s32 @!p1 $0x1082;
	[sflag:s4] =	ssyncset.s32 $0xFFFFF086  }
0x25: {  	[simem:s6], [sflag:s4] =	dma.local [hbm:s3], $0xF7A  }
0x26: {  	[smem:$0x3F97] =	sst s1;
	(tag) =	ssettag s2;
	_ =	strace s9  }
0x27: {  	s1 =	sld [smem:$0x3FA7]  }
0x28: {  	s2 =	sld [smem:$0x3FA8]  }
0x29: {  	s4 =	sld [smem:$0x3FAA]  }
0x2a: {  	p0 =	seq.s32 s5, $0x0;
	s5 =	sld [smem:$0x3FAB]  }
0x2b: {  	s6 =	sld [smem:$0x3FAC]  }
0x2c: {  	s7 =	sld [smem:$0x3FAD]  }
0x2d: {  	s3 =	simm.s32 $0x108;
	s8 =	sld [smem:$0x3FAE]  }
0x2e: {  	s3 =	simm.s32 @!p0 $0x1082;
	s9 =	sld [smem:$0x3FAF]  }
0x2f: {  	lr =	sadd.s32 s0, s3;
	s0 =	sld [smem:$0x3FA6]  }
0x30: {  	s3 =	sld [smem:$0x3FA9]  }
0x31: {  	[smem:$0x3FB2] =	sst s10  }
0x32: {  	s10 =	sld [smem:$0x3FB0];
	_ =	sdelay $0x3  }
0x33: {  	p0 =	seq.s32 s10, $0x1;
	s10 =	sld [smem:$0x3FB2];
	_ =	sdelay $0x3  }
0x34: {  	[smem:$0x3FB2] =	sst s10  }
0x35: {  	s10 =	sld [smem:$0x3FB1];
	_ =	sdelay $0x3  }
0x36: {  	p1 =	seq.s32 s10, $0x1;
	s10 =	sld [smem:$0x3FB2];
	_ =	sdelay $0x3  }
0x37: {  	[smem:$0x3FB2] =	sst s10  }
0x38: {  	s10 =	sld [smem:$0x3FB3]  }
0x39: {  	_ = 	snop;
	(pc) =	sbr.ind lr, $3  }
0x3a: {  	_ = 	snop  }
0x3b: {  	_ = 	snop  }
0x3c: {  	p2 =	seq.s32 s10, $0x1;
	s10 =	sld [smem:$0x3FB2]  }
0x3d: {  	_ =	shalt  }
0x3e: {  	_ =	shalt  }
0x3f: {  	_ =	shalt  }
0x40: {  	_ =	shalt  }
0x41: {  	_ =	shalt  }
0x42: {  	_ =	shalt  }
0x43: {  	_ =	shalt  }
0x44: {  	_ =	shalt  }
0x45: {  	_ =	shalt  }
0x46: {  	_ =	shalt  }
0x47: {  	_ =	shalt  }
0x48: {  	_ =	shalt  }
0x49: {  	_ =	shalt  }
0x4a: {  	_ =	shalt  }
0x4b: {  	_ =	shalt  }
0x4c: {  	_ =	shalt  }
0x4d: {  	_ =	shalt  }
0x4e: {  	_ =	shalt  }
0x4f: {  	_ =	shalt  }
0x50: {  	_ =	shalt  }
0x51: {  	_ =	shalt  }
0x52: {  	_ =	shalt  }
0x53: {  	_ =	shalt  }
0x54: {  	_ =	shalt  }
0x55: {  	_ =	shalt  }
0x56: {  	_ =	shalt  }
0x57: {  	_ =	shalt  }
0x58: {  	_ =	shalt  }
0x59: {  	_ =	shalt  }
0x5a: {  	_ =	shalt  }
0x5b: {  	_ =	shalt  }
0x5c: {  	_ =	shalt  }
0x5d: {  	_ =	shalt  }
0x5e: {  	_ =	shalt  }
0x5f: {  	_ =	shalt  }
0x60: {  	_ =	shalt  }
0x61: {  	_ =	shalt  }
0x62: {  	_ =	shalt  }
0x63: {  	_ =	shalt  }
0x64: {  	_ =	shalt  }
0x65: {  	_ =	shalt  }
0x66: {  	_ =	shalt  }
0x67: {  	_ =	shalt  }
0x68: {  	_ =	shalt  }
0x69: {  	_ =	shalt  }
0x6a: {  	_ =	shalt  }
0x6b: {  	_ =	shalt  }
0x6c: {  	_ =	shalt  }
0x6d: {  	_ =	shalt  }
0x6e: {  	_ =	shalt  }
0x6f: {  	_ =	shalt  }
0x70: {  	_ =	shalt  }
0x71: {  	_ =	shalt  }
0x72: {  	_ =	shalt  }
0x73: {  	_ =	shalt  }
0x74: {  	_ =	shalt  }
0x75: {  	_ =	shalt  }
0x76: {  	_ =	shalt  }
0x77: {  	_ =	shalt  }
0x78: {  	_ =	shalt  }
0x79: {  	_ =	shalt  }
0x7a: {  	_ =	shalt  }
0x7b: {  	_ =	shalt  }
0x7c: {  	_ =	shalt  }
0x7d: {  	_ =	shalt  }
0x7e: {  	_ =	shalt  }
0x7f: {  	_ =	shalt  }
0x80: {  	_ =	shalt  }
0x81: {  	_ =	shalt  }
0x82: {  	_ =	shalt  }
0x83: {  	_ =	shalt  }
0x84: {  	_ =	shalt  }
0x85: {  	_ =	shalt  }
0x86: {  	_ =	shalt  }
0x87: {  	_ =	shalt  }
.Lfunc_end0:
.L_simem_size_0:
called_computation.2_lowered:
.L_overlay_start_0:
0x88: {  	s2 =	sld [smem:$0x3FD9]  }
0x89: {  	s3 =	sld [smem:$0x3FFE];
	_ =	sdelay $0x1  }
0x8a: {  	s1 =	srdreg.scid  }
0x8b: {  	s0 =	sand.u32 $0x1, s1  }
0x8c: {  	s17 =	sshll.u32 s0, $0xA;
	s2 =	sadd.s32 s3, s2  }
0x8d: {  	s2 =	sadd.s32 s2, s17  }
0x8e: {  	[smem:$0x3FBE] =	sst s2  }
0x8f: {  	_ = 	snop  }
0x90: {  	s2 =	sld [smem:$0x3FD0];
	(tm) =	ssettm $0x1  }
0x91: {  	s18 =	sld [smem:$0x3FFB];
	_ =	sdelay $0x3  }
0x92: {  	_ =	strace s18  }
0x93: {  	s3 =	sld [smem:$0x3FFC];
	_ =	sdelay $0x3  }
0x94: {  	_ =	strace s3  }
0x95: {  	s3 =	sld [smem:$0x3FFD];
	_ =	sdelay $0x3  }
0x96: {  	_ =	strace s3  }
0x97: {  	_ =	strace $0x8FFFFFFF  }
0x98: {  	s19 =	sld [smem:$0x3FDB];
	_ =	sdelay $0x1  }
0x99: {  	s4 =	simm.s32 $_scs_section_size  }
0x9a: {  	s5 =	simm.s32 $_size__tile_overlayer_lowered;
	s6 =	simm.s32 $_tile_overlayer_lowered  }
0x9b: {  	s22 =	simm.s32 $0x1BFF;
	s21 =	sshll.u32 s6, $0x1;
	s3 =	sadd.s32 s4, s19  }
0x9c: {  	s7 =	simm.s32 $0x0;
	s20 =	sshll.u32 s5, $0x1;
	s5 =	sadd.s32 s21, s3  }
0x9d: {  	[timem:s7], [sflag:s22] =	dma.local [hbm:s5], s20  }
0x9e: {  	_ =	swait.ge [sflag:s22], s20  }
0x9f: {  	s4 =	ssub.s32 $0x0, s20;
	[sflag:s22] =	ssyncset.done $0x0  }
0xa0: {  	[sflag:s22] =	ssyncadd.s32 s4;
	_ =	sdelay $0x1  }
0xa1: {  	s23 =	simm.s32 $0x1B8B  }
0xa2: {  	_ =	swait.ge [sflag:s23], $0x1  }
0xa3: {  	[sflag:s23] =	ssyncset.done $0x0  }
0xa4: {  	s25 =	simm.s32 $0x1B8E;
	s24 =	sld [smem:$0x3FFE];
	[sflag:s23] =	ssyncadd.s32 $0xFFFFFFFF  }
0xa5: {  	s26 =	simm.s32 $execute0_lowered;
	[smem:$0x3FD2] =	sst s25  }
0xa6: {  	s5 =	sshll.u32 s26, $0x1;
	_ =	strace $0x8000004C;
	[dreg:$0x1] =	wrdreg $0xFFFFFFFF  }
0xa7: {  	s28 =	simm.s32 $_size_execute0_lowered;
	s3 =	sadd.s32 s3, s5;
	[dreg:$0x0] =	wrdreg $0x0  }
0xa8: {  	s5 =	sshll.u32 s28, $0x1;
	[dreg:$0x2] =	wrdreg s3  }
0xa9: {  	[dreg:$0x3] =	wrdreg s5  }
0xaa: {  	[dreg:$0x4] =	wrdreg $0xC0  }
0xab: {  	_ =	task [dreg:s7], $0x5FFFF  }
0xac: {  	[dreg:$0x1] =	wrdreg $0xFFFFFFFF  }
0xad: {  	[dreg:$0x0] =	wrdreg $0x60  }
0xae: {  	[dreg:$0x2] =	wrdreg s2  }
0xaf: {  	[dreg:$0x3] =	wrdreg s24  }
0xb0: {  	[dreg:$0x4] =	wrdreg $0x13C400  }
0xb1: {  	[dreg:$0x5] =	wrdreg $0x9  }
0xb2: {  	_ =	task.clear_ibuf [dreg:s7], $0x6FFFF;
	_ =	strace $0x9000004C  }
0xb3: {  	s29 =	simm.s32 $0x9;
	_ =	strace $0x8000004E  }
0xb4: {  	_ =	swait.ge [sflag:s29], $0x1  }
0xb5: {  	[sflag:s29] =	ssyncadd.s32 $0xFFFFFFFF  }
0xb6: {  	_ =	strace $0x9000004E  }
0xb7: {  	_ =	sfence  }
0xb8: {  	s30 =	sld [smem:$0x0];
	_ =	sdelay $0x2  }
0xb9: {  	s31 =	sshll.u32 s1, $0xD;
	s1 =	sshrl.u32 s1, $0x2  }
0xba: {  	s3 =	sand.u32 $0x4000, s31;
	s1 =	sadd.s32 s1, s30  }
0xbb: {  	s0 =	sor.u32 s3, s0;
	s1 =	sshll.u32 s1, $0x11  }
0xbc: {  	s0 =	sor.u32 s1, s0  }
0xbd: {  	s0 =	sadd.s32 $0x8F2B, s0  }
0xbe: {  	[sflag:s0] =	ssyncadd.remote.s32 $0x1  }
0xbf: {  	_ =	sfence.sel $0xFFFF  }
0xc0: {  	[dreg:$0x0] =	wrdreg $0xFFFFFFFF;
	(pc) =	sbr.abs _section_cstart, $3  }
0xc1: {  	[dreg:$0x1] =	wrdreg $0xFFFFFFFF  }
0xc2: {  	_ =	task.clear_ibuf [dreg:s7], $0x2FFFF;
	_ =	strace $0x9FFFFFFF  }
0xc3: {  	(tm) =	ssettm $0x7FFFFFFF  }
tec
execute0_lowered:
.L_overlay_start_1:
0x0: {  	(tag) =	ssettag $0x1  }
0x1: {  	s0 =	rddreg [dreg:$0x0]  }
0x2: {  	s1 =	rddreg [dreg:$0x1];
	s11 =	stileid.u32  }
0x3: {  	s3 =	srdreg.scid;
	s2 =	rddreg [dreg:$0x2];
	s17 =	simm.s32 $0xA000  }
0x4: {  	s18 =	simm.s32 $0xB;
	s20 =	simm.s32 $0x7D;
	s24 =	simm.s32 $0xDE80  }
0x5: {  	s28 =	simm.s32 $0xFDC0;
	s30 =	simm.s32 $0x11D00;
	s4 =	smul.u32 $0xA00, s11  }
0x6: {  	s31 =	simm.s32 $0x1;
	s19 =	simm.s32 $0x4;
	s7 =	smul.u32 $0xA000, s11  }
0x7: {  	s5 =	sand.u32 $0x1, s3;
	s3 =	simm.s32 $0x0;
	s11 =	smul.u32 $0x28000, s11  }
0x8: {  	s29 =	simm.s32 $0x8;
	s6 =	smul.u32 $0xA0000, s5;
	[smem:$0x7FF] =	sst s3  }
0x9: {  	s5 =	ssub.s32 $0x2, s5;
	_ =	strace $0x8000004D;
	s8 =	sadd.s32 s4, s1  }
0xa: {  	s10 =	sshrl.u32 s5, $0x1;
	s0 =	sadd.s32 s0, s4;
	s22 =	sshrl.u32 s11, $0x2  }
0xb: {  	s23 =	sadd.s32 s7, s2;
	s4 =	simm.s32 $0x9;
	s9 =	sshrl.u32 s6, $0x3  }
0xc: {  	s6 =	sadd.s32 s7, s6;
	s5 =	ssub.s32 s5, s10;
	[dreg:$0x4] =	wrdreg s0  }
0xd: {  	s21 =	sadd.s32 $0x2A800, s8;
	s8 =	sadd.s32 s22, s2;
	s22 =	simm.s32 $0xBF40  }
0xe: {  	s0 =	simm.s32 $0x3;
	s9 =	sadd.s32 s9, s1;
	s6 =	sshrl.u32 s6, $0x3  }
0xf: {  	[dreg:$0x5] =	wrdreg s21;
	s25 =	smax.u32 s5, $0x1;
	s26 =	sadd.s32 $0x1400, s8  }
0x10: {  	s11 =	sadd.s32 $0x2800, s8;
	s12 =	sadd.s32 $0x3C00, s8;
	s13 =	sadd.s32 $0x5000, s8  }
0x11: {  	s14 =	sadd.s32 $0x6400, s8;
	s15 =	sadd.s32 $0x7800, s8;
	s16 =	sadd.s32 $0x8C00, s8  }
0x12: {  	s21 =	simm.s32 $0x5;
	s5 =	simm.s32 $0xA;
	[dreg:$0x7] =	wrdreg s25  }
0x13: {  	s1 =	sadd.s32 s6, s1;
	s6 =	sadd.s32 $0x2200, s9;
	[dreg:$0x8] =	wrdreg s26  }
0x14: {  	s25 =	sshrl.u32 s23, $0x3;
	s23 =	simm.s32 $0x6;
	s1 =	sadd.s32 $0x34800, s1  }
0x15: {  	v0 =	vimm.f32 $0.0e+00;
	s26 =	simm.s32 $0x7;
	[dreg:$0x6] =	wrdreg s1;
	s1 =	simm.s32 $0x2  }
.LBB2_1:
0x16: {  	s9 =	simm.s32 $0x100;
	s7 =	simm.s32 $0x0  }
.LBB2_2:
0x17: {  	p0 =	sne.s32 s9, $0x4F00;
	[tilespmem:s7+$0xA030] =	vst v0;
	s10 =	smov.u32 s9;
	s9 =	sadd.s32 $0x100, s9  }
.Ltmp0:
0x18: {  	[tilespmem:s7+$0xA020] =	vst v0;
	(pc) =	sbr.rel @p0 .LBB2_2-.Ltmp0, $3  }
0x19: {  	[tilespmem:s7+$0xA000] =	vst v0  }
0x1a: {  	[tilespmem:s7+$0xA010] =	vst v0;
	_ =	sdelay $0x1  }
0x1b: {  	s7 =	sshra.s32 s10, $0x2  }
0x1c: {  	[tilespmem:s7+$0xA030] =	vst v0  }
0x1d: {  	[tilespmem:s7+$0xA020] =	vst v0  }
0x1e: {  	[tilespmem:s7+$0xA000] =	vst v0  }
0x1f: {  	[tilespmem:s7+$0xA010] =	vst v0  }
0x20: {  	[spmem:s8] =	stream.linear.scatter [tilespmem:s17], [sflag:$0xB], $0x1400, $0x38;
	[tilespmem:$0x1DC40] =	vst v63  }
0x21: {  	_ =	swait.ge [sflag:s18], $0x1400  }
0x22: {  	[sflag:s18] =	ssyncset.done $0x0  }
0x23: {  	s9 =	rddreg [dreg:$0x8];
	[sflag:s18] =	ssyncadd.s32 $0xFFFFEC00  }
0x24: {  	[spmem:s9] =	stream.linear.scatter [tilespmem:s17], [sflag:$0xB], $0x1400, $0x38;
	[tilespmem:$0x1DC40] =	vst v63  }
0x25: {  	_ =	swait.ge [sflag:s18], $0x1400  }
0x26: {  	[sflag:s18] =	ssyncset.done $0x0  }
0x27: {  	[sflag:s18] =	ssyncadd.s32 $0xFFFFEC00  }
0x28: {  	[spmem:s11] =	stream.linear.scatter [tilespmem:s17], [sflag:$0xB], $0x1400, $0x38;
	[tilespmem:$0x1DC40] =	vst v63  }
0x29: {  	_ =	swait.ge [sflag:s18], $0x1400  }
0x2a: {  	[sflag:s18] =	ssyncset.done $0x0  }
0x2b: {  	[sflag:s18] =	ssyncadd.s32 $0xFFFFEC00  }
0x2c: {  	[spmem:s12] =	stream.linear.scatter [tilespmem:s17], [sflag:$0xB], $0x1400, $0x38;
	[tilespmem:$0x1DC40] =	vst v63  }
0x2d: {  	_ =	swait.ge [sflag:s18], $0x1400  }
0x2e: {  	[sflag:s18] =	ssyncset.done $0x0  }
0x2f: {  	[sflag:s18] =	ssyncadd.s32 $0xFFFFEC00  }
0x30: {  	[spmem:s13] =	stream.linear.scatter [tilespmem:s17], [sflag:$0xB], $0x1400, $0x38;
	[tilespmem:$0x1DC40] =	vst v63  }
0x31: {  	_ =	swait.ge [sflag:s18], $0x1400  }
0x32: {  	[sflag:s18] =	ssyncset.done $0x0  }
0x33: {  	[sflag:s18] =	ssyncadd.s32 $0xFFFFEC00  }
0x34: {  	[spmem:s14] =	stream.linear.scatter [tilespmem:s17], [sflag:$0xB], $0x1400, $0x38;
	[tilespmem:$0x1DC40] =	vst v63  }
0x35: {  	_ =	swait.ge [sflag:s18], $0x1400  }
0x36: {  	[sflag:s18] =	ssyncset.done $0x0  }
0x37: {  	[sflag:s18] =	ssyncadd.s32 $0xFFFFEC00  }
0x38: {  	[spmem:s15] =	stream.linear.scatter [tilespmem:s17], [sflag:$0xB], $0x1400, $0x38;
	[tilespmem:$0x1DC40] =	vst v63  }
0x39: {  	_ =	swait.ge [sflag:s18], $0x1400  }
0x3a: {  	[sflag:s18] =	ssyncset.done $0x0  }
0x3b: {  	[sflag:s18] =	ssyncadd.s32 $0xFFFFEC00  }
0x3c: {  	[spmem:s16] =	stream.linear.scatter [tilespmem:s17], [sflag:$0xB], $0x1400, $0x38;
	[tilespmem:$0x1DC40] =	vst v63  }
0x3d: {  	_ =	swait.ge [sflag:s18], $0x1400  }
0x3e: {  	[sflag:s18] =	ssyncset.done $0x0  }
0x3f: {  	s7 =	simm.s32 $0x0;
	s9 =	rddreg [dreg:$0x4];
	[sflag:s18] =	ssyncadd.s32 $0xFFFFEC00  }
0x40: {  	[tilespmem:s7], [sflag:$0xB] =	stream.linear.gather [hbm4b:s9+s7], $0x5000, $0x38;
	[tilespmem:$0x1DC40] =	vst v63  }
0x41: {  	_ =	swait.ge [sflag:s18], $0x5000  }
0x42: {  	[sflag:s18] =	ssyncset.done $0x0  }
0x43: {  	s10 =	simm.s32 $0x5000;
	s9 =	rddreg [dreg:$0x5];
	[sflag:s18] =	ssyncadd.s32 $0xFFFFB000  }
0x44: {  	[tilespmem:s10], [sflag:$0xB] =	stream.linear.gather [hbm4b:s9+s7], $0x5000, $0x38;
	[tilespmem:$0x1DC40] =	vst v63  }
0x45: {  	_ =	swait.ge [sflag:s18], $0x5000  }
0x46: {  	[sflag:s18] =	ssyncset.done $0x0  }
0x47: {  	[sflag:s18] =	ssyncadd.s32 $0xFFFFB000  }
0x48: {  	[bflag:$0x0] =	sbarrier.arrive $0xFFFF  }
0x49: {  	[tilespmem:s17], [sflag:$0x1] =	stream.indirect.gather [hbm4b:s6+s20], $0x40, s7, s20, $0xb8;
	[tilespmem:$0x1DC40] =	vst v63  }
0x4a: {  	s10 =	simm.s32 $0x80  }
0x4b: {  	[tilespmem:s22], [sflag:$0x2] =	stream.indirect.gather [hbm4b:s6+s20], $0x40, s10, s20, $0xb8;
	[tilespmem:$0x1DC40] =	vst v63  }
0x4c: {  	s9 =	simm.s32 $0x100  }
0x4d: {  	[tilespmem:s24], [sflag:$0x3] =	stream.indirect.gather [hbm4b:s6+s20], $0x40, s9, s20, $0xb8;
	[tilespmem:$0x1DC40] =	vst v63  }
0x4e: {  	s10 =	simm.s32 $0x180  }
0x4f: {  	[tilespmem:s28], [sflag:$0x4] =	stream.indirect.gather [hbm4b:s6+s20], $0x40, s10, s20, $0xb8;
	[tilespmem:$0x1DC40] =	vst v63  }
0x50: {  	s9 =	simm.s32 $0x200  }
0x51: {  	[tilespmem:s30], [sflag:$0x5] =	stream.indirect.gather [hbm4b:s6+s20], $0x40, s9, s20, $0xb8;
	[tilespmem:$0x1DC40] =	vst v63  }
0x52: {  	_ =	swait.ge [sflag:s31], $0x1F40  }
0x53: {  	[sflag:s31] =	ssyncset.done $0x0  }
0x54: {  	s10 =	simm.s32 $0x5000;
	[sflag:s31] =	ssyncadd.s32 $0xFFFFE0C0  }
0x55: {  	[spmem:s2] =	stream.indirect.scatter.add.f32 [tilespmem:s17], [sflag:$0x6], $0x40, s10, s20, $0xb8;
	[tilespmem:$0x1DC40] =	vst v63  }
0x56: {  	_ =	swait.ge [sflag:s1], $0x1F40  }
0x57: {  	[sflag:s1] =	ssyncset.done $0x0  }
0x58: {  	s9 =	simm.s32 $0x5080;
	[sflag:s1] =	ssyncadd.s32 $0xFFFFE0C0  }
0x59: {  	[spmem:s2] =	stream.indirect.scatter.add.f32 [tilespmem:s22], [sflag:$0x7], $0x40, s9, s20, $0xb8;
	[tilespmem:$0x1DC40] =	vst v63  }
0x5a: {  	_ =	swait.ge [sflag:s0], $0x1F40  }
0x5b: {  	[sflag:s0] =	ssyncset.done $0x0  }
0x5c: {  	s10 =	simm.s32 $0x5100;
	[sflag:s0] =	ssyncadd.s32 $0xFFFFE0C0  }
0x5d: {  	[spmem:s2] =	stream.indirect.scatter.add.f32 [tilespmem:s24], [sflag:$0x8], $0x40, s10, s20, $0xb8;
	[tilespmem:$0x1DC40] =	vst v63  }
0x5e: {  	_ =	swait.ge [sflag:s19], $0x1F40  }
0x5f: {  	[sflag:s19] =	ssyncset.done $0x0  }
0x60: {  	s9 =	simm.s32 $0x5180;
	[sflag:s19] =	ssyncadd.s32 $0xFFFFE0C0  }
0x61: {  	[spmem:s2] =	stream.indirect.scatter.add.f32 [tilespmem:s28], [sflag:$0x9], $0x40, s9, s20, $0xb8;
	[tilespmem:$0x1DC40] =	vst v63  }
0x62: {  	_ =	swait.ge [sflag:s21], $0x1F40  }
0x63: {  	[sflag:s21] =	ssyncset.done $0x0  }
0x64: {  	s10 =	simm.s32 $0x5200;
	[sflag:s21] =	ssyncadd.s32 $0xFFFFE0C0  }
0x65: {  	[spmem:s2] =	stream.indirect.scatter.add.f32 [tilespmem:s30], [sflag:$0xA], $0x40, s10, s20, $0xb8;
	[tilespmem:$0x1DC40] =	vst v63  }
0x66: {  	_ =	swait.ge [sflag:s23], $0x1F40  }
0x67: {  	[sflag:s23] =	ssyncset.done $0x0  }
0x68: {  	s9 =	simm.s32 $0x280;
	[sflag:s23] =	ssyncadd.s32 $0xFFFFE0C0  }
0x69: {  	[tilespmem:s17], [sflag:$0x1] =	stream.indirect.gather [hbm4b:s6+s20], $0x40, s9, s20, $0xb8;
	[tilespmem:$0x1DC40] =	vst v63  }
0x6a: {  	_ =	swait.ge [sflag:s26], $0x1F40  }
0x6b: {  	[sflag:s26] =	ssyncset.done $0x0  }
0x6c: {  	s10 =	simm.s32 $0x300;
	[sflag:s26] =	ssyncadd.s32 $0xFFFFE0C0  }
0x6d: {  	[tilespmem:s22], [sflag:$0x2] =	stream.indirect.gather [hbm4b:s6+s20], $0x40, s10, s20, $0xb8;
	[tilespmem:$0x1DC40] =	vst v63  }
0x6e: {  	_ =	swait.ge [sflag:s29], $0x1F40  }
0x6f: {  	[sflag:s29] =	ssyncset.done $0x0  }
0x70: {  	s9 =	simm.s32 $0x380;
	[sflag:s29] =	ssyncadd.s32 $0xFFFFE0C0  }
0x71: {  	[tilespmem:s24], [sflag:$0x3] =	stream.indirect.gather [hbm4b:s6+s20], $0x40, s9, s20, $0xb8;
	[tilespmem:$0x1DC40] =	vst v63  }
0x72: {  	_ =	swait.ge [sflag:s4], $0x1F40  }
0x73: {  	[sflag:s4] =	ssyncset.done $0x0  }
0x74: {  	s10 =	simm.s32 $0x400;
	[sflag:s4] =	ssyncadd.s32 $0xFFFFE0C0  }
0x75: {  	[tilespmem:s28], [sflag:$0x4] =	stream.indirect.gather [hbm4b:s6+s20], $0x40, s10, s20, $0xb8;
	[tilespmem:$0x1DC40] =	vst v63  }
0x76: {  	_ =	swait.ge [sflag:s5], $0x1F40  }
0x77: {  	[sflag:s5] =	ssyncset.done $0x0  }
0x78: {  	s7 =	simm.s32 $0xA00;
	s9 =	simm.s32 $0x480;
	[sflag:s5] =	ssyncadd.s32 $0xFFFFE0C0  }
.LBB2_4:
0x79: {  	[tilespmem:s30], [sflag:$0x5] =	stream.indirect.gather [hbm4b:s6+s20], $0x40, s9, s20, $0xb8;
	[tilespmem:$0x1DC40] =	vst v63  }
0x7a: {  	s9 =	smov.u32 s7  }
0x7b: {  	p0 =	sne.s32 s7, $0x12C00;
	s7 =	sadd.s32 $0xA00, s7;
	_ =	swait.ge [sflag:s31], $0x1F40  }
0x7c: {  	s9 =	sshra.s32 s9, $0x2;
	[sflag:s31] =	ssyncset.done $0x0  }
0x7d: {  	s10 =	sadd.s32 $0x5000, s9;
	[sflag:s31] =	ssyncadd.s32 $0xFFFFE0C0  }
0x7e: {  	[spmem:s2] =	stream.indirect.scatter.add.f32 [tilespmem:s17], [sflag:$0x6], $0x40, s10, s20, $0xb8;
	[tilespmem:$0x1DC40] =	vst v63  }
0x7f: {  	_ =	swait.ge [sflag:s1], $0x1F40  }
0x80: {  	[sflag:s1] =	ssyncset.done $0x0  }
0x81: {  	s10 =	sadd.s32 $0x5080, s9;
	[sflag:s1] =	ssyncadd.s32 $0xFFFFE0C0  }
0x82: {  	[spmem:s2] =	stream.indirect.scatter.add.f32 [tilespmem:s22], [sflag:$0x7], $0x40, s10, s20, $0xb8;
	[tilespmem:$0x1DC40] =	vst v63  }
0x83: {  	_ =	swait.ge [sflag:s0], $0x1F40  }
0x84: {  	[sflag:s0] =	ssyncset.done $0x0  }
0x85: {  	s10 =	sadd.s32 $0x5100, s9;
	[sflag:s0] =	ssyncadd.s32 $0xFFFFE0C0  }
0x86: {  	[spmem:s2] =	stream.indirect.scatter.add.f32 [tilespmem:s24], [sflag:$0x8], $0x40, s10, s20, $0xb8;
	[tilespmem:$0x1DC40] =	vst v63  }
0x87: {  	_ =	swait.ge [sflag:s19], $0x1F40  }
0x88: {  	[sflag:s19] =	ssyncset.done $0x0  }
0x89: {  	s10 =	sadd.s32 $0x5180, s9;
	[sflag:s19] =	ssyncadd.s32 $0xFFFFE0C0  }
0x8a: {  	[spmem:s2] =	stream.indirect.scatter.add.f32 [tilespmem:s28], [sflag:$0x9], $0x40, s10, s20, $0xb8;
	[tilespmem:$0x1DC40] =	vst v63  }
0x8b: {  	_ =	swait.ge [sflag:s21], $0x1F40  }
0x8c: {  	[sflag:s21] =	ssyncset.done $0x0  }
0x8d: {  	s10 =	sadd.s32 $0x5200, s9;
	[sflag:s21] =	ssyncadd.s32 $0xFFFFE0C0  }
0x8e: {  	[spmem:s2] =	stream.indirect.scatter.add.f32 [tilespmem:s30], [sflag:$0xA], $0x40, s10, s20, $0xb8;
	[tilespmem:$0x1DC40] =	vst v63  }
0x8f: {  	_ =	swait.ge [sflag:s23], $0x1F40  }
0x90: {  	[sflag:s23] =	ssyncset.done $0x0  }
0x91: {  	s10 =	sadd.s32 $0x280, s9;
	[sflag:s23] =	ssyncadd.s32 $0xFFFFE0C0  }
0x92: {  	[tilespmem:s17], [sflag:$0x1] =	stream.indirect.gather [hbm4b:s6+s20], $0x40, s10, s20, $0xb8;
	[tilespmem:$0x1DC40] =	vst v63  }
0x93: {  	_ =	swait.ge [sflag:s26], $0x1F40  }
0x94: {  	[sflag:s26] =	ssyncset.done $0x0  }
0x95: {  	s10 =	sadd.s32 $0x300, s9;
	[sflag:s26] =	ssyncadd.s32 $0xFFFFE0C0  }
0x96: {  	[tilespmem:s22], [sflag:$0x2] =	stream.indirect.gather [hbm4b:s6+s20], $0x40, s10, s20, $0xb8;
	[tilespmem:$0x1DC40] =	vst v63  }
0x97: {  	_ =	swait.ge [sflag:s29], $0x1F40  }
0x98: {  	[sflag:s29] =	ssyncset.done $0x0  }
0x99: {  	s10 =	sadd.s32 $0x380, s9;
	[sflag:s29] =	ssyncadd.s32 $0xFFFFE0C0  }
0x9a: {  	[tilespmem:s24], [sflag:$0x3] =	stream.indirect.gather [hbm4b:s6+s20], $0x40, s10, s20, $0xb8;
	[tilespmem:$0x1DC40] =	vst v63  }
0x9b: {  	_ =	swait.ge [sflag:s4], $0x1F40  }
0x9c: {  	[sflag:s4] =	ssyncset.done $0x0  }
.Ltmp1:
0x9d: {  	s10 =	sadd.s32 $0x400, s9;
	[sflag:s4] =	ssyncadd.s32 $0xFFFFE0C0;
	(pc) =	sbr.rel @p0 .LBB2_4-.Ltmp1, $4  }
0x9e: {  	[tilespmem:s28], [sflag:$0x4] =	stream.indirect.gather [hbm4b:s6+s20], $0x40, s10, s20, $0xb8;
	[tilespmem:$0x1DC40] =	vst v63  }
0x9f: {  	_ =	swait.ge [sflag:s5], $0x1F40  }
0xa0: {  	[sflag:s5] =	ssyncset.done $0x0  }
0xa1: {  	s9 =	sadd.s32 $0x480, s9;
	[sflag:s5] =	ssyncadd.s32 $0xFFFFE0C0  }
0xa2: {  	[tilespmem:s30], [sflag:$0x5] =	stream.indirect.gather [hbm4b:s6+s20], $0x40, s9, s20, $0xb8;
	[tilespmem:$0x1DC40] =	vst v63  }
0xa3: {  	_ =	swait.ge [sflag:s31], $0x1F40  }
0xa4: {  	[sflag:s31] =	ssyncset.done $0x0  }
0xa5: {  	s7 =	simm.s32 $0x9D80;
	[sflag:s31] =	ssyncadd.s32 $0xFFFFE0C0  }
0xa6: {  	[spmem:s2] =	stream.indirect.scatter.add.f32 [tilespmem:s17], [sflag:$0x6], $0x40, s7, s20, $0xb8;
	[tilespmem:$0x1DC40] =	vst v63  }
0xa7: {  	_ =	swait.ge [sflag:s1], $0x1F40  }
0xa8: {  	[sflag:s1] =	ssyncset.done $0x0  }
0xa9: {  	s9 =	simm.s32 $0x9E00;
	[sflag:s1] =	ssyncadd.s32 $0xFFFFE0C0  }
0xaa: {  	[spmem:s2] =	stream.indirect.scatter.add.f32 [tilespmem:s22], [sflag:$0x7], $0x40, s9, s20, $0xb8;
	[tilespmem:$0x1DC40] =	vst v63  }
0xab: {  	_ =	swait.ge [sflag:s0], $0x1F40  }
0xac: {  	[sflag:s0] =	ssyncset.done $0x0  }
0xad: {  	s10 =	simm.s32 $0x9E80;
	[sflag:s0] =	ssyncadd.s32 $0xFFFFE0C0  }
0xae: {  	[spmem:s2] =	stream.indirect.scatter.add.f32 [tilespmem:s24], [sflag:$0x8], $0x40, s10, s20, $0xb8;
	[tilespmem:$0x1DC40] =	vst v63  }
0xaf: {  	_ =	swait.ge [sflag:s19], $0x1F40  }
0xb0: {  	[sflag:s19] =	ssyncset.done $0x0  }
0xb1: {  	s9 =	simm.s32 $0x9F00;
	[sflag:s19] =	ssyncadd.s32 $0xFFFFE0C0  }
0xb2: {  	[spmem:s2] =	stream.indirect.scatter.add.f32 [tilespmem:s28], [sflag:$0x9], $0x40, s9, s20, $0xb8;
	[tilespmem:$0x1DC40] =	vst v63  }
0xb3: {  	_ =	swait.ge [sflag:s21], $0x1F40  }
0xb4: {  	[sflag:s21] =	ssyncset.done $0x0  }
0xb5: {  	s10 =	simm.s32 $0x9F80;
	[sflag:s21] =	ssyncadd.s32 $0xFFFFE0C0  }
0xb6: {  	[spmem:s2] =	stream.indirect.scatter.add.f32 [tilespmem:s30], [sflag:$0xA], $0x40, s10, s20, $0xb8;
	[tilespmem:$0x1DC40] =	vst v63  }
0xb7: {  	_ =	swait.ge [sflag:s23], $0x1F40  }
0xb8: {  	[sflag:s23] =	ssyncset.done $0x0  }
0xb9: {  	[sflag:s23] =	ssyncadd.s32 $0xFFFFE0C0  }
0xba: {  	_ =	swait.ge [sflag:s26], $0x1F40  }
0xbb: {  	[sflag:s26] =	ssyncset.done $0x0  }
0xbc: {  	[sflag:s26] =	ssyncadd.s32 $0xFFFFE0C0  }
0xbd: {  	_ =	swait.ge [sflag:s29], $0x1F40  }
0xbe: {  	[sflag:s29] =	ssyncset.done $0x0  }
0xbf: {  	[sflag:s29] =	ssyncadd.s32 $0xFFFFE0C0  }
0xc0: {  	_ =	swait.ge [sflag:s4], $0x1F40  }
0xc1: {  	[sflag:s4] =	ssyncset.done $0x0  }
0xc2: {  	[sflag:s4] =	ssyncadd.s32 $0xFFFFE0C0  }
0xc3: {  	_ =	swait.ge [sflag:s5], $0x1F40  }
0xc4: {  	[sflag:s5] =	ssyncset.done $0x0  }
0xc5: {  	s9 =	stileid.u32;
	[sflag:s5] =	ssyncadd.s32 $0xFFFFE0C0  }
0xc6: {  	s7 =	sshll.u32 s9, $0x6;
	[bflag:$0x0] =	sbarrier.arrive $0xFFFF  }
0xc7: {  	s7 =	sor.u32 $0x1C0B, s7;
	s10 =	rddreg [dreg:$0x6]  }
0xc8: {  	[hbm:s10], [sflag:s7] =	dma.local [spmem:s25], $0x1400  }
0xc9: {  	_ =	swait.ge [sflag:s18], $0x1400  }
0xca: {  	s3 =	sadd.s32 $0x1, s3;
	s10 =	rddreg [dreg:$0x7]  }
0xcb: {  	p0 =	sne.s32 s3, s10  }
.Ltmp2:
0xcc: {  	_ = 	snop;
	(pc) =	sbr.rel @p0 .LBB2_1-.Ltmp2, $3  }
0xcd: {  	_ =	sdelay $0x1  }
0xce: {  	[sflag:s18] =	ssyncset.done $0x0  }
0xcf: {  	[sflag:s18] =	ssyncadd.s32 $0xFFFFEC00  }
0xd0: {  	_ =	sfence.sel $0x180000  }
0xd1: {  	[bflag:$0x0] =	sbarrier.arrive $0xFFFF  }
0xd2: {  	_ =	strace $0x9000004D  }
0xd3: {  	s0 =	stileid.u32;
	[bflag:$0x2] =	sbarrier.arrive $0xFFFF  }
0xd4: {  	p0 =	sne.s32 s0, $0x0;
	s0 =	rddreg [dreg:$0x3]  }
0xd5: {  	s0 =	sadd.s32 @!p0 $0x100000, s0  }
0xd6: {  	[sflag:s0] =	ssyncadd.tile.s32 @!p0 $0x1;
	_ =	shalt  }
.Lfunc_end2:
_tile_overlayer_lowered:
.L_overlay_start_2:
0xd7: {  	(tag) =	ssettag $0x2  }
0xd8: {  	s0 =	rddreg [dreg:$0x0];
	s2 =	stileid.u32  }
0xd9: {  	s1 =	rddreg [dreg:$0x1];
	p0 =	sne.s32 s2, $0x0  }
0xda: {  	s3 =	rddreg [dreg:$0x2];
	[bflag:$0x3] =	sbarrier.arrive $0xFFFF;
	s2 =	simm.s32 @!p0 $0x1C0B  }
0xdb: {  	[timem:s3], [sflag:s2] =	dma.local @!p0 [hbm:s0], s1  }
0xdc: {  	s0 =	simm.s32 @!p0 $0xB  }
0xdd: {  	_ =	swait.ge @!p0 [sflag:s0], s1  }
0xde: {  	s1 =	ssub.s32 @!p0 $0x0, s1;
	[sflag:s0] =	ssyncset.done @!p0 $0x0  }
0xdf: {  	[sflag:s0] =	ssyncadd.s32 @!p0 s1  }
0xe0: {  	[bflag:$0x3] =	sbarrier.arrive $0xFFFF  }
0xe1: {  	_ =	shalt  }

// kernel: kernel.8.cloned.1.call-start
scs
__scs_entry_jumppad:
0x0: {  	(pc) =	sbr.rel $0x88, $3  }
0x1: {  	(tag) =	ssettag $0x0;
	lr =	simm.s32 $0x1  }
0x2: {  	[smem:$0x3F97] =	sst lr;
	_ =	strace $0xD0000000  }
0x3: {  	_ = 	snop  }
0x4: {  	_ = 	snop  }
0x5: {  	_ = 	snop  }
0x6: {  	_ = 	snop  }
0x7: {  	_ = 	snop  }
__scs_overlays_trampoline_lowered:
0x8: {  	[smem:$0x3FA6] =	sst s0  }
0x9: {  	[smem:$0x3FA7] =	sst s1  }
0xa: {  	[smem:$0x3FA8] =	sst s2  }
0xb: {  	[smem:$0x3FA9] =	sst s3  }
0xc: {  	[smem:$0x3FAA] =	sst s4  }
0xd: {  	[smem:$0x3FAB] =	sst s5  }
0xe: {  	[smem:$0x3FAC] =	sst s6  }
0xf: {  	[smem:$0x3FAD] =	sst s7  }
0x10: {  	[smem:$0x3FAE] =	sst s8  }
0x11: {  	[smem:$0x3FAF] =	sst s9;
	s0 =	simm.s32 @!p0 $0x0  }
0x12: {  	s1 =	sld [smem:$0x3F95];
	s0 =	simm.s32 @p0 $0x1  }
0x13: {  	[smem:$0x3FB0] =	sst s0;
	s0 =	simm.s32 @!p1 $0x0  }
0x14: {  	s2 =	sld [smem:$0x3F94];
	s0 =	simm.s32 @p1 $0x1  }
0x15: {  	[smem:$0x3FB1] =	sst s0;
	s0 =	simm.s32 @!p2 $0x0  }
0x16: {  	s3 =	sld [smem:$0x3FDB];
	s0 =	simm.s32 @p2 $0x1  }
0x17: {  	s4 =	simm.s32 $0x1BF5;
	[smem:$0x3FB3] =	sst s0  }
0x18: {  	s0 =	sld [smem:$0x3F96];
	_ =	swait.ge [sflag:s4], $0x0  }
0x19: {  	s7 =	sld [smem:$0x3F97]  }
0x1a: {  	s8 =	sadd.s32 $0xFFFFE003, lr  }
0x1b: {  	s9 =	sadd.s32 $0xFFFFFEF7, lr;
	s5 =	simm.s32 $0xFFFFFFFF;
	p2 =	slt.u32 s8, $0xFFFFF086  }
0x1c: {  	p1 =	slt.u32 s9, $0xF7A;
	s5 =	simm.s32 @!p2 $0x0  }
0x1d: {  	s5 =	simm.s32 @p1 $0x1;
	p0 =	seq.s32 s7, s2  }
0x1e: {  	s7 =	smul.u32 @!p0 $0xF7A, s2;
	p2 =	seq.s32 @!p0 s5, $0x0  }
0x1f: {  	s9 =	smul.u32 $0xF7A, s1;
	s8 =	simm.s32 @!p0 $0x1BF5;
	p2 =	por !p2, p0  }
0x20: {  	[sflag:s8] =	ssyncset.s32 @!p0 $0xFFFFF086;
	s6 =	sadd.s32 @!p0 s3, s7;
	s7 =	simm.s32 @!p0 $0x108  }
0x21: {  	s3 =	sadd.s32 s3, s9;
	s6 =	sadd.s32 @!p0 $0x88, s6;
	s7 =	simm.s32 @p2 $0x1082  }
0x22: {  	[simem:s7], [sflag:s8] =	dma.local @!p0 [hbm:s6], $0xF7A  }
0x23: {  	s9 =	sor.u32 $0xD0000000, s2;
	s6 =	simm.s32 $0x108;
	_ =	swait.ge @!p0 [sflag:s8], $0x0  }
0x24: {  	s3 =	sadd.s32 $0x88, s3;
	s6 =	simm.s32 @!p1 $0x1082;
	[sflag:s4] =	ssyncset.s32 $0xFFFFF086  }
0x25: {  	[simem:s6], [sflag:s4] =	dma.local [hbm:s3], $0xF7A  }
0x26: {  	[smem:$0x3F97] =	sst s1;
	(tag) =	ssettag s2;
	_ =	strace s9  }
0x27: {  	s1 =	sld [smem:$0x3FA7]  }
0x28: {  	s2 =	sld [smem:$0x3FA8]  }
0x29: {  	s4 =	sld [smem:$0x3FAA]  }
0x2a: {  	p0 =	seq.s32 s5, $0x0;
	s5 =	sld [smem:$0x3FAB]  }
0x2b: {  	s6 =	sld [smem:$0x3FAC]  }
0x2c: {  	s7 =	sld [smem:$0x3FAD]  }
0x2d: {  	s3 =	simm.s32 $0x108;
	s8 =	sld [smem:$0x3FAE]  }
0x2e: {  	s3 =	simm.s32 @!p0 $0x1082;
	s9 =	sld [smem:$0x3FAF]  }
0x2f: {  	lr =	sadd.s32 s0, s3;
	s0 =	sld [smem:$0x3FA6]  }
0x30: {  	s3 =	sld [smem:$0x3FA9]  }
0x31: {  	[smem:$0x3FB2] =	sst s10  }
0x32: {  	s10 =	sld [smem:$0x3FB0];
	_ =	sdelay $0x3  }
0x33: {  	p0 =	seq.s32 s10, $0x1;
	s10 =	sld [smem:$0x3FB2];
	_ =	sdelay $0x3  }
0x34: {  	[smem:$0x3FB2] =	sst s10  }
0x35: {  	s10 =	sld [smem:$0x3FB1];
	_ =	sdelay $0x3  }
0x36: {  	p1 =	seq.s32 s10, $0x1;
	s10 =	sld [smem:$0x3FB2];
	_ =	sdelay $0x3  }
0x37: {  	[smem:$0x3FB2] =	sst s10  }
0x38: {  	s10 =	sld [smem:$0x3FB3]  }
0x39: {  	_ = 	snop;
	(pc) =	sbr.ind lr, $3  }
0x3a: {  	_ = 	snop  }
0x3b: {  	_ = 	snop  }
0x3c: {  	p2 =	seq.s32 s10, $0x1;
	s10 =	sld [smem:$0x3FB2]  }
0x3d: {  	_ =	shalt  }
0x3e: {  	_ =	shalt  }
0x3f: {  	_ =	shalt  }
0x40: {  	_ =	shalt  }
0x41: {  	_ =	shalt  }
0x42: {  	_ =	shalt  }
0x43: {  	_ =	shalt  }
0x44: {  	_ =	shalt  }
0x45: {  	_ =	shalt  }
0x46: {  	_ =	shalt  }
0x47: {  	_ =	shalt  }
0x48: {  	_ =	shalt  }
0x49: {  	_ =	shalt  }
0x4a: {  	_ =	shalt  }
0x4b: {  	_ =	shalt  }
0x4c: {  	_ =	shalt  }
0x4d: {  	_ =	shalt  }
0x4e: {  	_ =	shalt  }
0x4f: {  	_ =	shalt  }
0x50: {  	_ =	shalt  }
0x51: {  	_ =	shalt  }
0x52: {  	_ =	shalt  }
0x53: {  	_ =	shalt  }
0x54: {  	_ =	shalt  }
0x55: {  	_ =	shalt  }
0x56: {  	_ =	shalt  }
0x57: {  	_ =	shalt  }
0x58: {  	_ =	shalt  }
0x59: {  	_ =	shalt  }
0x5a: {  	_ =	shalt  }
0x5b: {  	_ =	shalt  }
0x5c: {  	_ =	shalt  }
0x5d: {  	_ =	shalt  }
0x5e: {  	_ =	shalt  }
0x5f: {  	_ =	shalt  }
0x60: {  	_ =	shalt  }
0x61: {  	_ =	shalt  }
0x62: {  	_ =	shalt  }
0x63: {  	_ =	shalt  }
0x64: {  	_ =	shalt  }
0x65: {  	_ =	shalt  }
0x66: {  	_ =	shalt  }
0x67: {  	_ =	shalt  }
0x68: {  	_ =	shalt  }
0x69: {  	_ =	shalt  }
0x6a: {  	_ =	shalt  }
0x6b: {  	_ =	shalt  }
0x6c: {  	_ =	shalt  }
0x6d: {  	_ =	shalt  }
0x6e: {  	_ =	shalt  }
0x6f: {  	_ =	shalt  }
0x70: {  	_ =	shalt  }
0x71: {  	_ =	shalt  }
0x72: {  	_ =	shalt  }
0x73: {  	_ =	shalt  }
0x74: {  	_ =	shalt  }
0x75: {  	_ =	shalt  }
0x76: {  	_ =	shalt  }
0x77: {  	_ =	shalt  }
0x78: {  	_ =	shalt  }
0x79: {  	_ =	shalt  }
0x7a: {  	_ =	shalt  }
0x7b: {  	_ =	shalt  }
0x7c: {  	_ =	shalt  }
0x7d: {  	_ =	shalt  }
0x7e: {  	_ =	shalt  }
0x7f: {  	_ =	shalt  }
0x80: {  	_ =	shalt  }
0x81: {  	_ =	shalt  }
0x82: {  	_ =	shalt  }
0x83: {  	_ =	shalt  }
0x84: {  	_ =	shalt  }
0x85: {  	_ =	shalt  }
0x86: {  	_ =	shalt  }
0x87: {  	_ =	shalt  }
.Lfunc_end0:
.L_simem_size_0:
called_computation_lowered:
.L_overlay_start_0:
0x88: {  	s2 =	sld [smem:$0x3FD9]  }
0x89: {  	s3 =	sld [smem:$0x3FFE];
	_ =	sdelay $0x1  }
0x8a: {  	s1 =	srdreg.scid  }
0x8b: {  	s0 =	sand.u32 $0x1, s1  }
0x8c: {  	s17 =	sshll.u32 s0, $0xA;
	s2 =	sadd.s32 s3, s2  }
0x8d: {  	s2 =	sadd.s32 s2, s17  }
0x8e: {  	[smem:$0x3FBE] =	sst s2  }
0x8f: {  	_ = 	snop  }
0x90: {  	s2 =	sld [smem:$0x3FD0];
	(tm) =	ssettm $0x1  }
0x91: {  	s18 =	sld [smem:$0x3FFB];
	_ =	sdelay $0x3  }
0x92: {  	_ =	strace s18  }
0x93: {  	s3 =	sld [smem:$0x3FFC];
	_ =	sdelay $0x3  }
0x94: {  	_ =	strace s3  }
0x95: {  	s3 =	sld [smem:$0x3FFD];
	_ =	sdelay $0x3  }
0x96: {  	_ =	strace s3  }
0x97: {  	_ =	strace $0x8FFFFFFF  }
0x98: {  	s19 =	sld [smem:$0x3FDB];
	_ =	sdelay $0x1  }
0x99: {  	s4 =	simm.s32 $_scs_section_size  }
0x9a: {  	s5 =	simm.s32 $_size__tile_overlayer_lowered;
	s6 =	simm.s32 $_tile_overlayer_lowered  }
0x9b: {  	s22 =	simm.s32 $0x1BFF;
	s21 =	sshll.u32 s6, $0x1;
	s3 =	sadd.s32 s4, s19  }
0x9c: {  	s7 =	simm.s32 $0x0;
	s20 =	sshll.u32 s5, $0x1;
	s5 =	sadd.s32 s21, s3  }
0x9d: {  	[timem:s7], [sflag:s22] =	dma.local [hbm:s5], s20  }
0x9e: {  	_ =	swait.ge [sflag:s22], s20  }
0x9f: {  	s4 =	ssub.s32 $0x0, s20;
	[sflag:s22] =	ssyncset.done $0x0  }
0xa0: {  	[sflag:s22] =	ssyncadd.s32 s4;
	_ =	sdelay $0x1  }
0xa1: {  	s23 =	simm.s32 $0x1B8B  }
0xa2: {  	_ =	swait.ge [sflag:s23], $0x1  }
0xa3: {  	[sflag:s23] =	ssyncset.done $0x0  }
0xa4: {  	s25 =	simm.s32 $0x1B8E;
	s24 =	sld [smem:$0x3FFE];
	[sflag:s23] =	ssyncadd.s32 $0xFFFFFFFF  }
0xa5: {  	s26 =	simm.s32 $execute0_lowered;
	[smem:$0x3FD2] =	sst s25  }
0xa6: {  	s5 =	sshll.u32 s26, $0x1;
	_ =	strace $0x80000046;
	[dreg:$0x1] =	wrdreg $0xFFFFFFFF  }
0xa7: {  	s28 =	simm.s32 $_size_execute0_lowered;
	s3 =	sadd.s32 s3, s5;
	[dreg:$0x0] =	wrdreg $0x0  }
0xa8: {  	s5 =	sshll.u32 s28, $0x1;
	[dreg:$0x2] =	wrdreg s3  }
0xa9: {  	[dreg:$0x3] =	wrdreg s5  }
0xaa: {  	[dreg:$0x4] =	wrdreg $0xC0  }
0xab: {  	_ =	task [dreg:s7], $0x5FFFF  }
0xac: {  	[dreg:$0x1] =	wrdreg $0xFFFFFFFF  }
0xad: {  	[dreg:$0x0] =	wrdreg $0x60  }
0xae: {  	[dreg:$0x2] =	wrdreg s2  }
0xaf: {  	[dreg:$0x3] =	wrdreg s24  }
0xb0: {  	[dreg:$0x4] =	wrdreg $0x29E00  }
0xb1: {  	[dreg:$0x5] =	wrdreg $0x9  }
0xb2: {  	_ =	task.clear_ibuf [dreg:s7], $0x6FFFF;
	_ =	strace $0x90000046  }
0xb3: {  	s29 =	simm.s32 $0x9;
	_ =	strace $0x80000048  }
0xb4: {  	_ =	swait.ge [sflag:s29], $0x1  }
0xb5: {  	[sflag:s29] =	ssyncadd.s32 $0xFFFFFFFF  }
0xb6: {  	_ =	strace $0x90000048  }
0xb7: {  	_ =	sfence  }
0xb8: {  	s30 =	sld [smem:$0x0];
	_ =	sdelay $0x2  }
0xb9: {  	s31 =	sshll.u32 s1, $0xD;
	s1 =	sshrl.u32 s1, $0x2  }
0xba: {  	s3 =	sand.u32 $0x4000, s31;
	s1 =	sadd.s32 s1, s30  }
0xbb: {  	s0 =	sor.u32 s3, s0;
	s1 =	sshll.u32 s1, $0x11  }
0xbc: {  	s0 =	sor.u32 s1, s0  }
0xbd: {  	s0 =	sadd.s32 $0x8F2B, s0  }
0xbe: {  	[sflag:s0] =	ssyncadd.remote.s32 $0x1  }
0xbf: {  	_ =	sfence.sel $0xFFFF  }
0xc0: {  	[dreg:$0x0] =	wrdreg $0xFFFFFFFF;
	(pc) =	sbr.abs _section_cstart, $3  }
0xc1: {  	[dreg:$0x1] =	wrdreg $0xFFFFFFFF  }
0xc2: {  	_ =	task.clear_ibuf [dreg:s7], $0x2FFFF;
	_ =	strace $0x9FFFFFFF  }
0xc3: {  	(tm) =	ssettm $0x7FFFFFFF  }
tec
execute0_lowered:
.L_overlay_start_1:
0x0: {  	(tag) =	ssettag $0x1  }
0x1: {  	s5 =	rddreg [dreg:$0x0]  }
0x2: {  	s4 =	rddreg [dreg:$0x1]  }
0x3: {  	s2 =	rddreg [dreg:$0x2]  }
0x4: {  	s0 =	rddreg [dreg:$0x3]  }
0x5: {  	s6 =	srdreg.scid;
	s1 =	stileid.u32;
	s3 =	simm.s32 $0x0  }
0x6: {  	s11 =	simm.s32 $0x2710;
	s12 =	simm.s32 $0xA0;
	s13 =	simm.s32 $0xF0  }
0x7: {  	s14 =	simm.s32 $0x140;
	s15 =	simm.s32 $0x190;
	s16 =	simm.s32 $0x1E0  }
0x8: {  	s17 =	simm.s32 $0x230;
	s18 =	simm.s32 $0x1;
	s21 =	simm.s32 $0x0  }
0x9: {  	s6 =	sand.u32 $0x1, s6;
	s7 =	smul.u32 $0x280, s1;
	[smem:$0x7FF] =	sst s3  }
0xa: {  	s19 =	sshll.u32 s1, $0x6;
	s8 =	smul.u32 $0x2800, s6;
	s9 =	sshll.u32 s6, $0x4  }
0xb: {  	_ =	strace $0x80000047;
	s6 =	ssub.s32 $0x2, s6;
	s9 =	sor.u32 s1, s9  }
0xc: {  	s10 =	sshrl.u32 s6, $0x1;
	s8 =	sadd.s32 s7, s8;
	s9 =	smul.u32 $0x4E2, s9  }
0xd: {  	s19 =	sor.u32 $0x1C02, s19;
	s10 =	ssub.s32 s6, s10;
	s8 =	sshrl.u32 s8, $0x3  }
0xe: {  	s8 =	sadd.s32 s8, s4;
	s4 =	sadd.s32 s7, s2;
	s5 =	sadd.s32 s5, s9  }
0xf: {  	s7 =	smax.u32 s10, $0x1;
	s9 =	simm.s32 $0x2;
	s10 =	simm.s32 $0x50  }
0x10: {  	v0 =	vimm.f32 $0.0e+00;
	v1 =	vimm.f32 $1.000000000e+00;
	s6 =	sadd.s32 $0x2200, s8;
	s8 =	simm.s32 $0x2760;
	s20 =	sshrl.u32 s4, $0x3  }
.LBB2_1:
0x11: {  	[tilespmem:$0x2760] =	vst v0  }
0x12: {  	[tilespmem:$0x2770] =	vst v0  }
0x13: {  	[tilespmem:$0x2780] =	vst v0  }
0x14: {  	[tilespmem:$0x2790] =	vst v0  }
0x15: {  	[tilespmem:$0x27A0] =	vst v0  }
0x16: {  	[tilespmem:$0x27B0] =	vst v0  }
0x17: {  	[tilespmem:$0x27C0] =	vst v0  }
0x18: {  	[tilespmem:$0x27D0] =	vst v0  }
0x19: {  	[tilespmem:$0x27E0] =	vst v0  }
0x1a: {  	[tilespmem:$0x27F0] =	vst v0  }
0x1b: {  	[tilespmem:$0x2800] =	vst v0  }
0x1c: {  	[tilespmem:$0x2810] =	vst v0  }
0x1d: {  	[tilespmem:$0x2820] =	vst v0  }
0x1e: {  	[tilespmem:$0x2830] =	vst v0  }
0x1f: {  	[tilespmem:$0x2840] =	vst v0  }
0x20: {  	[tilespmem:$0x2850] =	vst v0  }
0x21: {  	[tilespmem:$0x2860] =	vst v0  }
0x22: {  	[tilespmem:$0x2870] =	vst v0  }
0x23: {  	[tilespmem:$0x2880] =	vst v0  }
0x24: {  	[tilespmem:$0x2890] =	vst v0  }
0x25: {  	[tilespmem:$0x28A0] =	vst v0  }
0x26: {  	[tilespmem:$0x28B0] =	vst v0  }
0x27: {  	[tilespmem:$0x28C0] =	vst v0  }
0x28: {  	[tilespmem:$0x28D0] =	vst v0  }
0x29: {  	[tilespmem:$0x28E0] =	vst v0  }
0x2a: {  	[tilespmem:$0x28F0] =	vst v0  }
0x2b: {  	[tilespmem:$0x2900] =	vst v0  }
0x2c: {  	[tilespmem:$0x2910] =	vst v0  }
0x2d: {  	[tilespmem:$0x2920] =	vst v0  }
0x2e: {  	[tilespmem:$0x2930] =	vst v0  }
0x2f: {  	[tilespmem:$0x2940] =	vst v0  }
0x30: {  	[tilespmem:$0x2950] =	vst v0  }
0x31: {  	[tilespmem:$0x2960] =	vst v0  }
0x32: {  	[tilespmem:$0x2970] =	vst v0  }
0x33: {  	[tilespmem:$0x2980] =	vst v0  }
0x34: {  	[tilespmem:$0x2990] =	vst v0  }
0x35: {  	[tilespmem:$0x29A0] =	vst v0  }
0x36: {  	[tilespmem:$0x29B0] =	vst v0  }
0x37: {  	[tilespmem:$0x29C0] =	vst v0  }
0x38: {  	[tilespmem:$0x29D0] =	vst v0  }
0x39: {  	[tilespmem:$0x2710] =	vst v1  }
0x3a: {  	[tilespmem:$0x2720] =	vst v1  }
0x3b: {  	[tilespmem:$0x2730] =	vst v1  }
0x3c: {  	[tilespmem:$0x2740] =	vst v1  }
0x3d: {  	[tilespmem:$0x2750] =	vst v1  }
0x3e: {  	[spmem:s4] =	stream.linear.scatter [tilespmem:s8], [sflag:$0x2], $0x280, $0x38;
	[tilespmem:$0x2C60] =	vst v63  }
0x3f: {  	_ =	swait.ge [sflag:s9], $0x280  }
0x40: {  	[sflag:s9] =	ssyncset.done $0x0  }
0x41: {  	[sflag:s9] =	ssyncadd.s32 $0xFFFFFD80  }
0x42: {  	[tilespmem:s3], [sflag:$0x2] =	stream.linear.gather [hbm4b:s5+s3], $0x2710, $0x38;
	[tilespmem:$0x2C60] =	vst v63  }
0x43: {  	_ =	swait.ge [sflag:s9], $0x2710  }
0x44: {  	[sflag:s9] =	ssyncset.done $0x0  }
0x45: {  	[sflag:s9] =	ssyncadd.s32 $0xFFFFD8F0  }
0x46: {  	[bflag:$0x0] =	sbarrier.arrive $0xFFFF  }
0x47: {  	[spmem:s2] =	stream.indirect.scatter.add.f32 [tilespmem:s11], [sflag:$0x1], $0x1, s3, s10, $0xb8;
	[tilespmem:$0x2C60] =	vst v63  }
0x48: {  	_ = 	snop  }
0x49: {  	[spmem:s2] =	stream.indirect.scatter.add.f32 [tilespmem:s11], [sflag:$0x1], $0x1, s10, s10, $0xb8;
	[tilespmem:$0x2C60] =	vst v63  }
0x4a: {  	_ = 	snop  }
0x4b: {  	[spmem:s2] =	stream.indirect.scatter.add.f32 [tilespmem:s11], [sflag:$0x1], $0x1, s12, s10, $0xb8;
	[tilespmem:$0x2C60] =	vst v63  }
0x4c: {  	_ = 	snop  }
0x4d: {  	[spmem:s2] =	stream.indirect.scatter.add.f32 [tilespmem:s11], [sflag:$0x1], $0x1, s13, s10, $0xb8;
	[tilespmem:$0x2C60] =	vst v63  }
0x4e: {  	_ = 	snop  }
0x4f: {  	[spmem:s2] =	stream.indirect.scatter.add.f32 [tilespmem:s11], [sflag:$0x1], $0x1, s14, s10, $0xb8;
	[tilespmem:$0x2C60] =	vst v63  }
0x50: {  	_ = 	snop  }
0x51: {  	[spmem:s2] =	stream.indirect.scatter.add.f32 [tilespmem:s11], [sflag:$0x1], $0x1, s15, s10, $0xb8;
	[tilespmem:$0x2C60] =	vst v63  }
0x52: {  	_ = 	snop  }
0x53: {  	[spmem:s2] =	stream.indirect.scatter.add.f32 [tilespmem:s11], [sflag:$0x1], $0x1, s16, s10, $0xb8;
	[tilespmem:$0x2C60] =	vst v63  }
0x54: {  	_ = 	snop  }
0x55: {  	[spmem:s2] =	stream.indirect.scatter.add.f32 [tilespmem:s11], [sflag:$0x1], $0x1, s17, s10, $0xb8;
	[tilespmem:$0x2C60] =	vst v63  }
0x56: {  	_ =	swait.ge [sflag:s18], $0x50  }
0x57: {  	[sflag:s18] =	ssyncset.done $0x0  }
0x58: {  	s22 =	simm.s32 $0xB40;
	s23 =	simm.s32 $0x280;
	[sflag:s18] =	ssyncadd.s32 $0xFFFFFFB0  }
.LBB2_2:
0x59: {  	[spmem:s2] =	stream.indirect.scatter.add.f32 [tilespmem:s11], [sflag:$0x1], $0x1, s23, s10, $0xb8;
	[tilespmem:$0x2C60] =	vst v63  }
0x5a: {  	s23 =	smov.u32 s22;
	p0 =	sne.s32 s22, $0x9B00  }
.Ltmp0:
0x5b: {  	s22 =	sadd.s32 $0x140, s22;
	(pc) =	sbr.rel @p0 .LBB2_2-.Ltmp0, $4  }
0x5c: {  	_ = 	snop  }
0x5d: {  	_ =	swait.ge [sflag:s18], $0x50  }
0x5e: {  	[sflag:s18] =	ssyncset.done $0x0  }
0x5f: {  	s23 =	sshra.s32 s23, $0x2;
	[sflag:s18] =	ssyncadd.s32 $0xFFFFFFB0  }
0x60: {  	[spmem:s2] =	stream.indirect.scatter.add.f32 [tilespmem:s11], [sflag:$0x1], $0x1, s23, s10, $0xb8;
	[tilespmem:$0x2C60] =	vst v63  }
0x61: {  	_ =	swait.ge [sflag:s18], $0x50  }
0x62: {  	[sflag:s18] =	ssyncset.done $0x0  }
0x63: {  	[sflag:s18] =	ssyncadd.s32 $0xFFFFFFB0  }
0x64: {  	_ =	swait.ge [sflag:s18], $0x50  }
0x65: {  	[sflag:s18] =	ssyncset.done $0x0  }
0x66: {  	[sflag:s18] =	ssyncadd.s32 $0xFFFFFFB0  }
0x67: {  	_ =	swait.ge [sflag:s18], $0x50  }
0x68: {  	[sflag:s18] =	ssyncset.done $0x0  }
0x69: {  	[sflag:s18] =	ssyncadd.s32 $0xFFFFFFB0  }
0x6a: {  	_ =	swait.ge [sflag:s18], $0x50  }
0x6b: {  	[sflag:s18] =	ssyncset.done $0x0  }
0x6c: {  	[sflag:s18] =	ssyncadd.s32 $0xFFFFFFB0  }
0x6d: {  	_ =	swait.ge [sflag:s18], $0x50  }
0x6e: {  	[sflag:s18] =	ssyncset.done $0x0  }
0x6f: {  	[sflag:s18] =	ssyncadd.s32 $0xFFFFFFB0  }
0x70: {  	_ =	swait.ge [sflag:s18], $0x50  }
0x71: {  	[sflag:s18] =	ssyncset.done $0x0  }
0x72: {  	[sflag:s18] =	ssyncadd.s32 $0xFFFFFFB0  }
0x73: {  	_ =	swait.ge [sflag:s18], $0x50  }
0x74: {  	[sflag:s18] =	ssyncset.done $0x0  }
0x75: {  	[sflag:s18] =	ssyncadd.s32 $0xFFFFFFB0  }
0x76: {  	_ =	swait.ge [sflag:s18], $0x50  }
0x77: {  	s21 =	sadd.s32 $0x1, s21;
	[sflag:s18] =	ssyncset.done $0x0  }
0x78: {  	p0 =	sne.s32 s21, s7;
	[sflag:s18] =	ssyncadd.s32 $0xFFFFFFB0  }
.Ltmp1:
0x79: {  	[bflag:$0x0] =	sbarrier.arrive $0xFFFF;
	(pc) =	sbr.rel @p0 .LBB2_1-.Ltmp1, $4  }
0x7a: {  	[hbm:s6], [sflag:s19] =	dma.local [spmem:s20], $0x50  }
0x7b: {  	_ =	swait.ge [sflag:s9], $0x50  }
0x7c: {  	[sflag:s9] =	ssyncset.done $0x0  }
0x7d: {  	[sflag:s9] =	ssyncadd.s32 $0xFFFFFFB0  }
0x7e: {  	_ =	sfence.sel $0x180000  }
0x7f: {  	[bflag:$0x0] =	sbarrier.arrive $0xFFFF  }
0x80: {  	p0 =	sne.s32 s1, $0x0;
	_ =	strace $0x90000047  }
0x81: {  	s0 =	sadd.s32 @!p0 $0x100000, s0;
	[bflag:$0x2] =	sbarrier.arrive $0xFFFF  }
0x82: {  	[sflag:s0] =	ssyncadd.tile.s32 @!p0 $0x1;
	_ =	shalt  }
.Lfunc_end2:
_tile_overlayer_lowered:
.L_overlay_start_2:
0x83: {  	(tag) =	ssettag $0x2  }
0x84: {  	s0 =	rddreg [dreg:$0x0];
	s2 =	stileid.u32  }
0x85: {  	s1 =	rddreg [dreg:$0x1];
	p0 =	sne.s32 s2, $0x0  }
0x86: {  	s3 =	rddreg [dreg:$0x2];
	[bflag:$0x3] =	sbarrier.arrive $0xFFFF;
	s2 =	simm.s32 @!p0 $0x1C02  }
0x87: {  	[timem:s3], [sflag:s2] =	dma.local @!p0 [hbm:s0], s1  }
0x88: {  	s0 =	simm.s32 @!p0 $0x2  }
0x89: {  	_ =	swait.ge @!p0 [sflag:s0], s1  }
0x8a: {  	s1 =	ssub.s32 @!p0 $0x0, s1;
	[sflag:s0] =	ssyncset.done @!p0 $0x0  }
0x8b: {  	[sflag:s0] =	ssyncadd.s32 @!p0 s1  }
0x8c: {  	[bflag:$0x3] =	sbarrier.arrive $0xFFFF  }
0x8d: {  	_ =	shalt  }

</sc_bundles>
